<compile_context>
chip_gen: v7x
topology: tpu7x:2x2x1
jax: 0.10.2.dev20260603
libtpu: 0.0.44.dev20260713+nightly
codegen_flags: <defaults>
</compile_context>

<pallas_src>
import functools

import jax
import jax.numpy as jnp
from jax import lax
from jax.experimental import pallas as pl
from jax.experimental.pallas import tpu as pltpu
from jax.experimental.pallas import tpu_sc as plsc

H = 64
HH = 32
HP = 128
SUBS = 16
SUB = 128
GPC = 8
CHUNK = SUB * GPC
HSUB = 4
HALF = SUB * HSUB



def _mm_body(x_ref, w_ref, b_ref, o_ref):
    o_ref[...] = jnp.dot(x_ref[...], w_ref[...],
                         preferred_element_type=jnp.float32) + b_ref[...]


def _tc_matmul(h, w, b, rb):
    n, kdim = h.shape
    m = w.shape[1]
    nb = n // rb
    return pl.pallas_call(
        _mm_body,
        grid=(nb,),
        in_specs=[pl.BlockSpec((rb, kdim), lambda i: (i, 0)),
                  pl.BlockSpec((kdim, m), lambda i: (0, 0)),
                  pl.BlockSpec((1, m), lambda i: (0, 0))],
        out_specs=pl.BlockSpec((rb, m), lambda i: (i, 0)),
        out_shape=jax.ShapeDtypeStruct((n, m), jnp.float32),
    )(h, w, b.reshape(1, m))


def _mm3_body(x_ref, w_ref, b_ref, o_ref):
    o_ref[...] = jnp.dot(x_ref[...], w_ref[0],
                         preferred_element_type=jnp.float32) + b_ref[0]


def _tc_neigh(h, w, b, rb):
    n = h.shape[0]
    nb = n // rb
    w2 = w.reshape(H, 2, HH).transpose(1, 0, 2)
    b2 = b.reshape(2, 1, HH)
    return pl.pallas_call(
        _mm3_body,
        grid=(2, nb),
        in_specs=[pl.BlockSpec((rb, H), lambda c, i: (i, 0)),
                  pl.BlockSpec((1, H, HH), lambda c, i: (c, 0, 0)),
                  pl.BlockSpec((1, 1, HH), lambda c, i: (c, 0, 0))],
        out_specs=pl.BlockSpec((rb, HH), lambda c, i: (c * nb + i, 0)),
        out_shape=jax.ShapeDtypeStruct((2 * n, HH), jnp.float32),
    )(h, w2, b2)


def _post_body(h_ref, hs_ref, alo_ref, ahi_ref, g_ref, b_ref, o_ref):
    v = hs_ref[...] + jnp.concatenate([alo_ref[...], ahi_ref[...]], axis=1)
    mu = jnp.mean(v, axis=-1, keepdims=True)
    var = jnp.mean((v - mu) ** 2, axis=-1, keepdims=True)
    y = (v - mu) * lax.rsqrt(var + 1e-5) * g_ref[...] + b_ref[...]
    y = jnp.where(y > 0, y, 0.2 * y)
    o_ref[...] = h_ref[...] + y


def _tc_post(h, hs, alo, ahi, g, b, rb):
    n = h.shape[0]
    nb = n // rb
    return pl.pallas_call(
        _post_body,
        grid=(nb,),
        in_specs=[pl.BlockSpec((rb, H), lambda i: (i, 0)),
                  pl.BlockSpec((rb, H), lambda i: (i, 0)),
                  pl.BlockSpec((rb, HH), lambda i: (i, 0)),
                  pl.BlockSpec((rb, HH), lambda i: (i, 0)),
                  pl.BlockSpec((1, H), lambda i: (0, 0)),
                  pl.BlockSpec((1, H), lambda i: (0, 0))],
        out_specs=pl.BlockSpec((rb, H), lambda i: (i, 0)),
        out_shape=jax.ShapeDtypeStruct((n, H), jnp.float32),
    )(h, hs, alo, ahi, g.reshape(1, H), b.reshape(1, H))



def _sc_agg(hn2, colc, rowc, ewc, negw2, n_nodes, nch):
    r0s = -(-(n_nodes + 1) // SUBS)
    r0s = -(-r0s // 8) * 8
    agg_rows = SUBS * r0s
    mesh = plsc.VectorSubcoreMesh(core_axis_name="c", subcore_axis_name="s")

    @functools.partial(
        pl.kernel, mesh=mesh,
        out_type=(jax.ShapeDtypeStruct((agg_rows, HH), jnp.float32),
                  jax.ShapeDtypeStruct((agg_rows, HH), jnp.float32)),
        compiler_params=pltpu.CompilerParams(use_tc_tiling_on_sc=False,
                                             needs_layout_passes=False),
        scratch_types=[
            pltpu.VMEM((HALF, HH), jnp.float32),
            pltpu.VMEM((CHUNK,), jnp.int32),
            pltpu.VMEM((CHUNK,), jnp.int32),
            pltpu.VMEM((CHUNK // 16, 16), jnp.float32),
            pltpu.VMEM((HP,), jnp.float32),
            pltpu.VMEM((16,), jnp.int32),
            pltpu.VMEM_SHARED((agg_rows, HH), jnp.float32),
            pltpu.SemaphoreType.DMA,
        ],
    )
    def k(hn_hbm, col_hbm, row_hbm, ew_hbm, nw_hbm, out0_hbm, out1_hbm,
          rows_v, col_v, row_v, ew_v, nw_v, idx_v, agg_sh, sem):
        c = lax.axis_index("c")
        s = lax.axis_index("s")
        zero16 = jnp.zeros((16,), jnp.float32)

        @pl.loop(0, HALF)
        def _(r):
            rows_v[r, pl.ds(0, 16)] = zero16
            rows_v[r, pl.ds(16, 16)] = zero16

        zb = pl.multiple_of(s * r0s, 8)
        nfull = r0s // HALF
        rem = r0s - nfull * HALF
        for kk in range(nfull):
            pltpu.sync_copy(rows_v, agg_sh.at[pl.ds(zb + kk * HALF, HALF), :])
        if rem:
            pltpu.sync_copy(rows_v.at[pl.ds(0, rem), :],
                            agg_sh.at[pl.ds(zb + nfull * HALF, rem), :])
        pltpu.sync_copy(nw_hbm.at[c], nw_v)
        plsc.subcore_barrier()

        @pl.loop(0, nch)
        def _(ch):
            sci = s * nch + ch
            pltpu.sync_copy(col_hbm.at[c, sci], col_v)
            pltpu.sync_copy(row_hbm.at[sci], row_v)
            pltpu.sync_copy(ew_hbm.at[sci], ew_v)
            for half in range(2):
                pltpu.async_copy(
                    hn_hbm.at[col_v.at[pl.ds(half * HALF, HALF)]],
                    rows_v, sem).wait()

                idx_v[...] = jnp.full((16,), half * HALF, jnp.int32)

                @pl.loop(0, HALF)
                def _(r):
                    idx16 = idx_v[...]
                    w16 = plsc.load_gather(
                        ew_v, [lax.shift_right_logical(idx16, 4),
                               lax.bitwise_and(idx16, 15)])
                    d0 = jnp.exp(nw_v[pl.ds(0, 16)] * w16) + 1.0
                    d1 = jnp.exp(nw_v[pl.ds(16, 16)] * w16) + 1.0
                    rows_v[r, pl.ds(0, 16)] = rows_v[r, pl.ds(0, 16)] / d0
                    rows_v[r, pl.ds(16, 16)] = rows_v[r, pl.ds(16, 16)] / d1
                    idx_v[...] = idx16 + 1

                pltpu.sync_copy(rows_v,
                                agg_sh.at[row_v.at[pl.ds(half * HALF, HALF)]],
                                add=True)

        plsc.subcore_barrier()

        @pl.when(c == 0)
        def _():
            pltpu.sync_copy(agg_sh.at[pl.ds(zb, r0s), :],
                            out0_hbm.at[pl.ds(zb, r0s), :])

        @pl.when(c == 1)
        def _():
            pltpu.sync_copy(agg_sh.at[pl.ds(zb, r0s), :],
                            out1_hbm.at[pl.ds(zb, r0s), :])

    return k(hn2, colc, rowc, ewc, negw2)



def kernel(x, edge_index, edge_weight, params):
    n = x.shape[0]
    e = edge_weight.shape[0]
    nlayers = sum(1 for kk in params if kk.startswith('W_self_'))

    e_pad = SUBS * CHUNK * (-(-e // (SUBS * CHUNK)))
    per_sub = e_pad // SUBS
    nch = per_sub // CHUNK
    pad = e_pad - e

    row = edge_index[0]
    col = edge_index[1]
    ns = e_pad // CHUNK
    rowc = jnp.pad(row, (0, pad), constant_values=n).reshape(ns, CHUNK)
    colf = jnp.pad(col, (0, pad))
    colc = jnp.stack([colf, colf + n]).reshape(2, ns, CHUNK)
    ewc = jnp.pad(edge_weight, (0, pad)).reshape(ns, CHUNK // 16, 16)

    rb = 2000
    h = _tc_matmul(x, params['W_in'], params['b_in'], rb)
    for i in range(nlayers):
        hn2 = _tc_neigh(h, params[f'W_neigh_{i}'], params[f'b_neigh_{i}'], rb)
        negw2 = jnp.pad((-params[f'w_edge_{i}']).reshape(2, HH),
                        ((0, 0), (0, HP - HH)))
        alo, ahi = _sc_agg(hn2, colc, rowc, ewc, negw2, n, nch)
        hs = _tc_matmul(h, params[f'W_self_{i}'], params[f'b_self_{i}'], rb)
        h = _tc_post(h, hs, alo, ahi, params[f'ln_g_{i}'], params[f'ln_b_{i}'], rb)
    return h

# --- scband reference (transcript-rebuilt; emitter-appended) ---
"""Pipeline reference for scband-spatial-gnnencoder-90537910599956 (READ-ONLY COPY).

The authoritative reference and input builder live on the scoring server;
editing this copy changes nothing except your own understanding.
"""

import jax, jax.numpy as jnp
import numpy as np

N = 50000
E = 800000
IN_DIM = 16
H = 64
L = 3


def setup_inputs(seed: int = 0) -> dict:
    key = jax.random.key(seed)
    ks = jax.random.split(key, 8 + 7 * L)
    x = jax.random.normal(ks[0], (N, IN_DIM), dtype=jnp.float32)
    edge_index = jax.random.randint(ks[1], (2, E), 0, N, dtype=jnp.int32)
    edge_weight = jax.random.uniform(ks[2], (E,), dtype=jnp.float32)
    params = {}
    params['W_in'] = jax.random.normal(ks[3], (IN_DIM, H), dtype=jnp.float32) * (1.0 / np.sqrt(IN_DIM))
    params['b_in'] = jnp.zeros((H,), dtype=jnp.float32)
    for i in range(L):
        base = 4 + 7 * i
        params[f'W_self_{i}'] = jax.random.normal(ks[base + 0], (H, H), dtype=jnp.float32) * (1.0 / np.sqrt(H))
        params[f'b_self_{i}'] = jnp.zeros((H,), dtype=jnp.float32)
        params[f'W_neigh_{i}'] = jax.random.normal(ks[base + 1], (H, H), dtype=jnp.float32) * (1.0 / np.sqrt(H))
        params[f'b_neigh_{i}'] = jnp.zeros((H,), dtype=jnp.float32)
        params[f'w_edge_{i}'] = jax.random.normal(ks[base + 2], (H,), dtype=jnp.float32)
        params[f'ln_g_{i}'] = jnp.ones((H,), dtype=jnp.float32)
        params[f'ln_b_{i}'] = jnp.zeros((H,), dtype=jnp.float32)
    return {'x': x, 'edge_index': edge_index, 'edge_weight': edge_weight, 'params': params}


def _layer_norm(v, g, b, eps=1e-5):
    mu = jnp.mean(v, axis=-1, keepdims=True)
    var = jnp.var(v, axis=-1, keepdims=True)
    return (v - mu) / jnp.sqrt(var + eps) * g + b


def reference(x, edge_index, edge_weight, params):
    h = x @ params['W_in'] + params['b_in']
    row = edge_index[0]
    col = edge_index[1]
    for i in range(L):
        h_self = h @ params[f'W_self_{i}'] + params[f'b_self_{i}']
        h_neigh = h @ params[f'W_neigh_{i}'] + params[f'b_neigh_{i}']
        edge_feat = edge_weight[:, None] * params[f'w_edge_{i}'][None, :]
        messages = h_neigh[col] * jax.nn.sigmoid(edge_feat)
        agg = jnp.zeros_like(h_self).at[row].add(messages)
        out = h_self + agg
        out = _layer_norm(out, params[f'ln_g_{i}'], params[f'ln_b_{i}'])
        out = jnp.where(out > 0, out, 0.2 * out)
        # dropout is identity in eval mode
        h = h + out
    return h

if __name__ == "__main__":
    import jax
    _d = setup_inputs()
    print(jax.jit(kernel)(*tuple(_d.values())))

</pallas_src>

<mosaic_0001>
#map = affine_map<(d0, d1) -> (0, 0)>
#map1 = affine_map<(d0, d1) -> (0, 0, 0)>
module attributes {stable_mosaic.version = 14 : i64} {
  func.func @k(%arg0: i32, %arg1: i32, %arg2: memref<100000x32xf32, #tpu.memory_space<hbm>>, %arg3: memref<2x784x1024xi32, #tpu.memory_space<hbm>>, %arg4: memref<784x1024xi32, #tpu.memory_space<hbm>>, %arg5: memref<784x64x16xf32, #tpu.memory_space<hbm>>, %arg6: memref<2x128xf32, #tpu.memory_space<hbm>>, %arg7: memref<50048x32xf32, #tpu.memory_space<hbm>>, %arg8: memref<50048x32xf32, #tpu.memory_space<hbm>>, %arg9: memref<512x32xf32, #tpu.memory_space<vmem>>, %arg10: memref<1024xi32, #tpu.memory_space<vmem>>, %arg11: memref<1024xi32, #tpu.memory_space<vmem>>, %arg12: memref<64x16xf32, #tpu.memory_space<vmem>>, %arg13: memref<128xf32, #tpu.memory_space<vmem>>, %arg14: memref<16xi32, #tpu.memory_space<vmem>>, %arg15: memref<50048x32xf32, #tpu.memory_space<vmem_shared>>, %arg16: memref<!tpu.dma_semaphore, #tpu.memory_space<semaphore_mem>>) attributes {dimension_semantics = [#tpu.dimension_semantics<core_parallel>, #tpu.dimension_semantics<subcore_parallel>], iteration_bounds = array<i64: 2, 16>, scalar_prefetch = 0 : i64, scratch_operands = 8 : i64, tpu.core_type = #tpu.core_type<sc_vector_subcore>, window_params = [{transform_indices = #map}, {transform_indices = #map1}, {transform_indices = #map}, {transform_indices = #map1}, {transform_indices = #map}, {transform_indices = #map}, {transform_indices = #map}]} {
    %broadcast_in_dim3A = arith.constant 0.000000e+00 : f32
    %broadcast_in_dim3A_0 = vector.broadcast %broadcast_in_dim3A : f32 to vector<16xf32>
    %scan3A = arith.constant 0 : i32
    %scan3A_1 = arith.constant 512 : i32
    %scan3A_2 = arith.addi %scan3A, %scan3A_1 : i32
    %scan3A_3 = arith.constant 1 : i32
    scf.for %scan3A_32 = %scan3A to %scan3A_2 step %scan3A_3  : i32 {
      %mul3A_33 = arith.constant 1 : i32
      %mul3A_34 = arith.muli %scan3A_32, %mul3A_33 : i32
      %add3A_35 = arith.constant 0 : i32
      %add3A_36 = arith.addi %add3A_35, %mul3A_34 : i32
      %swap3A = arith.index_cast %add3A_36 : i32 to index
      %swap3A_37 = arith.constant 0 : index
      %swap3A_38 = tpu.vector_load %arg9[%swap3A, %swap3A_37] {strides = array<i32>} : memref<512x32xf32, #tpu.memory_space<vmem>>, vector<16xf32>,
      tpu.vector_store %arg9[%swap3A, %swap3A_37], %broadcast_in_dim3A_0 {strides = array<i32>} : memref<512x32xf32, #tpu.memory_space<vmem>>, vector<16xf32>,
      %swap3A_39 = arith.index_cast %add3A_36 : i32 to index
      %swap3A_40 = arith.constant 16 : index
      %swap3A_41 = tpu.vector_load %arg9[%swap3A_39, %swap3A_40] {strides = array<i32>} : memref<512x32xf32, #tpu.memory_space<vmem>>, vector<16xf32>,
      tpu.vector_store %arg9[%swap3A_39, %swap3A_40], %broadcast_in_dim3A_0 {strides = array<i32>} : memref<512x32xf32, #tpu.memory_space<vmem>>, vector<16xf32>,
    }
    %scan3A_4 = arith.constant 512 : i32
    %mul3A = arith.constant 3128 : i32
    %mul3A_5 = arith.muli %arg1, %mul3A : i32
    %multiple_of3A = tpu.assume_multiple %mul3A_5, 8 : i32
    %add3A = arith.constant 0 : i32
    %add3A_6 = arith.addi %multiple_of3A, %add3A : i32
    "tpu.region"() ({
      %run_scoped3A = tpu.sem_alloc : memref<!tpu.dma_semaphore, #tpu.memory_space<semaphore_mem>>
      %dma_start3A = arith.constant 0 : i32
      %dma_start3A_32 = tpu.memref_slice %arg15[%add3A_6, %dma_start3A] : memref<50048x32xf32, #tpu.memory_space<vmem_shared>> -> memref<512x32xf32, #tpu.memory_space<vmem_shared>>
      %dma_start3A_33 = arith.constant 0 : i32
      %dma_start3A_34 = tpu.memref_slice %arg15[%add3A_6, %dma_start3A_33] : memref<50048x32xf32, #tpu.memory_space<vmem_shared>> -> memref<512x32xf32, #tpu.memory_space<vmem_shared>>
      tpu.enqueue_dma source(%arg9 : memref<512x32xf32, #tpu.memory_space<vmem>>) target(%dma_start3A_34 : memref<512x32xf32, #tpu.memory_space<vmem_shared>>) target_semaphore(%run_scoped3A : memref<!tpu.dma_semaphore, #tpu.memory_space<semaphore_mem>>)
      %dma_wait3A = arith.constant 0 : i32
      %dma_wait3A_35 = tpu.memref_slice %arg15[%add3A_6, %dma_wait3A] : memref<50048x32xf32, #tpu.memory_space<vmem_shared>> -> memref<512x32xf32, #tpu.memory_space<vmem_shared>>
      %dma_wait3A_36 = arith.constant 0 : i32
      %dma_wait3A_37 = tpu.memref_slice %arg15[%add3A_6, %dma_wait3A_36] : memref<50048x32xf32, #tpu.memory_space<vmem_shared>> -> memref<512x32xf32, #tpu.memory_space<vmem_shared>>
      tpu.wait_dma2 semaphore(%run_scoped3A : memref<!tpu.dma_semaphore, #tpu.memory_space<semaphore_mem>>) src(%arg9 : memref<512x32xf32, #tpu.memory_space<vmem>>) dst(%dma_wait3A_37 : memref<512x32xf32, #tpu.memory_space<vmem_shared>>)
      tpu.yield
    }) : () -> ()
    %add3A_7 = arith.constant 512 : i32
    %add3A_8 = arith.addi %multiple_of3A, %add3A_7 : i32
    "tpu.region"() ({
      %run_scoped3A = tpu.sem_alloc : memref<!tpu.dma_semaphore, #tpu.memory_space<semaphore_mem>>
      %dma_start3A = arith.constant 0 : i32
      %dma_start3A_32 = tpu.memref_slice %arg15[%add3A_8, %dma_start3A] : memref<50048x32xf32, #tpu.memory_space<vmem_shared>> -> memref<512x32xf32, #tpu.memory_space<vmem_shared>>
      %dma_start3A_33 = arith.constant 0 : i32
      %dma_start3A_34 = tpu.memref_slice %arg15[%add3A_8, %dma_start3A_33] : memref<50048x32xf32, #tpu.memory_space<vmem_shared>> -> memref<512x32xf32, #tpu.memory_space<vmem_shared>>
      tpu.enqueue_dma source(%arg9 : memref<512x32xf32, #tpu.memory_space<vmem>>) target(%dma_start3A_34 : memref<512x32xf32, #tpu.memory_space<vmem_shared>>) target_semaphore(%run_scoped3A : memref<!tpu.dma_semaphore, #tpu.memory_space<semaphore_mem>>)
      %dma_wait3A = arith.constant 0 : i32
      %dma_wait3A_35 = tpu.memref_slice %arg15[%add3A_8, %dma_wait3A] : memref<50048x32xf32, #tpu.memory_space<vmem_shared>> -> memref<512x32xf32, #tpu.memory_space<vmem_shared>>
      %dma_wait3A_36 = arith.constant 0 : i32
      %dma_wait3A_37 = tpu.memref_slice %arg15[%add3A_8, %dma_wait3A_36] : memref<50048x32xf32, #tpu.memory_space<vmem_shared>> -> memref<512x32xf32, #tpu.memory_space<vmem_shared>>
      tpu.wait_dma2 semaphore(%run_scoped3A : memref<!tpu.dma_semaphore, #tpu.memory_space<semaphore_mem>>) src(%arg9 : memref<512x32xf32, #tpu.memory_space<vmem>>) dst(%dma_wait3A_37 : memref<512x32xf32, #tpu.memory_space<vmem_shared>>)
      tpu.yield
    }) : () -> ()
    %add3A_9 = arith.constant 1024 : i32
    %add3A_10 = arith.addi %multiple_of3A, %add3A_9 : i32
    "tpu.region"() ({
      %run_scoped3A = tpu.sem_alloc : memref<!tpu.dma_semaphore, #tpu.memory_space<semaphore_mem>>
      %dma_start3A = arith.constant 0 : i32
      %dma_start3A_32 = tpu.memref_slice %arg15[%add3A_10, %dma_start3A] : memref<50048x32xf32, #tpu.memory_space<vmem_shared>> -> memref<512x32xf32, #tpu.memory_space<vmem_shared>>
      %dma_start3A_33 = arith.constant 0 : i32
      %dma_start3A_34 = tpu.memref_slice %arg15[%add3A_10, %dma_start3A_33] : memref<50048x32xf32, #tpu.memory_space<vmem_shared>> -> memref<512x32xf32, #tpu.memory_space<vmem_shared>>
      tpu.enqueue_dma source(%arg9 : memref<512x32xf32, #tpu.memory_space<vmem>>) target(%dma_start3A_34 : memref<512x32xf32, #tpu.memory_space<vmem_shared>>) target_semaphore(%run_scoped3A : memref<!tpu.dma_semaphore, #tpu.memory_space<semaphore_mem>>)
      %dma_wait3A = arith.constant 0 : i32
      %dma_wait3A_35 = tpu.memref_slice %arg15[%add3A_10, %dma_wait3A] : memref<50048x32xf32, #tpu.memory_space<vmem_shared>> -> memref<512x32xf32, #tpu.memory_space<vmem_shared>>
      %dma_wait3A_36 = arith.constant 0 : i32
      %dma_wait3A_37 = tpu.memref_slice %arg15[%add3A_10, %dma_wait3A_36] : memref<50048x32xf32, #tpu.memory_space<vmem_shared>> -> memref<512x32xf32, #tpu.memory_space<vmem_shared>>
      tpu.wait_dma2 semaphore(%run_scoped3A : memref<!tpu.dma_semaphore, #tpu.memory_space<semaphore_mem>>) src(%arg9 : memref<512x32xf32, #tpu.memory_space<vmem>>) dst(%dma_wait3A_37 : memref<512x32xf32, #tpu.memory_space<vmem_shared>>)
      tpu.yield
    }) : () -> ()
    %add3A_11 = arith.constant 1536 : i32
    %add3A_12 = arith.addi %multiple_of3A, %add3A_11 : i32
    "tpu.region"() ({
      %run_scoped3A = tpu.sem_alloc : memref<!tpu.dma_semaphore, #tpu.memory_space<semaphore_mem>>
      %dma_start3A = arith.constant 0 : i32
      %dma_start3A_32 = tpu.memref_slice %arg15[%add3A_12, %dma_start3A] : memref<50048x32xf32, #tpu.memory_space<vmem_shared>> -> memref<512x32xf32, #tpu.memory_space<vmem_shared>>
      %dma_start3A_33 = arith.constant 0 : i32
      %dma_start3A_34 = tpu.memref_slice %arg15[%add3A_12, %dma_start3A_33] : memref<50048x32xf32, #tpu.memory_space<vmem_shared>> -> memref<512x32xf32, #tpu.memory_space<vmem_shared>>
      tpu.enqueue_dma source(%arg9 : memref<512x32xf32, #tpu.memory_space<vmem>>) target(%dma_start3A_34 : memref<512x32xf32, #tpu.memory_space<vmem_shared>>) target_semaphore(%run_scoped3A : memref<!tpu.dma_semaphore, #tpu.memory_space<semaphore_mem>>)
      %dma_wait3A = arith.constant 0 : i32
      %dma_wait3A_35 = tpu.memref_slice %arg15[%add3A_12, %dma_wait3A] : memref<50048x32xf32, #tpu.memory_space<vmem_shared>> -> memref<512x32xf32, #tpu.memory_space<vmem_shared>>
      %dma_wait3A_36 = arith.constant 0 : i32
      %dma_wait3A_37 = tpu.memref_slice %arg15[%add3A_12, %dma_wait3A_36] : memref<50048x32xf32, #tpu.memory_space<vmem_shared>> -> memref<512x32xf32, #tpu.memory_space<vmem_shared>>
      tpu.wait_dma2 semaphore(%run_scoped3A : memref<!tpu.dma_semaphore, #tpu.memory_space<semaphore_mem>>) src(%arg9 : memref<512x32xf32, #tpu.memory_space<vmem>>) dst(%dma_wait3A_37 : memref<512x32xf32, #tpu.memory_space<vmem_shared>>)
      tpu.yield
    }) : () -> ()
    %add3A_13 = arith.constant 2048 : i32
    %add3A_14 = arith.addi %multiple_of3A, %add3A_13 : i32
    "tpu.region"() ({
      %run_scoped3A = tpu.sem_alloc : memref<!tpu.dma_semaphore, #tpu.memory_space<semaphore_mem>>
      %dma_start3A = arith.constant 0 : i32
      %dma_start3A_32 = tpu.memref_slice %arg15[%add3A_14, %dma_start3A] : memref<50048x32xf32, #tpu.memory_space<vmem_shared>> -> memref<512x32xf32, #tpu.memory_space<vmem_shared>>
      %dma_start3A_33 = arith.constant 0 : i32
      %dma_start3A_34 = tpu.memref_slice %arg15[%add3A_14, %dma_start3A_33] : memref<50048x32xf32, #tpu.memory_space<vmem_shared>> -> memref<512x32xf32, #tpu.memory_space<vmem_shared>>
      tpu.enqueue_dma source(%arg9 : memref<512x32xf32, #tpu.memory_space<vmem>>) target(%dma_start3A_34 : memref<512x32xf32, #tpu.memory_space<vmem_shared>>) target_semaphore(%run_scoped3A : memref<!tpu.dma_semaphore, #tpu.memory_space<semaphore_mem>>)
      %dma_wait3A = arith.constant 0 : i32
      %dma_wait3A_35 = tpu.memref_slice %arg15[%add3A_14, %dma_wait3A] : memref<50048x32xf32, #tpu.memory_space<vmem_shared>> -> memref<512x32xf32, #tpu.memory_space<vmem_shared>>
      %dma_wait3A_36 = arith.constant 0 : i32
      %dma_wait3A_37 = tpu.memref_slice %arg15[%add3A_14, %dma_wait3A_36] : memref<50048x32xf32, #tpu.memory_space<vmem_shared>> -> memref<512x32xf32, #tpu.memory_space<vmem_shared>>
      tpu.wait_dma2 semaphore(%run_scoped3A : memref<!tpu.dma_semaphore, #tpu.memory_space<semaphore_mem>>) src(%arg9 : memref<512x32xf32, #tpu.memory_space<vmem>>) dst(%dma_wait3A_37 : memref<512x32xf32, #tpu.memory_space<vmem_shared>>)
      tpu.yield
    }) : () -> ()
    %add3A_15 = arith.constant 2560 : i32
    %add3A_16 = arith.addi %multiple_of3A, %add3A_15 : i32
    "tpu.region"() ({
      %run_scoped3A = tpu.sem_alloc : memref<!tpu.dma_semaphore, #tpu.memory_space<semaphore_mem>>
      %dma_start3A = arith.constant 0 : i32
      %dma_start3A_32 = tpu.memref_slice %arg15[%add3A_16, %dma_start3A] : memref<50048x32xf32, #tpu.memory_space<vmem_shared>> -> memref<512x32xf32, #tpu.memory_space<vmem_shared>>
      %dma_start3A_33 = arith.constant 0 : i32
      %dma_start3A_34 = tpu.memref_slice %arg15[%add3A_16, %dma_start3A_33] : memref<50048x32xf32, #tpu.memory_space<vmem_shared>> -> memref<512x32xf32, #tpu.memory_space<vmem_shared>>
      tpu.enqueue_dma source(%arg9 : memref<512x32xf32, #tpu.memory_space<vmem>>) target(%dma_start3A_34 : memref<512x32xf32, #tpu.memory_space<vmem_shared>>) target_semaphore(%run_scoped3A : memref<!tpu.dma_semaphore, #tpu.memory_space<semaphore_mem>>)
      %dma_wait3A = arith.constant 0 : i32
      %dma_wait3A_35 = tpu.memref_slice %arg15[%add3A_16, %dma_wait3A] : memref<50048x32xf32, #tpu.memory_space<vmem_shared>> -> memref<512x32xf32, #tpu.memory_space<vmem_shared>>
      %dma_wait3A_36 = arith.constant 0 : i32
      %dma_wait3A_37 = tpu.memref_slice %arg15[%add3A_16, %dma_wait3A_36] : memref<50048x32xf32, #tpu.memory_space<vmem_shared>> -> memref<512x32xf32, #tpu.memory_space<vmem_shared>>
      tpu.wait_dma2 semaphore(%run_scoped3A : memref<!tpu.dma_semaphore, #tpu.memory_space<semaphore_mem>>) src(%arg9 : memref<512x32xf32, #tpu.memory_space<vmem>>) dst(%dma_wait3A_37 : memref<512x32xf32, #tpu.memory_space<vmem_shared>>)
      tpu.yield
    }) : () -> ()
    %add3A_17 = arith.constant 3072 : i32
    %add3A_18 = arith.addi %multiple_of3A, %add3A_17 : i32
    "tpu.region"() ({
      %run_scoped3A = tpu.sem_alloc : memref<!tpu.dma_semaphore, #tpu.memory_space<semaphore_mem>>
      %dma_start3A = arith.constant 0 : i32
      %dma_start3A_32 = arith.constant 0 : i32
      %dma_start3A_33 = tpu.memref_slice %arg9[%dma_start3A, %dma_start3A_32] : memref<512x32xf32, #tpu.memory_space<vmem>> -> memref<56x32xf32, #tpu.memory_space<vmem>>
      %dma_start3A_34 = arith.constant 0 : i32
      %dma_start3A_35 = tpu.memref_slice %arg15[%add3A_18, %dma_start3A_34] : memref<50048x32xf32, #tpu.memory_space<vmem_shared>> -> memref<56x32xf32, #tpu.memory_space<vmem_shared>>
      %dma_start3A_36 = arith.constant 0 : i32
      %dma_start3A_37 = tpu.memref_slice %arg15[%add3A_18, %dma_start3A_36] : memref<50048x32xf32, #tpu.memory_space<vmem_shared>> -> memref<56x32xf32, #tpu.memory_space<vmem_shared>>
      %dma_start3A_38 = arith.constant 0 : i32
      %dma_start3A_39 = arith.constant 0 : i32
      %dma_start3A_40 = tpu.memref_slice %arg9[%dma_start3A_38, %dma_start3A_39] : memref<512x32xf32, #tpu.memory_space<vmem>> -> memref<56x32xf32, #tpu.memory_space<vmem>>
      tpu.enqueue_dma source(%dma_start3A_40 : memref<56x32xf32, #tpu.memory_space<vmem>>) target(%dma_start3A_37 : memref<56x32xf32, #tpu.memory_space<vmem_shared>>) target_semaphore(%run_scoped3A : memref<!tpu.dma_semaphore, #tpu.memory_space<semaphore_mem>>)
      %dma_wait3A = arith.constant 0 : i32
      %dma_wait3A_41 = arith.constant 0 : i32
      %dma_wait3A_42 = tpu.memref_slice %arg9[%dma_wait3A, %dma_wait3A_41] : memref<512x32xf32, #tpu.memory_space<vmem>> -> memref<56x32xf32, #tpu.memory_space<vmem>>
      %dma_wait3A_43 = arith.constant 0 : i32
      %dma_wait3A_44 = tpu.memref_slice %arg15[%add3A_18, %dma_wait3A_43] : memref<50048x32xf32, #tpu.memory_space<vmem_shared>> -> memref<56x32xf32, #tpu.memory_space<vmem_shared>>
      %dma_wait3A_45 = arith.constant 0 : i32
      %dma_wait3A_46 = tpu.memref_slice %arg15[%add3A_18, %dma_wait3A_45] : memref<50048x32xf32, #tpu.memory_space<vmem_shared>> -> memref<56x32xf32, #tpu.memory_space<vmem_shared>>
      %dma_wait3A_47 = arith.constant 0 : i32
      %dma_wait3A_48 = arith.constant 0 : i32
      %dma_wait3A_49 = tpu.memref_slice %arg9[%dma_wait3A_47, %dma_wait3A_48] : memref<512x32xf32, #tpu.memory_space<vmem>> -> memref<56x32xf32, #tpu.memory_space<vmem>>
      tpu.wait_dma2 semaphore(%run_scoped3A : memref<!tpu.dma_semaphore, #tpu.memory_space<semaphore_mem>>) src(%dma_wait3A_49 : memref<56x32xf32, #tpu.memory_space<vmem>>) dst(%dma_wait3A_46 : memref<56x32xf32, #tpu.memory_space<vmem_shared>>)
      tpu.yield
    }) : () -> ()
    "tpu.region"() ({
      %run_scoped3A = tpu.sem_alloc : memref<!tpu.dma_semaphore, #tpu.memory_space<semaphore_mem>>
      %dma_start3A = arith.constant 0 : i32
      %dma_start3A_32 = tpu.memref_slice %arg6[%arg0, %dma_start3A] : memref<2x128xf32, #tpu.memory_space<hbm>> -> memref<1x128xf32, #tpu.memory_space<hbm>>
      %dma_start3A_33 = tpu.memref_squeeze %dma_start3A_32 : memref<1x128xf32, #tpu.memory_space<hbm>> -> memref<128xf32, #tpu.memory_space<hbm>>
      %dma_start3A_34 = arith.constant 0 : i32
      %dma_start3A_35 = tpu.memref_slice %arg6[%arg0, %dma_start3A_34] : memref<2x128xf32, #tpu.memory_space<hbm>> -> memref<1x128xf32, #tpu.memory_space<hbm>>
      %dma_start3A_36 = tpu.memref_squeeze %dma_start3A_35 : memref<1x128xf32, #tpu.memory_space<hbm>> -> memref<128xf32, #tpu.memory_space<hbm>>
      tpu.enqueue_dma source(%dma_start3A_36 : memref<128xf32, #tpu.memory_space<hbm>>) target(%arg13 : memref<128xf32, #tpu.memory_space<vmem>>) target_semaphore(%run_scoped3A : memref<!tpu.dma_semaphore, #tpu.memory_space<semaphore_mem>>)
      %dma_wait3A = arith.constant 0 : i32
      %dma_wait3A_37 = tpu.memref_slice %arg6[%arg0, %dma_wait3A] : memref<2x128xf32, #tpu.memory_space<hbm>> -> memref<1x128xf32, #tpu.memory_space<hbm>>
      %dma_wait3A_38 = tpu.memref_squeeze %dma_wait3A_37 : memref<1x128xf32, #tpu.memory_space<hbm>> -> memref<128xf32, #tpu.memory_space<hbm>>
      %dma_wait3A_39 = arith.constant 0 : i32
      %dma_wait3A_40 = tpu.memref_slice %arg6[%arg0, %dma_wait3A_39] : memref<2x128xf32, #tpu.memory_space<hbm>> -> memref<1x128xf32, #tpu.memory_space<hbm>>
      %dma_wait3A_41 = tpu.memref_squeeze %dma_wait3A_40 : memref<1x128xf32, #tpu.memory_space<hbm>> -> memref<128xf32, #tpu.memory_space<hbm>>
      tpu.wait_dma2 semaphore(%run_scoped3A : memref<!tpu.dma_semaphore, #tpu.memory_space<semaphore_mem>>) src(%dma_wait3A_41 : memref<128xf32, #tpu.memory_space<hbm>>) dst(%arg13 : memref<128xf32, #tpu.memory_space<vmem>>)
      tpu.yield
    }) : () -> ()
    %barrier3A = arith.constant 0 : index
    tpu.barrier barrier_id(%barrier3A)
    %scan3A_19 = arith.constant 0 : i32
    %scan3A_20 = arith.constant 49 : i32
    %scan3A_21 = arith.addi %scan3A_19, %scan3A_20 : i32
    %scan3A_22 = arith.constant 1 : i32
    scf.for %scan3A_32 = %scan3A_19 to %scan3A_21 step %scan3A_22  : i32 {
      %mul3A_33 = arith.constant 1 : i32
      %mul3A_34 = arith.muli %scan3A_32, %mul3A_33 : i32
      %add3A_35 = arith.constant 0 : i32
      %add3A_36 = arith.addi %add3A_35, %mul3A_34 : i32
      %mul3A_37 = arith.constant 49 : i32
      %mul3A_38 = arith.muli %arg1, %mul3A_37 : i32
      %add3A_39 = arith.addi %mul3A_38, %add3A_36 : i32
      "tpu.region"() ({
        %run_scoped3A = tpu.sem_alloc : memref<!tpu.dma_semaphore, #tpu.memory_space<semaphore_mem>>
        %dma_start3A_75 = arith.constant 0 : i32
        %dma_start3A_76 = tpu.memref_slice %arg3[%arg0, %add3A_39, %dma_start3A_75] : memref<2x784x1024xi32, #tpu.memory_space<hbm>> -> memref<1x1x1024xi32, #tpu.memory_space<hbm>>
        %dma_start3A_77 = tpu.memref_squeeze %dma_start3A_76 : memref<1x1x1024xi32, #tpu.memory_space<hbm>> -> memref<1024xi32, #tpu.memory_space<hbm>>
        %dma_start3A_78 = arith.constant 0 : i32
        %dma_start3A_79 = tpu.memref_slice %arg3[%arg0, %add3A_39, %dma_start3A_78] : memref<2x784x1024xi32, #tpu.memory_space<hbm>> -> memref<1x1x1024xi32, #tpu.memory_space<hbm>>
        %dma_start3A_80 = tpu.memref_squeeze %dma_start3A_79 : memref<1x1x1024xi32, #tpu.memory_space<hbm>> -> memref<1024xi32, #tpu.memory_space<hbm>>
        tpu.enqueue_dma source(%dma_start3A_80 : memref<1024xi32, #tpu.memory_space<hbm>>) target(%arg10 : memref<1024xi32, #tpu.memory_space<vmem>>) target_semaphore(%run_scoped3A : memref<!tpu.dma_semaphore, #tpu.memory_space<semaphore_mem>>)
        %dma_wait3A_81 = arith.constant 0 : i32
        %dma_wait3A_82 = tpu.memref_slice %arg3[%arg0, %add3A_39, %dma_wait3A_81] : memref<2x784x1024xi32, #tpu.memory_space<hbm>> -> memref<1x1x1024xi32, #tpu.memory_space<hbm>>
        %dma_wait3A_83 = tpu.memref_squeeze %dma_wait3A_82 : memref<1x1x1024xi32, #tpu.memory_space<hbm>> -> memref<1024xi32, #tpu.memory_space<hbm>>
        %dma_wait3A_84 = arith.constant 0 : i32
        %dma_wait3A_85 = tpu.memref_slice %arg3[%arg0, %add3A_39, %dma_wait3A_84] : memref<2x784x1024xi32, #tpu.memory_space<hbm>> -> memref<1x1x1024xi32, #tpu.memory_space<hbm>>
        %dma_wait3A_86 = tpu.memref_squeeze %dma_wait3A_85 : memref<1x1x1024xi32, #tpu.memory_space<hbm>> -> memref<1024xi32, #tpu.memory_space<hbm>>
        tpu.wait_dma2 semaphore(%run_scoped3A : memref<!tpu.dma_semaphore, #tpu.memory_space<semaphore_mem>>) src(%dma_wait3A_86 : memref<1024xi32, #tpu.memory_space<hbm>>) dst(%arg10 : memref<1024xi32, #tpu.memory_space<vmem>>)
        tpu.yield
      }) : () -> ()
      "tpu.region"() ({
        %run_scoped3A = tpu.sem_alloc : memref<!tpu.dma_semaphore, #tpu.memory_space<semaphore_mem>>
        %dma_start3A_75 = arith.constant 0 : i32
        %dma_start3A_76 = tpu.memref_slice %arg4[%add3A_39, %dma_start3A_75] : memref<784x1024xi32, #tpu.memory_space<hbm>> -> memref<1x1024xi32, #tpu.memory_space<hbm>>
        %dma_start3A_77 = tpu.memref_squeeze %dma_start3A_76 : memref<1x1024xi32, #tpu.memory_space<hbm>> -> memref<1024xi32, #tpu.memory_space<hbm>>
        %dma_start3A_78 = arith.constant 0 : i32
        %dma_start3A_79 = tpu.memref_slice %arg4[%add3A_39, %dma_start3A_78] : memref<784x1024xi32, #tpu.memory_space<hbm>> -> memref<1x1024xi32, #tpu.memory_space<hbm>>
        %dma_start3A_80 = tpu.memref_squeeze %dma_start3A_79 : memref<1x1024xi32, #tpu.memory_space<hbm>> -> memref<1024xi32, #tpu.memory_space<hbm>>
        tpu.enqueue_dma source(%dma_start3A_80 : memref<1024xi32, #tpu.memory_space<hbm>>) target(%arg11 : memref<1024xi32, #tpu.memory_space<vmem>>) target_semaphore(%run_scoped3A : memref<!tpu.dma_semaphore, #tpu.memory_space<semaphore_mem>>)
        %dma_wait3A_81 = arith.constant 0 : i32
        %dma_wait3A_82 = tpu.memref_slice %arg4[%add3A_39, %dma_wait3A_81] : memref<784x1024xi32, #tpu.memory_space<hbm>> -> memref<1x1024xi32, #tpu.memory_space<hbm>>
        %dma_wait3A_83 = tpu.memref_squeeze %dma_wait3A_82 : memref<1x1024xi32, #tpu.memory_space<hbm>> -> memref<1024xi32, #tpu.memory_space<hbm>>
        %dma_wait3A_84 = arith.constant 0 : i32
        %dma_wait3A_85 = tpu.memref_slice %arg4[%add3A_39, %dma_wait3A_84] : memref<784x1024xi32, #tpu.memory_space<hbm>> -> memref<1x1024xi32, #tpu.memory_space<hbm>>
        %dma_wait3A_86 = tpu.memref_squeeze %dma_wait3A_85 : memref<1x1024xi32, #tpu.memory_space<hbm>> -> memref<1024xi32, #tpu.memory_space<hbm>>
        tpu.wait_dma2 semaphore(%run_scoped3A : memref<!tpu.dma_semaphore, #tpu.memory_space<semaphore_mem>>) src(%dma_wait3A_86 : memref<1024xi32, #tpu.memory_space<hbm>>) dst(%arg11 : memref<1024xi32, #tpu.memory_space<vmem>>)
        tpu.yield
      }) : () -> ()
      "tpu.region"() ({
        %run_scoped3A = tpu.sem_alloc : memref<!tpu.dma_semaphore, #tpu.memory_space<semaphore_mem>>
        %dma_start3A_75 = arith.constant 0 : i32
        %dma_start3A_76 = arith.constant 0 : i32
        %dma_start3A_77 = tpu.memref_slice %arg5[%add3A_39, %dma_start3A_75, %dma_start3A_76] : memref<784x64x16xf32, #tpu.memory_space<hbm>> -> memref<1x64x16xf32, #tpu.memory_space<hbm>>
        %dma_start3A_78 = tpu.memref_squeeze %dma_start3A_77 : memref<1x64x16xf32, #tpu.memory_space<hbm>> -> memref<64x16xf32, #tpu.memory_space<hbm>>
        %dma_start3A_79 = arith.constant 0 : i32
        %dma_start3A_80 = arith.constant 0 : i32
        %dma_start3A_81 = tpu.memref_slice %arg5[%add3A_39, %dma_start3A_79, %dma_start3A_80] : memref<784x64x16xf32, #tpu.memory_space<hbm>> -> memref<1x64x16xf32, #tpu.memory_space<hbm>>
        %dma_start3A_82 = tpu.memref_squeeze %dma_start3A_81 : memref<1x64x16xf32, #tpu.memory_space<hbm>> -> memref<64x16xf32, #tpu.memory_space<hbm>>
        tpu.enqueue_dma source(%dma_start3A_82 : memref<64x16xf32, #tpu.memory_space<hbm>>) target(%arg12 : memref<64x16xf32, #tpu.memory_space<vmem>>) target_semaphore(%run_scoped3A : memref<!tpu.dma_semaphore, #tpu.memory_space<semaphore_mem>>)
        %dma_wait3A_83 = arith.constant 0 : i32
        %dma_wait3A_84 = arith.constant 0 : i32
        %dma_wait3A_85 = tpu.memref_slice %arg5[%add3A_39, %dma_wait3A_83, %dma_wait3A_84] : memref<784x64x16xf32, #tpu.memory_space<hbm>> -> memref<1x64x16xf32, #tpu.memory_space<hbm>>
        %dma_wait3A_86 = tpu.memref_squeeze %dma_wait3A_85 : memref<1x64x16xf32, #tpu.memory_space<hbm>> -> memref<64x16xf32, #tpu.memory_space<hbm>>
        %dma_wait3A_87 = arith.constant 0 : i32
        %dma_wait3A_88 = arith.constant 0 : i32
        %dma_wait3A_89 = tpu.memref_slice %arg5[%add3A_39, %dma_wait3A_87, %dma_wait3A_88] : memref<784x64x16xf32, #tpu.memory_space<hbm>> -> memref<1x64x16xf32, #tpu.memory_space<hbm>>
        %dma_wait3A_90 = tpu.memref_squeeze %dma_wait3A_89 : memref<1x64x16xf32, #tpu.memory_space<hbm>> -> memref<64x16xf32, #tpu.memory_space<hbm>>
        tpu.wait_dma2 semaphore(%run_scoped3A : memref<!tpu.dma_semaphore, #tpu.memory_space<semaphore_mem>>) src(%dma_wait3A_90 : memref<64x16xf32, #tpu.memory_space<hbm>>) dst(%arg12 : memref<64x16xf32, #tpu.memory_space<vmem>>)
        tpu.yield
      }) : () -> ()
      %dma_start3A = arith.constant 0 : i32
      %dma_start3A_40 = tpu.memref_slice %arg10[%dma_start3A] : memref<1024xi32, #tpu.memory_space<vmem>> -> memref<512xi32, #tpu.memory_space<vmem>>
      %dma_start3A_41 = arith.constant 0 : i32
      %dma_start3A_42 = arith.constant 0 : i32
      %dma_start3A_43 = tpu.memref_slice %arg2[%dma_start3A_41, %dma_start3A_42] : memref<100000x32xf32, #tpu.memory_space<hbm>> -> memref<100000x32xf32, #tpu.memory_space<hbm>>
      tpu.enqueue_indirect_dma source(%dma_start3A_43 : memref<100000x32xf32, #tpu.memory_space<hbm>>) target(%arg9 : memref<512x32xf32, #tpu.memory_space<vmem>>) offsets(%dma_start3A_40 : memref<512xi32, #tpu.memory_space<vmem>>) semaphore(%arg16 : memref<!tpu.dma_semaphore, #tpu.memory_space<semaphore_mem>>)
      %dma_wait3A = arith.constant 0 : i32
      %dma_wait3A_44 = tpu.memref_slice %arg10[%dma_wait3A] : memref<1024xi32, #tpu.memory_space<vmem>> -> memref<512xi32, #tpu.memory_space<vmem>>
      %dma_wait3A_45 = arith.constant 0 : i32
      %dma_wait3A_46 = arith.constant 0 : i32
      %dma_wait3A_47 = tpu.memref_slice %arg2[%dma_wait3A_45, %dma_wait3A_46] : memref<100000x32xf32, #tpu.memory_space<hbm>> -> memref<100000x32xf32, #tpu.memory_space<hbm>>
      tpu.wait_indirect_dma semaphore(%arg16 : memref<!tpu.dma_semaphore, #tpu.memory_space<semaphore_mem>>) src(%dma_wait3A_47 : memref<100000x32xf32, #tpu.memory_space<hbm>>) dst(%arg9 : memref<512x32xf32, #tpu.memory_space<vmem>>)
      %broadcast_in_dim3A_48 = arith.constant 0 : i32
      %broadcast_in_dim3A_49 = vector.broadcast %broadcast_in_dim3A_48 : i32 to vector<16xi32>
      %swap3A = arith.constant 0 : index
      %swap3A_50 = tpu.vector_load %arg14[%swap3A] {strides = array<i32>} : memref<16xi32, #tpu.memory_space<vmem>>, vector<16xi32>,
      tpu.vector_store %arg14[%swap3A], %broadcast_in_dim3A_49 {strides = array<i32>} : memref<16xi32, #tpu.memory_space<vmem>>, vector<16xi32>,
      %scan3A_51 = arith.constant 0 : i32
      %scan3A_52 = arith.constant 512 : i32
      %scan3A_53 = arith.addi %scan3A_51, %scan3A_52 : i32
      %scan3A_54 = arith.constant 1 : i32
      scf.for %scan3A_75 = %scan3A_51 to %scan3A_53 step %scan3A_54  : i32 {
        %mul3A_76 = arith.constant 1 : i32
        %mul3A_77 = arith.muli %scan3A_75, %mul3A_76 : i32
        %add3A_78 = arith.constant 0 : i32
        %add3A_79 = arith.addi %add3A_78, %mul3A_77 : i32
        %get3A = arith.constant 0 : index
        %get3A_80 = tpu.vector_load %arg14[%get3A] {strides = array<i32>} : memref<16xi32, #tpu.memory_space<vmem>>, vector<16xi32>,
        %shift_right_logical3A = arith.constant 4 : i32
        %shift_right_logical3A_81 = vector.broadcast %shift_right_logical3A : i32 to vector<16xi32>
        %shift_right_logical3A_82 = arith.shrui %get3A_80, %shift_right_logical3A_81 : vector<16xi32>
        %and3A = arith.constant 15 : i32
        %and3A_83 = vector.broadcast %and3A : i32 to vector<16xi32>
        %and3A_84 = arith.andi %get3A_80, %and3A_83 : vector<16xi32>
        %gather3A = tpu.vector_load_idx %arg12[%shift_right_logical3A_82, %and3A_84] : memref<64x16xf32, #tpu.memory_space<vmem>>[vector<16xi32>, vector<16xi32>], vector<16xf32>,
        %get3A_85 = arith.constant 0 : index
        %get3A_86 = tpu.vector_load %arg13[%get3A_85] {strides = array<i32>} : memref<128xf32, #tpu.memory_space<vmem>>, vector<16xf32>,
        %mul3A_87 = arith.mulf %get3A_86, %gather3A : vector<16xf32>
        %exp3A = math.exp %mul3A_87 : vector<16xf32>
        %add3A_88 = arith.constant 1.000000e+00 : f32
        %add3A_89 = vector.broadcast %add3A_88 : f32 to vector<16xf32>
        %add3A_90 = arith.addf %exp3A, %add3A_89 : vector<16xf32>
        %get3A_91 = arith.constant 16 : index
        %get3A_92 = tpu.vector_load %arg13[%get3A_91] {strides = array<i32>} : memref<128xf32, #tpu.memory_space<vmem>>, vector<16xf32>,
        %mul3A_93 = arith.mulf %get3A_92, %gather3A : vector<16xf32>
        %exp3A_94 = math.exp %mul3A_93 : vector<16xf32>
        %add3A_95 = arith.constant 1.000000e+00 : f32
        %add3A_96 = vector.broadcast %add3A_95 : f32 to vector<16xf32>
        %add3A_97 = arith.addf %exp3A_94, %add3A_96 : vector<16xf32>
        %get3A_98 = arith.index_cast %add3A_79 : i32 to index
        %get3A_99 = arith.constant 0 : index
        %get3A_100 = tpu.vector_load %arg9[%get3A_98, %get3A_99] {strides = array<i32>} : memref<512x32xf32, #tpu.memory_space<vmem>>, vector<16xf32>,
        %div3A = arith.divf %get3A_100, %add3A_90 : vector<16xf32>
        %swap3A_101 = arith.index_cast %add3A_79 : i32 to index
        %swap3A_102 = arith.constant 0 : index
        %swap3A_103 = tpu.vector_load %arg9[%swap3A_101, %swap3A_102] {strides = array<i32>} : memref<512x32xf32, #tpu.memory_space<vmem>>, vector<16xf32>,
        tpu.vector_store %arg9[%swap3A_101, %swap3A_102], %div3A {strides = array<i32>} : memref<512x32xf32, #tpu.memory_space<vmem>>, vector<16xf32>,
        %get3A_104 = arith.index_cast %add3A_79 : i32 to index
        %get3A_105 = arith.constant 16 : index
        %get3A_106 = tpu.vector_load %arg9[%get3A_104, %get3A_105] {strides = array<i32>} : memref<512x32xf32, #tpu.memory_space<vmem>>, vector<16xf32>,
        %div3A_107 = arith.divf %get3A_106, %add3A_97 : vector<16xf32>
        %swap3A_108 = arith.index_cast %add3A_79 : i32 to index
        %swap3A_109 = arith.constant 16 : index
        %swap3A_110 = tpu.vector_load %arg9[%swap3A_108, %swap3A_109] {strides = array<i32>} : memref<512x32xf32, #tpu.memory_space<vmem>>, vector<16xf32>,
        tpu.vector_store %arg9[%swap3A_108, %swap3A_109], %div3A_107 {strides = array<i32>} : memref<512x32xf32, #tpu.memory_space<vmem>>, vector<16xf32>,
        %add3A_111 = arith.constant 1 : i32
        %add3A_112 = vector.broadcast %add3A_111 : i32 to vector<16xi32>
        %add3A_113 = arith.addi %get3A_80, %add3A_112 : vector<16xi32>
        %swap3A_114 = arith.constant 0 : index
        %swap3A_115 = tpu.vector_load %arg14[%swap3A_114] {strides = array<i32>} : memref<16xi32, #tpu.memory_space<vmem>>, vector<16xi32>,
        tpu.vector_store %arg14[%swap3A_114], %add3A_113 {strides = array<i32>} : memref<16xi32, #tpu.memory_space<vmem>>, vector<16xi32>,
      }
      %scan3A_55 = arith.constant 512 : i32
      "tpu.region"() ({
        %run_scoped3A = tpu.sem_alloc : memref<!tpu.dma_semaphore, #tpu.memory_space<semaphore_mem>>
        %dma_start3A_75 = arith.constant 0 : i32
        %dma_start3A_76 = tpu.memref_slice %arg11[%dma_start3A_75] : memref<1024xi32, #tpu.memory_space<vmem>> -> memref<512xi32, #tpu.memory_space<vmem>>
        %dma_start3A_77 = arith.constant 0 : i32
        %dma_start3A_78 = arith.constant 0 : i32
        %dma_start3A_79 = tpu.memref_slice %arg15[%dma_start3A_77, %dma_start3A_78] : memref<50048x32xf32, #tpu.memory_space<vmem_shared>> -> memref<50048x32xf32, #tpu.memory_space<vmem_shared>>
        tpu.enqueue_indirect_dma source(%arg9 : memref<512x32xf32, #tpu.memory_space<vmem>>) target(%dma_start3A_79 : memref<50048x32xf32, #tpu.memory_space<vmem_shared>>) offsets(%dma_start3A_76 : memref<512xi32, #tpu.memory_space<vmem>>) semaphore(%run_scoped3A : memref<!tpu.dma_semaphore, #tpu.memory_space<semaphore_mem>>) {add = true}
        %dma_wait3A_80 = arith.constant 0 : i32
        %dma_wait3A_81 = tpu.memref_slice %arg11[%dma_wait3A_80] : memref<1024xi32, #tpu.memory_space<vmem>> -> memref<512xi32, #tpu.memory_space<vmem>>
        %dma_wait3A_82 = arith.constant 0 : i32
        %dma_wait3A_83 = arith.constant 0 : i32
        %dma_wait3A_84 = tpu.memref_slice %arg15[%dma_wait3A_82, %dma_wait3A_83] : memref<50048x32xf32, #tpu.memory_space<vmem_shared>> -> memref<50048x32xf32, #tpu.memory_space<vmem_shared>>
        tpu.wait_indirect_dma semaphore(%run_scoped3A : memref<!tpu.dma_semaphore, #tpu.memory_space<semaphore_mem>>) src(%arg9 : memref<512x32xf32, #tpu.memory_space<vmem>>) dst(%dma_wait3A_84 : memref<50048x32xf32, #tpu.memory_space<vmem_shared>>)
        tpu.yield
      }) : () -> ()
      %dma_start3A_56 = arith.constant 512 : i32
      %dma_start3A_57 = tpu.memref_slice %arg10[%dma_start3A_56] : memref<1024xi32, #tpu.memory_space<vmem>> -> memref<512xi32, #tpu.memory_space<vmem>>
      %dma_start3A_58 = arith.constant 0 : i32
      %dma_start3A_59 = arith.constant 0 : i32
      %dma_start3A_60 = tpu.memref_slice %arg2[%dma_start3A_58, %dma_start3A_59] : memref<100000x32xf32, #tpu.memory_space<hbm>> -> memref<100000x32xf32, #tpu.memory_space<hbm>>
      tpu.enqueue_indirect_dma source(%dma_start3A_60 : memref<100000x32xf32, #tpu.memory_space<hbm>>) target(%arg9 : memref<512x32xf32, #tpu.memory_space<vmem>>) offsets(%dma_start3A_57 : memref<512xi32, #tpu.memory_space<vmem>>) semaphore(%arg16 : memref<!tpu.dma_semaphore, #tpu.memory_space<semaphore_mem>>)
      %dma_wait3A_61 = arith.constant 512 : i32
      %dma_wait3A_62 = tpu.memref_slice %arg10[%dma_wait3A_61] : memref<1024xi32, #tpu.memory_space<vmem>> -> memref<512xi32, #tpu.memory_space<vmem>>
      %dma_wait3A_63 = arith.constant 0 : i32
      %dma_wait3A_64 = arith.constant 0 : i32
      %dma_wait3A_65 = tpu.memref_slice %arg2[%dma_wait3A_63, %dma_wait3A_64] : memref<100000x32xf32, #tpu.memory_space<hbm>> -> memref<100000x32xf32, #tpu.memory_space<hbm>>
      tpu.wait_indirect_dma semaphore(%arg16 : memref<!tpu.dma_semaphore, #tpu.memory_space<semaphore_mem>>) src(%dma_wait3A_65 : memref<100000x32xf32, #tpu.memory_space<hbm>>) dst(%arg9 : memref<512x32xf32, #tpu.memory_space<vmem>>)
      %broadcast_in_dim3A_66 = arith.constant 512 : i32
      %broadcast_in_dim3A_67 = vector.broadcast %broadcast_in_dim3A_66 : i32 to vector<16xi32>
      %swap3A_68 = arith.constant 0 : index
      %swap3A_69 = tpu.vector_load %arg14[%swap3A_68] {strides = array<i32>} : memref<16xi32, #tpu.memory_space<vmem>>, vector<16xi32>,
      tpu.vector_store %arg14[%swap3A_68], %broadcast_in_dim3A_67 {strides = array<i32>} : memref<16xi32, #tpu.memory_space<vmem>>, vector<16xi32>,
      %scan3A_70 = arith.constant 0 : i32
      %scan3A_71 = arith.constant 512 : i32
      %scan3A_72 = arith.addi %scan3A_70, %scan3A_71 : i32
      %scan3A_73 = arith.constant 1 : i32
      scf.for %scan3A_75 = %scan3A_70 to %scan3A_72 step %scan3A_73  : i32 {
        %mul3A_76 = arith.constant 1 : i32
        %mul3A_77 = arith.muli %scan3A_75, %mul3A_76 : i32
        %add3A_78 = arith.constant 0 : i32
        %add3A_79 = arith.addi %add3A_78, %mul3A_77 : i32
        %get3A = arith.constant 0 : index
        %get3A_80 = tpu.vector_load %arg14[%get3A] {strides = array<i32>} : memref<16xi32, #tpu.memory_space<vmem>>, vector<16xi32>,
        %shift_right_logical3A = arith.constant 4 : i32
        %shift_right_logical3A_81 = vector.broadcast %shift_right_logical3A : i32 to vector<16xi32>
        %shift_right_logical3A_82 = arith.shrui %get3A_80, %shift_right_logical3A_81 : vector<16xi32>
        %and3A = arith.constant 15 : i32
        %and3A_83 = vector.broadcast %and3A : i32 to vector<16xi32>
        %and3A_84 = arith.andi %get3A_80, %and3A_83 : vector<16xi32>
        %gather3A = tpu.vector_load_idx %arg12[%shift_right_logical3A_82, %and3A_84] : memref<64x16xf32, #tpu.memory_space<vmem>>[vector<16xi32>, vector<16xi32>], vector<16xf32>,
        %get3A_85 = arith.constant 0 : index
        %get3A_86 = tpu.vector_load %arg13[%get3A_85] {strides = array<i32>} : memref<128xf32, #tpu.memory_space<vmem>>, vector<16xf32>,
        %mul3A_87 = arith.mulf %get3A_86, %gather3A : vector<16xf32>
        %exp3A = math.exp %mul3A_87 : vector<16xf32>
        %add3A_88 = arith.constant 1.000000e+00 : f32
        %add3A_89 = vector.broadcast %add3A_88 : f32 to vector<16xf32>
        %add3A_90 = arith.addf %exp3A, %add3A_89 : vector<16xf32>
        %get3A_91 = arith.constant 16 : index
        %get3A_92 = tpu.vector_load %arg13[%get3A_91] {strides = array<i32>} : memref<128xf32, #tpu.memory_space<vmem>>, vector<16xf32>,
        %mul3A_93 = arith.mulf %get3A_92, %gather3A : vector<16xf32>
        %exp3A_94 = math.exp %mul3A_93 : vector<16xf32>
        %add3A_95 = arith.constant 1.000000e+00 : f32
        %add3A_96 = vector.broadcast %add3A_95 : f32 to vector<16xf32>
        %add3A_97 = arith.addf %exp3A_94, %add3A_96 : vector<16xf32>
        %get3A_98 = arith.index_cast %add3A_79 : i32 to index
        %get3A_99 = arith.constant 0 : index
        %get3A_100 = tpu.vector_load %arg9[%get3A_98, %get3A_99] {strides = array<i32>} : memref<512x32xf32, #tpu.memory_space<vmem>>, vector<16xf32>,
        %div3A = arith.divf %get3A_100, %add3A_90 : vector<16xf32>
        %swap3A_101 = arith.index_cast %add3A_79 : i32 to index
        %swap3A_102 = arith.constant 0 : index
        %swap3A_103 = tpu.vector_load %arg9[%swap3A_101, %swap3A_102] {strides = array<i32>} : memref<512x32xf32, #tpu.memory_space<vmem>>, vector<16xf32>,
        tpu.vector_store %arg9[%swap3A_101, %swap3A_102], %div3A {strides = array<i32>} : memref<512x32xf32, #tpu.memory_space<vmem>>, vector<16xf32>,
        %get3A_104 = arith.index_cast %add3A_79 : i32 to index
        %get3A_105 = arith.constant 16 : index
        %get3A_106 = tpu.vector_load %arg9[%get3A_104, %get3A_105] {strides = array<i32>} : memref<512x32xf32, #tpu.memory_space<vmem>>, vector<16xf32>,
        %div3A_107 = arith.divf %get3A_106, %add3A_97 : vector<16xf32>
        %swap3A_108 = arith.index_cast %add3A_79 : i32 to index
        %swap3A_109 = arith.constant 16 : index
        %swap3A_110 = tpu.vector_load %arg9[%swap3A_108, %swap3A_109] {strides = array<i32>} : memref<512x32xf32, #tpu.memory_space<vmem>>, vector<16xf32>,
        tpu.vector_store %arg9[%swap3A_108, %swap3A_109], %div3A_107 {strides = array<i32>} : memref<512x32xf32, #tpu.memory_space<vmem>>, vector<16xf32>,
        %add3A_111 = arith.constant 1 : i32
        %add3A_112 = vector.broadcast %add3A_111 : i32 to vector<16xi32>
        %add3A_113 = arith.addi %get3A_80, %add3A_112 : vector<16xi32>
        %swap3A_114 = arith.constant 0 : index
        %swap3A_115 = tpu.vector_load %arg14[%swap3A_114] {strides = array<i32>} : memref<16xi32, #tpu.memory_space<vmem>>, vector<16xi32>,
        tpu.vector_store %arg14[%swap3A_114], %add3A_113 {strides = array<i32>} : memref<16xi32, #tpu.memory_space<vmem>>, vector<16xi32>,
      }
      %scan3A_74 = arith.constant 512 : i32
      "tpu.region"() ({
        %run_scoped3A = tpu.sem_alloc : memref<!tpu.dma_semaphore, #tpu.memory_space<semaphore_mem>>
        %dma_start3A_75 = arith.constant 512 : i32
        %dma_start3A_76 = tpu.memref_slice %arg11[%dma_start3A_75] : memref<1024xi32, #tpu.memory_space<vmem>> -> memref<512xi32, #tpu.memory_space<vmem>>
        %dma_start3A_77 = arith.constant 0 : i32
        %dma_start3A_78 = arith.constant 0 : i32
        %dma_start3A_79 = tpu.memref_slice %arg15[%dma_start3A_77, %dma_start3A_78] : memref<50048x32xf32, #tpu.memory_space<vmem_shared>> -> memref<50048x32xf32, #tpu.memory_space<vmem_shared>>
        tpu.enqueue_indirect_dma source(%arg9 : memref<512x32xf32, #tpu.memory_space<vmem>>) target(%dma_start3A_79 : memref<50048x32xf32, #tpu.memory_space<vmem_shared>>) offsets(%dma_start3A_76 : memref<512xi32, #tpu.memory_space<vmem>>) semaphore(%run_scoped3A : memref<!tpu.dma_semaphore, #tpu.memory_space<semaphore_mem>>) {add = true}
        %dma_wait3A_80 = arith.constant 512 : i32
        %dma_wait3A_81 = tpu.memref_slice %arg11[%dma_wait3A_80] : memref<1024xi32, #tpu.memory_space<vmem>> -> memref<512xi32, #tpu.memory_space<vmem>>
        %dma_wait3A_82 = arith.constant 0 : i32
        %dma_wait3A_83 = arith.constant 0 : i32
        %dma_wait3A_84 = tpu.memref_slice %arg15[%dma_wait3A_82, %dma_wait3A_83] : memref<50048x32xf32, #tpu.memory_space<vmem_shared>> -> memref<50048x32xf32, #tpu.memory_space<vmem_shared>>
        tpu.wait_indirect_dma semaphore(%run_scoped3A : memref<!tpu.dma_semaphore, #tpu.memory_space<semaphore_mem>>) src(%arg9 : memref<512x32xf32, #tpu.memory_space<vmem>>) dst(%dma_wait3A_84 : memref<50048x32xf32, #tpu.memory_space<vmem_shared>>)
        tpu.yield
      }) : () -> ()
    }
    %scan3A_23 = arith.constant 49 : i32
    %barrier3A_24 = arith.constant 0 : index
    tpu.barrier barrier_id(%barrier3A_24)
    %eq3A = arith.constant 0 : i32
    %eq3A_25 = arith.cmpi eq, %arg0, %eq3A : i32
    %convert_element_type3A = arith.extui %eq3A_25 : i1 to i32
    %cond3A = arith.constant 0 : i32
    %cond3A_26 = arith.cmpi ne, %convert_element_type3A, %cond3A : i32
    scf.if %cond3A_26 {
      "tpu.region"() ({
        %run_scoped3A = tpu.sem_alloc : memref<!tpu.dma_semaphore, #tpu.memory_space<semaphore_mem>>
        %dma_start3A = arith.constant 0 : i32
        %dma_start3A_32 = tpu.memref_slice %arg7[%multiple_of3A, %dma_start3A] : memref<50048x32xf32, #tpu.memory_space<hbm>> -> memref<3128x32xf32, #tpu.memory_space<hbm>>
        %dma_start3A_33 = arith.constant 0 : i32
        %dma_start3A_34 = tpu.memref_slice %arg15[%multiple_of3A, %dma_start3A_33] : memref<50048x32xf32, #tpu.memory_space<vmem_shared>> -> memref<3128x32xf32, #tpu.memory_space<vmem_shared>>
        tpu.enqueue_dma source(%dma_start3A_34 : memref<3128x32xf32, #tpu.memory_space<vmem_shared>>) target(%dma_start3A_32 : memref<3128x32xf32, #tpu.memory_space<hbm>>) target_semaphore(%run_scoped3A : memref<!tpu.dma_semaphore, #tpu.memory_space<semaphore_mem>>)
        %dma_wait3A = arith.constant 0 : i32
        %dma_wait3A_35 = tpu.memref_slice %arg7[%multiple_of3A, %dma_wait3A] : memref<50048x32xf32, #tpu.memory_space<hbm>> -> memref<3128x32xf32, #tpu.memory_space<hbm>>
        %dma_wait3A_36 = arith.constant 0 : i32
        %dma_wait3A_37 = tpu.memref_slice %arg15[%multiple_of3A, %dma_wait3A_36] : memref<50048x32xf32, #tpu.memory_space<vmem_shared>> -> memref<3128x32xf32, #tpu.memory_space<vmem_shared>>
        tpu.wait_dma2 semaphore(%run_scoped3A : memref<!tpu.dma_semaphore, #tpu.memory_space<semaphore_mem>>) src(%dma_wait3A_37 : memref<3128x32xf32, #tpu.memory_space<vmem_shared>>) dst(%dma_wait3A_35 : memref<3128x32xf32, #tpu.memory_space<hbm>>)
        tpu.yield
      }) : () -> ()
    } else {
    }
    %eq3A_27 = arith.constant 1 : i32
    %eq3A_28 = arith.cmpi eq, %arg0, %eq3A_27 : i32
    %convert_element_type3A_29 = arith.extui %eq3A_28 : i1 to i32
    %cond3A_30 = arith.constant 0 : i32
    %cond3A_31 = arith.cmpi ne, %convert_element_type3A_29, %cond3A_30 : i32
    scf.if %cond3A_31 {
      "tpu.region"() ({
        %run_scoped3A = tpu.sem_alloc : memref<!tpu.dma_semaphore, #tpu.memory_space<semaphore_mem>>
        %dma_start3A = arith.constant 0 : i32
        %dma_start3A_32 = tpu.memref_slice %arg8[%multiple_of3A, %dma_start3A] : memref<50048x32xf32, #tpu.memory_space<hbm>> -> memref<3128x32xf32, #tpu.memory_space<hbm>>
        %dma_start3A_33 = arith.constant 0 : i32
        %dma_start3A_34 = tpu.memref_slice %arg15[%multiple_of3A, %dma_start3A_33] : memref<50048x32xf32, #tpu.memory_space<vmem_shared>> -> memref<3128x32xf32, #tpu.memory_space<vmem_shared>>
        tpu.enqueue_dma source(%dma_start3A_34 : memref<3128x32xf32, #tpu.memory_space<vmem_shared>>) target(%dma_start3A_32 : memref<3128x32xf32, #tpu.memory_space<hbm>>) target_semaphore(%run_scoped3A : memref<!tpu.dma_semaphore, #tpu.memory_space<semaphore_mem>>)
        %dma_wait3A = arith.constant 0 : i32
        %dma_wait3A_35 = tpu.memref_slice %arg8[%multiple_of3A, %dma_wait3A] : memref<50048x32xf32, #tpu.memory_space<hbm>> -> memref<3128x32xf32, #tpu.memory_space<hbm>>
        %dma_wait3A_36 = arith.constant 0 : i32
        %dma_wait3A_37 = tpu.memref_slice %arg15[%multiple_of3A, %dma_wait3A_36] : memref<50048x32xf32, #tpu.memory_space<vmem_shared>> -> memref<3128x32xf32, #tpu.memory_space<vmem_shared>>
        tpu.wait_dma2 semaphore(%run_scoped3A : memref<!tpu.dma_semaphore, #tpu.memory_space<semaphore_mem>>) src(%dma_wait3A_37 : memref<3128x32xf32, #tpu.memory_space<vmem_shared>>) dst(%dma_wait3A_35 : memref<3128x32xf32, #tpu.memory_space<hbm>>)
        tpu.yield
      }) : () -> ()
    } else {
    }
    return
  }
}

#map = affine_map<(d0, d1) -> (0, 0)>
#map1 = affine_map<(d0, d1) -> (0, 0, 0)>
module attributes {stable_mosaic.version = 14 : i64} {
  func.func @k(%arg0: i32, %arg1: i32, %arg2: memref<100000x32xf32, #tpu.memory_space<hbm>>, %arg3: memref<2x784x1024xi32, #tpu.memory_space<hbm>>, %arg4: memref<784x1024xi32, #tpu.memory_space<hbm>>, %arg5: memref<784x64x16xf32, #tpu.memory_space<hbm>>, %arg6: memref<2x128xf32, #tpu.memory_space<hbm>>, %arg7: memref<50048x32xf32, #tpu.memory_space<hbm>>, %arg8: memref<50048x32xf32, #tpu.memory_space<hbm>>, %arg9: memref<512x32xf32, #tpu.memory_space<vmem>>, %arg10: memref<1024xi32, #tpu.memory_space<vmem>>, %arg11: memref<1024xi32, #tpu.memory_space<vmem>>, %arg12: memref<64x16xf32, #tpu.memory_space<vmem>>, %arg13: memref<128xf32, #tpu.memory_space<vmem>>, %arg14: memref<16xi32, #tpu.memory_space<vmem>>, %arg15: memref<50048x32xf32, #tpu.memory_space<vmem_shared>>, %arg16: memref<!tpu.dma_semaphore, #tpu.memory_space<semaphore_mem>>) attributes {dimension_semantics = [#tpu.dimension_semantics<core_parallel>, #tpu.dimension_semantics<subcore_parallel>], iteration_bounds = array<i64: 2, 16>, scalar_prefetch = 0 : i64, scratch_operands = 8 : i64, tpu.core_type = #tpu.core_type<sc_vector_subcore>, window_params = [{transform_indices = #map}, {transform_indices = #map1}, {transform_indices = #map}, {transform_indices = #map1}, {transform_indices = #map}, {transform_indices = #map}, {transform_indices = #map}]} {
    %broadcast_in_dim3A = arith.constant 0.000000e+00 : f32
    %broadcast_in_dim3A_0 = vector.broadcast %broadcast_in_dim3A : f32 to vector<16xf32>
    %scan3A = arith.constant 0 : i32
    %scan3A_1 = arith.constant 512 : i32
    %scan3A_2 = arith.addi %scan3A, %scan3A_1 : i32
    %scan3A_3 = arith.constant 1 : i32
    scf.for %scan3A_32 = %scan3A to %scan3A_2 step %scan3A_3  : i32 {
      %mul3A_33 = arith.constant 1 : i32
      %mul3A_34 = arith.muli %scan3A_32, %mul3A_33 : i32
      %add3A_35 = arith.constant 0 : i32
      %add3A_36 = arith.addi %add3A_35, %mul3A_34 : i32
      %swap3A = arith.index_cast %add3A_36 : i32 to index
      %swap3A_37 = arith.constant 0 : index
      %swap3A_38 = tpu.vector_load %arg9[%swap3A, %swap3A_37] {strides = array<i32>} : memref<512x32xf32, #tpu.memory_space<vmem>>, vector<16xf32>,
      tpu.vector_store %arg9[%swap3A, %swap3A_37], %broadcast_in_dim3A_0 {strides = array<i32>} : memref<512x32xf32, #tpu.memory_space<vmem>>, vector<16xf32>,
      %swap3A_39 = arith.index_cast %add3A_36 : i32 to index
      %swap3A_40 = arith.constant 16 : index
      %swap3A_41 = tpu.vector_load %arg9[%swap3A_39, %swap3A_40] {strides = array<i32>} : memref<512x32xf32, #tpu.memory_space<vmem>>, vector<16xf32>,
      tpu.vector_store %arg9[%swap3A_39, %swap3A_40], %broadcast_in_dim3A_0 {strides = array<i32>} : memref<512x32xf32, #tpu.memory_space<vmem>>, vector<16xf32>,
    }
    %scan3A_4 = arith.constant 512 : i32
    %mul3A = arith.constant 3128 : i32
    %mul3A_5 = arith.muli %arg1, %mul3A : i32
    %multiple_of3A = tpu.assume_multiple %mul3A_5, 8 : i32
    %add3A = arith.constant 0 : i32
    %add3A_6 = arith.addi %multiple_of3A, %add3A : i32
    "tpu.region"() ({
      %run_scoped3A = tpu.sem_alloc : memref<!tpu.dma_semaphore, #tpu.memory_space<semaphore_mem>>
      %dma_start3A = arith.constant 0 : i32
      %dma_start3A_32 = tpu.memref_slice %arg15[%add3A_6, %dma_start3A] : memref<50048x32xf32, #tpu.memory_space<vmem_shared>> -> memref<512x32xf32, #tpu.memory_space<vmem_shared>>
      %dma_start3A_33 = arith.constant 0 : i32
      %dma_start3A_34 = tpu.memref_slice %arg15[%add3A_6, %dma_start3A_33] : memref<50048x32xf32, #tpu.memory_space<vmem_shared>> -> memref<512x32xf32, #tpu.memory_space<vmem_shared>>
      tpu.enqueue_dma source(%arg9 : memref<512x32xf32, #tpu.memory_space<vmem>>) target(%dma_start3A_34 : memref<512x32xf32, #tpu.memory_space<vmem_shared>>) target_semaphore(%run_scoped3A : memref<!tpu.dma_semaphore, #tpu.memory_space<semaphore_mem>>)
      %dma_wait3A = arith.constant 0 : i32
      %dma_wait3A_35 = tpu.memref_slice %arg15[%add3A_6, %dma_wait3A] : memref<50048x32xf32, #tpu.memory_space<vmem_shared>> -> memref<512x32xf32, #tpu.memory_space<vmem_shared>>
      %dma_wait3A_36 = arith.constant 0 : i32
      %dma_wait3A_37 = tpu.memref_slice %arg15[%add3A_6, %dma_wait3A_36] : memref<50048x32xf32, #tpu.memory_space<vmem_shared>> -> memref<512x32xf32, #tpu.memory_space<vmem_shared>>
      tpu.wait_dma2 semaphore(%run_scoped3A : memref<!tpu.dma_semaphore, #tpu.memory_space<semaphore_mem>>) src(%arg9 : memref<512x32xf32, #tpu.memory_space<vmem>>) dst(%dma_wait3A_37 : memref<512x32xf32, #tpu.memory_space<vmem_shared>>)
      tpu.yield
    }) : () -> ()
    %add3A_7 = arith.constant 512 : i32
    %add3A_8 = arith.addi %multiple_of3A, %add3A_7 : i32
    "tpu.region"() ({
      %run_scoped3A = tpu.sem_alloc : memref<!tpu.dma_semaphore, #tpu.memory_space<semaphore_mem>>
      %dma_start3A = arith.constant 0 : i32
      %dma_start3A_32 = tpu.memref_slice %arg15[%add3A_8, %dma_start3A] : memref<50048x32xf32, #tpu.memory_space<vmem_shared>> -> memref<512x32xf32, #tpu.memory_space<vmem_shared>>
      %dma_start3A_33 = arith.constant 0 : i32
      %dma_start3A_34 = tpu.memref_slice %arg15[%add3A_8, %dma_start3A_33] : memref<50048x32xf32, #tpu.memory_space<vmem_shared>> -> memref<512x32xf32, #tpu.memory_space<vmem_shared>>
      tpu.enqueue_dma source(%arg9 : memref<512x32xf32, #tpu.memory_space<vmem>>) target(%dma_start3A_34 : memref<512x32xf32, #tpu.memory_space<vmem_shared>>) target_semaphore(%run_scoped3A : memref<!tpu.dma_semaphore, #tpu.memory_space<semaphore_mem>>)
      %dma_wait3A = arith.constant 0 : i32
      %dma_wait3A_35 = tpu.memref_slice %arg15[%add3A_8, %dma_wait3A] : memref<50048x32xf32, #tpu.memory_space<vmem_shared>> -> memref<512x32xf32, #tpu.memory_space<vmem_shared>>
      %dma_wait3A_36 = arith.constant 0 : i32
      %dma_wait3A_37 = tpu.memref_slice %arg15[%add3A_8, %dma_wait3A_36] : memref<50048x32xf32, #tpu.memory_space<vmem_shared>> -> memref<512x32xf32, #tpu.memory_space<vmem_shared>>
      tpu.wait_dma2 semaphore(%run_scoped3A : memref<!tpu.dma_semaphore, #tpu.memory_space<semaphore_mem>>) src(%arg9 : memref<512x32xf32, #tpu.memory_space<vmem>>) dst(%dma_wait3A_37 : memref<512x32xf32, #tpu.memory_space<vmem_shared>>)
      tpu.yield
    }) : () -> ()
    %add3A_9 = arith.constant 1024 : i32
    %add3A_10 = arith.addi %multiple_of3A, %add3A_9 : i32
    "tpu.region"() ({
      %run_scoped3A = tpu.sem_alloc : memref<!tpu.dma_semaphore, #tpu.memory_space<semaphore_mem>>
      %dma_start3A = arith.constant 0 : i32
      %dma_start3A_32 = tpu.memref_slice %arg15[%add3A_10, %dma_start3A] : memref<50048x32xf32, #tpu.memory_space<vmem_shared>> -> memref<512x32xf32, #tpu.memory_space<vmem_shared>>
      %dma_start3A_33 = arith.constant 0 : i32
      %dma_start3A_34 = tpu.memref_slice %arg15[%add3A_10, %dma_start3A_33] : memref<50048x32xf32, #tpu.memory_space<vmem_shared>> -> memref<512x32xf32, #tpu.memory_space<vmem_shared>>
      tpu.enqueue_dma source(%arg9 : memref<512x32xf32, #tpu.memory_space<vmem>>) target(%dma_start3A_34 : memref<512x32xf32, #tpu.memory_space<vmem_shared>>) target_semaphore(%run_scoped3A : memref<!tpu.dma_semaphore, #tpu.memory_space<semaphore_mem>>)
      %dma_wait3A = arith.constant 0 : i32
      %dma_wait3A_35 = tpu.memref_slice %arg15[%add3A_10, %dma_wait3A] : memref<50048x32xf32, #tpu.memory_space<vmem_shared>> -> memref<512x32xf32, #tpu.memory_space<vmem_shared>>
      %dma_wait3A_36 = arith.constant 0 : i32
      %dma_wait3A_37 = tpu.memref_slice %arg15[%add3A_10, %dma_wait3A_36] : memref<50048x32xf32, #tpu.memory_space<vmem_shared>> -> memref<512x32xf32, #tpu.memory_space<vmem_shared>>
      tpu.wait_dma2 semaphore(%run_scoped3A : memref<!tpu.dma_semaphore, #tpu.memory_space<semaphore_mem>>) src(%arg9 : memref<512x32xf32, #tpu.memory_space<vmem>>) dst(%dma_wait3A_37 : memref<512x32xf32, #tpu.memory_space<vmem_shared>>)
      tpu.yield
    }) : () -> ()
    %add3A_11 = arith.constant 1536 : i32
    %add3A_12 = arith.addi %multiple_of3A, %add3A_11 : i32
    "tpu.region"() ({
      %run_scoped3A = tpu.sem_alloc : memref<!tpu.dma_semaphore, #tpu.memory_space<semaphore_mem>>
      %dma_start3A = arith.constant 0 : i32
      %dma_start3A_32 = tpu.memref_slice %arg15[%add3A_12, %dma_start3A] : memref<50048x32xf32, #tpu.memory_space<vmem_shared>> -> memref<512x32xf32, #tpu.memory_space<vmem_shared>>
      %dma_start3A_33 = arith.constant 0 : i32
      %dma_start3A_34 = tpu.memref_slice %arg15[%add3A_12, %dma_start3A_33] : memref<50048x32xf32, #tpu.memory_space<vmem_shared>> -> memref<512x32xf32, #tpu.memory_space<vmem_shared>>
      tpu.enqueue_dma source(%arg9 : memref<512x32xf32, #tpu.memory_space<vmem>>) target(%dma_start3A_34 : memref<512x32xf32, #tpu.memory_space<vmem_shared>>) target_semaphore(%run_scoped3A : memref<!tpu.dma_semaphore, #tpu.memory_space<semaphore_mem>>)
      %dma_wait3A = arith.constant 0 : i32
      %dma_wait3A_35 = tpu.memref_slice %arg15[%add3A_12, %dma_wait3A] : memref<50048x32xf32, #tpu.memory_space<vmem_shared>> -> memref<512x32xf32, #tpu.memory_space<vmem_shared>>
      %dma_wait3A_36 = arith.constant 0 : i32
      %dma_wait3A_37 = tpu.memref_slice %arg15[%add3A_12, %dma_wait3A_36] : memref<50048x32xf32, #tpu.memory_space<vmem_shared>> -> memref<512x32xf32, #tpu.memory_space<vmem_shared>>
      tpu.wait_dma2 semaphore(%run_scoped3A : memref<!tpu.dma_semaphore, #tpu.memory_space<semaphore_mem>>) src(%arg9 : memref<512x32xf32, #tpu.memory_space<vmem>>) dst(%dma_wait3A_37 : memref<512x32xf32, #tpu.memory_space<vmem_shared>>)
      tpu.yield
    }) : () -> ()
    %add3A_13 = arith.constant 2048 : i32
    %add3A_14 = arith.addi %multiple_of3A, %add3A_13 : i32
    "tpu.region"() ({
      %run_scoped3A = tpu.sem_alloc : memref<!tpu.dma_semaphore, #tpu.memory_space<semaphore_mem>>
      %dma_start3A = arith.constant 0 : i32
      %dma_start3A_32 = tpu.memref_slice %arg15[%add3A_14, %dma_start3A] : memref<50048x32xf32, #tpu.memory_space<vmem_shared>> -> memref<512x32xf32, #tpu.memory_space<vmem_shared>>
      %dma_start3A_33 = arith.constant 0 : i32
      %dma_start3A_34 = tpu.memref_slice %arg15[%add3A_14, %dma_start3A_33] : memref<50048x32xf32, #tpu.memory_space<vmem_shared>> -> memref<512x32xf32, #tpu.memory_space<vmem_shared>>
      tpu.enqueue_dma source(%arg9 : memref<512x32xf32, #tpu.memory_space<vmem>>) target(%dma_start3A_34 : memref<512x32xf32, #tpu.memory_space<vmem_shared>>) target_semaphore(%run_scoped3A : memref<!tpu.dma_semaphore, #tpu.memory_space<semaphore_mem>>)
      %dma_wait3A = arith.constant 0 : i32
      %dma_wait3A_35 = tpu.memref_slice %arg15[%add3A_14, %dma_wait3A] : memref<50048x32xf32, #tpu.memory_space<vmem_shared>> -> memref<512x32xf32, #tpu.memory_space<vmem_shared>>
      %dma_wait3A_36 = arith.constant 0 : i32
      %dma_wait3A_37 = tpu.memref_slice %arg15[%add3A_14, %dma_wait3A_36] : memref<50048x32xf32, #tpu.memory_space<vmem_shared>> -> memref<512x32xf32, #tpu.memory_space<vmem_shared>>
      tpu.wait_dma2 semaphore(%run_scoped3A : memref<!tpu.dma_semaphore, #tpu.memory_space<semaphore_mem>>) src(%arg9 : memref<512x32xf32, #tpu.memory_space<vmem>>) dst(%dma_wait3A_37 : memref<512x32xf32, #tpu.memory_space<vmem_shared>>)
      tpu.yield
    }) : () -> ()
    %add3A_15 = arith.constant 2560 : i32
    %add3A_16 = arith.addi %multiple_of3A, %add3A_15 : i32
    "tpu.region"() ({
      %run_scoped3A = tpu.sem_alloc : memref<!tpu.dma_semaphore, #tpu.memory_space<semaphore_mem>>
      %dma_start3A = arith.constant 0 : i32
      %dma_start3A_32 = tpu.memref_slice %arg15[%add3A_16, %dma_start3A] : memref<50048x32xf32, #tpu.memory_space<vmem_shared>> -> memref<512x32xf32, #tpu.memory_space<vmem_shared>>
      %dma_start3A_33 = arith.constant 0 : i32
      %dma_start3A_34 = tpu.memref_slice %arg15[%add3A_16, %dma_start3A_33] : memref<50048x32xf32, #tpu.memory_space<vmem_shared>> -> memref<512x32xf32, #tpu.memory_space<vmem_shared>>
      tpu.enqueue_dma source(%arg9 : memref<512x32xf32, #tpu.memory_space<vmem>>) target(%dma_start3A_34 : memref<512x32xf32, #tpu.memory_space<vmem_shared>>) target_semaphore(%run_scoped3A : memref<!tpu.dma_semaphore, #tpu.memory_space<semaphore_mem>>)
      %dma_wait3A = arith.constant 0 : i32
      %dma_wait3A_35 = tpu.memref_slice %arg15[%add3A_16, %dma_wait3A] : memref<50048x32xf32, #tpu.memory_space<vmem_shared>> -> memref<512x32xf32, #tpu.memory_space<vmem_shared>>
      %dma_wait3A_36 = arith.constant 0 : i32
      %dma_wait3A_37 = tpu.memref_slice %arg15[%add3A_16, %dma_wait3A_36] : memref<50048x32xf32, #tpu.memory_space<vmem_shared>> -> memref<512x32xf32, #tpu.memory_space<vmem_shared>>
      tpu.wait_dma2 semaphore(%run_scoped3A : memref<!tpu.dma_semaphore, #tpu.memory_space<semaphore_mem>>) src(%arg9 : memref<512x32xf32, #tpu.memory_space<vmem>>) dst(%dma_wait3A_37 : memref<512x32xf32, #tpu.memory_space<vmem_shared>>)
      tpu.yield
    }) : () -> ()
    %add3A_17 = arith.constant 3072 : i32
    %add3A_18 = arith.addi %multiple_of3A, %add3A_17 : i32
    "tpu.region"() ({
      %run_scoped3A = tpu.sem_alloc : memref<!tpu.dma_semaphore, #tpu.memory_space<semaphore_mem>>
      %dma_start3A = arith.constant 0 : i32
      %dma_start3A_32 = arith.constant 0 : i32
      %dma_start3A_33 = tpu.memref_slice %arg9[%dma_start3A, %dma_start3A_32] : memref<512x32xf32, #tpu.memory_space<vmem>> -> memref<56x32xf32, #tpu.memory_space<vmem>>
      %dma_start3A_34 = arith.constant 0 : i32
      %dma_start3A_35 = tpu.memref_slice %arg15[%add3A_18, %dma_start3A_34] : memref<50048x32xf32, #tpu.memory_space<vmem_shared>> -> memref<56x32xf32, #tpu.memory_space<vmem_shared>>
      %dma_start3A_36 = arith.constant 0 : i32
      %dma_start3A_37 = tpu.memref_slice %arg15[%add3A_18, %dma_start3A_36] : memref<50048x32xf32, #tpu.memory_space<vmem_shared>> -> memref<56x32xf32, #tpu.memory_space<vmem_shared>>
      %dma_start3A_38 = arith.constant 0 : i32
      %dma_start3A_39 = arith.constant 0 : i32
      %dma_start3A_40 = tpu.memref_slice %arg9[%dma_start3A_38, %dma_start3A_39] : memref<512x32xf32, #tpu.memory_space<vmem>> -> memref<56x32xf32, #tpu.memory_space<vmem>>
      tpu.enqueue_dma source(%dma_start3A_40 : memref<56x32xf32, #tpu.memory_space<vmem>>) target(%dma_start3A_37 : memref<56x32xf32, #tpu.memory_space<vmem_shared>>) target_semaphore(%run_scoped3A : memref<!tpu.dma_semaphore, #tpu.memory_space<semaphore_mem>>)
      %dma_wait3A = arith.constant 0 : i32
      %dma_wait3A_41 = arith.constant 0 : i32
      %dma_wait3A_42 = tpu.memref_slice %arg9[%dma_wait3A, %dma_wait3A_41] : memref<512x32xf32, #tpu.memory_space<vmem>> -> memref<56x32xf32, #tpu.memory_space<vmem>>
      %dma_wait3A_43 = arith.constant 0 : i32
      %dma_wait3A_44 = tpu.memref_slice %arg15[%add3A_18, %dma_wait3A_43] : memref<50048x32xf32, #tpu.memory_space<vmem_shared>> -> memref<56x32xf32, #tpu.memory_space<vmem_shared>>
      %dma_wait3A_45 = arith.constant 0 : i32
      %dma_wait3A_46 = tpu.memref_slice %arg15[%add3A_18, %dma_wait3A_45] : memref<50048x32xf32, #tpu.memory_space<vmem_shared>> -> memref<56x32xf32, #tpu.memory_space<vmem_shared>>
      %dma_wait3A_47 = arith.constant 0 : i32
      %dma_wait3A_48 = arith.constant 0 : i32
      %dma_wait3A_49 = tpu.memref_slice %arg9[%dma_wait3A_47, %dma_wait3A_48] : memref<512x32xf32, #tpu.memory_space<vmem>> -> memref<56x32xf32, #tpu.memory_space<vmem>>
      tpu.wait_dma2 semaphore(%run_scoped3A : memref<!tpu.dma_semaphore, #tpu.memory_space<semaphore_mem>>) src(%dma_wait3A_49 : memref<56x32xf32, #tpu.memory_space<vmem>>) dst(%dma_wait3A_46 : memref<56x32xf32, #tpu.memory_space<vmem_shared>>)
      tpu.yield
    }) : () -> ()
    "tpu.region"() ({
      %run_scoped3A = tpu.sem_alloc : memref<!tpu.dma_semaphore, #tpu.memory_space<semaphore_mem>>
      %dma_start3A = arith.constant 0 : i32
      %dma_start3A_32 = tpu.memref_slice %arg6[%arg0, %dma_start3A] : memref<2x128xf32, #tpu.memory_space<hbm>> -> memref<1x128xf32, #tpu.memory_space<hbm>>
      %dma_start3A_33 = tpu.memref_squeeze %dma_start3A_32 : memref<1x128xf32, #tpu.memory_space<hbm>> -> memref<128xf32, #tpu.memory_space<hbm>>
      %dma_start3A_34 = arith.constant 0 : i32
      %dma_start3A_35 = tpu.memref_slice %arg6[%arg0, %dma_start3A_34] : memref<2x128xf32, #tpu.memory_space<hbm>> -> memref<1x128xf32, #tpu.memory_space<hbm>>
      %dma_start3A_36 = tpu.memref_squeeze %dma_start3A_35 : memref<1x128xf32, #tpu.memory_space<hbm>> -> memref<128xf32, #tpu.memory_space<hbm>>
      tpu.enqueue_dma source(%dma_start3A_36 : memref<128xf32, #tpu.memory_space<hbm>>) target(%arg13 : memref<128xf32, #tpu.memory_space<vmem>>) target_semaphore(%run_scoped3A : memref<!tpu.dma_semaphore, #tpu.memory_space<semaphore_mem>>)
      %dma_wait3A = arith.constant 0 : i32
      %dma_wait3A_37 = tpu.memref_slice %arg6[%arg0, %dma_wait3A] : memref<2x128xf32, #tpu.memory_space<hbm>> -> memref<1x128xf32, #tpu.memory_space<hbm>>
      %dma_wait3A_38 = tpu.memref_squeeze %dma_wait3A_37 : memref<1x128xf32, #tpu.memory_space<hbm>> -> memref<128xf32, #tpu.memory_space<hbm>>
      %dma_wait3A_39 = arith.constant 0 : i32
      %dma_wait3A_40 = tpu.memref_slice %arg6[%arg0, %dma_wait3A_39] : memref<2x128xf32, #tpu.memory_space<hbm>> -> memref<1x128xf32, #tpu.memory_space<hbm>>
      %dma_wait3A_41 = tpu.memref_squeeze %dma_wait3A_40 : memref<1x128xf32, #tpu.memory_space<hbm>> -> memref<128xf32, #tpu.memory_space<hbm>>
      tpu.wait_dma2 semaphore(%run_scoped3A : memref<!tpu.dma_semaphore, #tpu.memory_space<semaphore_mem>>) src(%dma_wait3A_41 : memref<128xf32, #tpu.memory_space<hbm>>) dst(%arg13 : memref<128xf32, #tpu.memory_space<vmem>>)
      tpu.yield
    }) : () -> ()
    %barrier3A = arith.constant 0 : index
    tpu.barrier barrier_id(%barrier3A)
    %scan3A_19 = arith.constant 0 : i32
    %scan3A_20 = arith.constant 49 : i32
    %scan3A_21 = arith.addi %scan3A_19, %scan3A_20 : i32
    %scan3A_22 = arith.constant 1 : i32
    scf.for %scan3A_32 = %scan3A_19 to %scan3A_21 step %scan3A_22  : i32 {
      %mul3A_33 = arith.constant 1 : i32
      %mul3A_34 = arith.muli %scan3A_32, %mul3A_33 : i32
      %add3A_35 = arith.constant 0 : i32
      %add3A_36 = arith.addi %add3A_35, %mul3A_34 : i32
      %mul3A_37 = arith.constant 49 : i32
      %mul3A_38 = arith.muli %arg1, %mul3A_37 : i32
      %add3A_39 = arith.addi %mul3A_38, %add3A_36 : i32
      "tpu.region"() ({
        %run_scoped3A = tpu.sem_alloc : memref<!tpu.dma_semaphore, #tpu.memory_space<semaphore_mem>>
        %dma_start3A_75 = arith.constant 0 : i32
        %dma_start3A_76 = tpu.memref_slice %arg3[%arg0, %add3A_39, %dma_start3A_75] : memref<2x784x1024xi32, #tpu.memory_space<hbm>> -> memref<1x1x1024xi32, #tpu.memory_space<hbm>>
        %dma_start3A_77 = tpu.memref_squeeze %dma_start3A_76 : memref<1x1x1024xi32, #tpu.memory_space<hbm>> -> memref<1024xi32, #tpu.memory_space<hbm>>
        %dma_start3A_78 = arith.constant 0 : i32
        %dma_start3A_79 = tpu.memref_slice %arg3[%arg0, %add3A_39, %dma_start3A_78] : memref<2x784x1024xi32, #tpu.memory_space<hbm>> -> memref<1x1x1024xi32, #tpu.memory_space<hbm>>
        %dma_start3A_80 = tpu.memref_squeeze %dma_start3A_79 : memref<1x1x1024xi32, #tpu.memory_space<hbm>> -> memref<1024xi32, #tpu.memory_space<hbm>>
        tpu.enqueue_dma source(%dma_start3A_80 : memref<1024xi32, #tpu.memory_space<hbm>>) target(%arg10 : memref<1024xi32, #tpu.memory_space<vmem>>) target_semaphore(%run_scoped3A : memref<!tpu.dma_semaphore, #tpu.memory_space<semaphore_mem>>)
        %dma_wait3A_81 = arith.constant 0 : i32
        %dma_wait3A_82 = tpu.memref_slice %arg3[%arg0, %add3A_39, %dma_wait3A_81] : memref<2x784x1024xi32, #tpu.memory_space<hbm>> -> memref<1x1x1024xi32, #tpu.memory_space<hbm>>
        %dma_wait3A_83 = tpu.memref_squeeze %dma_wait3A_82 : memref<1x1x1024xi32, #tpu.memory_space<hbm>> -> memref<1024xi32, #tpu.memory_space<hbm>>
        %dma_wait3A_84 = arith.constant 0 : i32
        %dma_wait3A_85 = tpu.memref_slice %arg3[%arg0, %add3A_39, %dma_wait3A_84] : memref<2x784x1024xi32, #tpu.memory_space<hbm>> -> memref<1x1x1024xi32, #tpu.memory_space<hbm>>
        %dma_wait3A_86 = tpu.memref_squeeze %dma_wait3A_85 : memref<1x1x1024xi32, #tpu.memory_space<hbm>> -> memref<1024xi32, #tpu.memory_space<hbm>>
        tpu.wait_dma2 semaphore(%run_scoped3A : memref<!tpu.dma_semaphore, #tpu.memory_space<semaphore_mem>>) src(%dma_wait3A_86 : memref<1024xi32, #tpu.memory_space<hbm>>) dst(%arg10 : memref<1024xi32, #tpu.memory_space<vmem>>)
        tpu.yield
      }) : () -> ()
      "tpu.region"() ({
        %run_scoped3A = tpu.sem_alloc : memref<!tpu.dma_semaphore, #tpu.memory_space<semaphore_mem>>
        %dma_start3A_75 = arith.constant 0 : i32
        %dma_start3A_76 = tpu.memref_slice %arg4[%add3A_39, %dma_start3A_75] : memref<784x1024xi32, #tpu.memory_space<hbm>> -> memref<1x1024xi32, #tpu.memory_space<hbm>>
        %dma_start3A_77 = tpu.memref_squeeze %dma_start3A_76 : memref<1x1024xi32, #tpu.memory_space<hbm>> -> memref<1024xi32, #tpu.memory_space<hbm>>
        %dma_start3A_78 = arith.constant 0 : i32
        %dma_start3A_79 = tpu.memref_slice %arg4[%add3A_39, %dma_start3A_78] : memref<784x1024xi32, #tpu.memory_space<hbm>> -> memref<1x1024xi32, #tpu.memory_space<hbm>>
        %dma_start3A_80 = tpu.memref_squeeze %dma_start3A_79 : memref<1x1024xi32, #tpu.memory_space<hbm>> -> memref<1024xi32, #tpu.memory_space<hbm>>
        tpu.enqueue_dma source(%dma_start3A_80 : memref<1024xi32, #tpu.memory_space<hbm>>) target(%arg11 : memref<1024xi32, #tpu.memory_space<vmem>>) target_semaphore(%run_scoped3A : memref<!tpu.dma_semaphore, #tpu.memory_space<semaphore_mem>>)
        %dma_wait3A_81 = arith.constant 0 : i32
        %dma_wait3A_82 = tpu.memref_slice %arg4[%add3A_39, %dma_wait3A_81] : memref<784x1024xi32, #tpu.memory_space<hbm>> -> memref<1x1024xi32, #tpu.memory_space<hbm>>
        %dma_wait3A_83 = tpu.memref_squeeze %dma_wait3A_82 : memref<1x1024xi32, #tpu.memory_space<hbm>> -> memref<1024xi32, #tpu.memory_space<hbm>>
        %dma_wait3A_84 = arith.constant 0 : i32
        %dma_wait3A_85 = tpu.memref_slice %arg4[%add3A_39, %dma_wait3A_84] : memref<784x1024xi32, #tpu.memory_space<hbm>> -> memref<1x1024xi32, #tpu.memory_space<hbm>>
        %dma_wait3A_86 = tpu.memref_squeeze %dma_wait3A_85 : memref<1x1024xi32, #tpu.memory_space<hbm>> -> memref<1024xi32, #tpu.memory_space<hbm>>
        tpu.wait_dma2 semaphore(%run_scoped3A : memref<!tpu.dma_semaphore, #tpu.memory_space<semaphore_mem>>) src(%dma_wait3A_86 : memref<1024xi32, #tpu.memory_space<hbm>>) dst(%arg11 : memref<1024xi32, #tpu.memory_space<vmem>>)
        tpu.yield
      }) : () -> ()
      "tpu.region"() ({
        %run_scoped3A = tpu.sem_alloc : memref<!tpu.dma_semaphore, #tpu.memory_space<semaphore_mem>>
        %dma_start3A_75 = arith.constant 0 : i32
        %dma_start3A_76 = arith.constant 0 : i32
        %dma_start3A_77 = tpu.memref_slice %arg5[%add3A_39, %dma_start3A_75, %dma_start3A_76] : memref<784x64x16xf32, #tpu.memory_space<hbm>> -> memref<1x64x16xf32, #tpu.memory_space<hbm>>
        %dma_start3A_78 = tpu.memref_squeeze %dma_start3A_77 : memref<1x64x16xf32, #tpu.memory_space<hbm>> -> memref<64x16xf32, #tpu.memory_space<hbm>>
        %dma_start3A_79 = arith.constant 0 : i32
        %dma_start3A_80 = arith.constant 0 : i32
        %dma_start3A_81 = tpu.memref_slice %arg5[%add3A_39, %dma_start3A_79, %dma_start3A_80] : memref<784x64x16xf32, #tpu.memory_space<hbm>> -> memref<1x64x16xf32, #tpu.memory_space<hbm>>
        %dma_start3A_82 = tpu.memref_squeeze %dma_start3A_81 : memref<1x64x16xf32, #tpu.memory_space<hbm>> -> memref<64x16xf32, #tpu.memory_space<hbm>>
        tpu.enqueue_dma source(%dma_start3A_82 : memref<64x16xf32, #tpu.memory_space<hbm>>) target(%arg12 : memref<64x16xf32, #tpu.memory_space<vmem>>) target_semaphore(%run_scoped3A : memref<!tpu.dma_semaphore, #tpu.memory_space<semaphore_mem>>)
        %dma_wait3A_83 = arith.constant 0 : i32
        %dma_wait3A_84 = arith.constant 0 : i32
        %dma_wait3A_85 = tpu.memref_slice %arg5[%add3A_39, %dma_wait3A_83, %dma_wait3A_84] : memref<784x64x16xf32, #tpu.memory_space<hbm>> -> memref<1x64x16xf32, #tpu.memory_space<hbm>>
        %dma_wait3A_86 = tpu.memref_squeeze %dma_wait3A_85 : memref<1x64x16xf32, #tpu.memory_space<hbm>> -> memref<64x16xf32, #tpu.memory_space<hbm>>
        %dma_wait3A_87 = arith.constant 0 : i32
        %dma_wait3A_88 = arith.constant 0 : i32
        %dma_wait3A_89 = tpu.memref_slice %arg5[%add3A_39, %dma_wait3A_87, %dma_wait3A_88] : memref<784x64x16xf32, #tpu.memory_space<hbm>> -> memref<1x64x16xf32, #tpu.memory_space<hbm>>
        %dma_wait3A_90 = tpu.memref_squeeze %dma_wait3A_89 : memref<1x64x16xf32, #tpu.memory_space<hbm>> -> memref<64x16xf32, #tpu.memory_space<hbm>>
        tpu.wait_dma2 semaphore(%run_scoped3A : memref<!tpu.dma_semaphore, #tpu.memory_space<semaphore_mem>>) src(%dma_wait3A_90 : memref<64x16xf32, #tpu.memory_space<hbm>>) dst(%arg12 : memref<64x16xf32, #tpu.memory_space<vmem>>)
        tpu.yield
      }) : () -> ()
      %dma_start3A = arith.constant 0 : i32
      %dma_start3A_40 = tpu.memref_slice %arg10[%dma_start3A] : memref<1024xi32, #tpu.memory_space<vmem>> -> memref<512xi32, #tpu.memory_space<vmem>>
      %dma_start3A_41 = arith.constant 0 : i32
      %dma_start3A_42 = arith.constant 0 : i32
      %dma_start3A_43 = tpu.memref_slice %arg2[%dma_start3A_41, %dma_start3A_42] : memref<100000x32xf32, #tpu.memory_space<hbm>> -> memref<100000x32xf32, #tpu.memory_space<hbm>>
      tpu.enqueue_indirect_dma source(%dma_start3A_43 : memref<100000x32xf32, #tpu.memory_space<hbm>>) target(%arg9 : memref<512x32xf32, #tpu.memory_space<vmem>>) offsets(%dma_start3A_40 : memref<512xi32, #tpu.memory_space<vmem>>) semaphore(%arg16 : memref<!tpu.dma_semaphore, #tpu.memory_space<semaphore_mem>>)
      %dma_wait3A = arith.constant 0 : i32
      %dma_wait3A_44 = tpu.memref_slice %arg10[%dma_wait3A] : memref<1024xi32, #tpu.memory_space<vmem>> -> memref<512xi32, #tpu.memory_space<vmem>>
      %dma_wait3A_45 = arith.constant 0 : i32
      %dma_wait3A_46 = arith.constant 0 : i32
      %dma_wait3A_47 = tpu.memref_slice %arg2[%dma_wait3A_45, %dma_wait3A_46] : memref<100000x32xf32, #tpu.memory_space<hbm>> -> memref<100000x32xf32, #tpu.memory_space<hbm>>
      tpu.wait_indirect_dma semaphore(%arg16 : memref<!tpu.dma_semaphore, #tpu.memory_space<semaphore_mem>>) src(%dma_wait3A_47 : memref<100000x32xf32, #tpu.memory_space<hbm>>) dst(%arg9 : memref<512x32xf32, #tpu.memory_space<vmem>>)
      %broadcast_in_dim3A_48 = arith.constant 0 : i32
      %broadcast_in_dim3A_49 = vector.broadcast %broadcast_in_dim3A_48 : i32 to vector<16xi32>
      %swap3A = arith.constant 0 : index
      %swap3A_50 = tpu.vector_load %arg14[%swap3A] {strides = array<i32>} : memref<16xi32, #tpu.memory_space<vmem>>, vector<16xi32>,
      tpu.vector_store %arg14[%swap3A], %broadcast_in_dim3A_49 {strides = array<i32>} : memref<16xi32, #tpu.memory_space<vmem>>, vector<16xi32>,
      %scan3A_51 = arith.constant 0 : i32
      %scan3A_52 = arith.constant 512 : i32
      %scan3A_53 = arith.addi %scan3A_51, %scan3A_52 : i32
      %scan3A_54 = arith.constant 1 : i32
      scf.for %scan3A_75 = %scan3A_51 to %scan3A_53 step %scan3A_54  : i32 {
        %mul3A_76 = arith.constant 1 : i32
        %mul3A_77 = arith.muli %scan3A_75, %mul3A_76 : i32
        %add3A_78 = arith.constant 0 : i32
        %add3A_79 = arith.addi %add3A_78, %mul3A_77 : i32
        %get3A = arith.constant 0 : index
        %get3A_80 = tpu.vector_load %arg14[%get3A] {strides = array<i32>} : memref<16xi32, #tpu.memory_space<vmem>>, vector<16xi32>,
        %shift_right_logical3A = arith.constant 4 : i32
        %shift_right_logical3A_81 = vector.broadcast %shift_right_logical3A : i32 to vector<16xi32>
        %shift_right_logical3A_82 = arith.shrui %get3A_80, %shift_right_logical3A_81 : vector<16xi32>
        %and3A = arith.constant 15 : i32
        %and3A_83 = vector.broadcast %and3A : i32 to vector<16xi32>
        %and3A_84 = arith.andi %get3A_80, %and3A_83 : vector<16xi32>
        %gather3A = tpu.vector_load_idx %arg12[%shift_right_logical3A_82, %and3A_84] : memref<64x16xf32, #tpu.memory_space<vmem>>[vector<16xi32>, vector<16xi32>], vector<16xf32>,
        %get3A_85 = arith.constant 0 : index
        %get3A_86 = tpu.vector_load %arg13[%get3A_85] {strides = array<i32>} : memref<128xf32, #tpu.memory_space<vmem>>, vector<16xf32>,
        %mul3A_87 = arith.mulf %get3A_86, %gather3A : vector<16xf32>
        %exp3A = math.exp %mul3A_87 : vector<16xf32>
        %add3A_88 = arith.constant 1.000000e+00 : f32
        %add3A_89 = vector.broadcast %add3A_88 : f32 to vector<16xf32>
        %add3A_90 = arith.addf %exp3A, %add3A_89 : vector<16xf32>
        %get3A_91 = arith.constant 16 : index
        %get3A_92 = tpu.vector_load %arg13[%get3A_91] {strides = array<i32>} : memref<128xf32, #tpu.memory_space<vmem>>, vector<16xf32>,
        %mul3A_93 = arith.mulf %get3A_92, %gather3A : vector<16xf32>
        %exp3A_94 = math.exp %mul3A_93 : vector<16xf32>
        %add3A_95 = arith.constant 1.000000e+00 : f32
        %add3A_96 = vector.broadcast %add3A_95 : f32 to vector<16xf32>
        %add3A_97 = arith.addf %exp3A_94, %add3A_96 : vector<16xf32>
        %get3A_98 = arith.index_cast %add3A_79 : i32 to index
        %get3A_99 = arith.constant 0 : index
        %get3A_100 = tpu.vector_load %arg9[%get3A_98, %get3A_99] {strides = array<i32>} : memref<512x32xf32, #tpu.memory_space<vmem>>, vector<16xf32>,
        %div3A = arith.divf %get3A_100, %add3A_90 : vector<16xf32>
        %swap3A_101 = arith.index_cast %add3A_79 : i32 to index
        %swap3A_102 = arith.constant 0 : index
        %swap3A_103 = tpu.vector_load %arg9[%swap3A_101, %swap3A_102] {strides = array<i32>} : memref<512x32xf32, #tpu.memory_space<vmem>>, vector<16xf32>,
        tpu.vector_store %arg9[%swap3A_101, %swap3A_102], %div3A {strides = array<i32>} : memref<512x32xf32, #tpu.memory_space<vmem>>, vector<16xf32>,
        %get3A_104 = arith.index_cast %add3A_79 : i32 to index
        %get3A_105 = arith.constant 16 : index
        %get3A_106 = tpu.vector_load %arg9[%get3A_104, %get3A_105] {strides = array<i32>} : memref<512x32xf32, #tpu.memory_space<vmem>>, vector<16xf32>,
        %div3A_107 = arith.divf %get3A_106, %add3A_97 : vector<16xf32>
        %swap3A_108 = arith.index_cast %add3A_79 : i32 to index
        %swap3A_109 = arith.constant 16 : index
        %swap3A_110 = tpu.vector_load %arg9[%swap3A_108, %swap3A_109] {strides = array<i32>} : memref<512x32xf32, #tpu.memory_space<vmem>>, vector<16xf32>,
        tpu.vector_store %arg9[%swap3A_108, %swap3A_109], %div3A_107 {strides = array<i32>} : memref<512x32xf32, #tpu.memory_space<vmem>>, vector<16xf32>,
        %add3A_111 = arith.constant 1 : i32
        %add3A_112 = vector.broadcast %add3A_111 : i32 to vector<16xi32>
        %add3A_113 = arith.addi %get3A_80, %add3A_112 : vector<16xi32>
        %swap3A_114 = arith.constant 0 : index
        %swap3A_115 = tpu.vector_load %arg14[%swap3A_114] {strides = array<i32>} : memref<16xi32, #tpu.memory_space<vmem>>, vector<16xi32>,
        tpu.vector_store %arg14[%swap3A_114], %add3A_113 {strides = array<i32>} : memref<16xi32, #tpu.memory_space<vmem>>, vector<16xi32>,
      }
      %scan3A_55 = arith.constant 512 : i32
      "tpu.region"() ({
        %run_scoped3A = tpu.sem_alloc : memref<!tpu.dma_semaphore, #tpu.memory_space<semaphore_mem>>
        %dma_start3A_75 = arith.constant 0 : i32
        %dma_start3A_76 = tpu.memref_slice %arg11[%dma_start3A_75] : memref<1024xi32, #tpu.memory_space<vmem>> -> memref<512xi32, #tpu.memory_space<vmem>>
        %dma_start3A_77 = arith.constant 0 : i32
        %dma_start3A_78 = arith.constant 0 : i32
        %dma_start3A_79 = tpu.memref_slice %arg15[%dma_start3A_77, %dma_start3A_78] : memref<50048x32xf32, #tpu.memory_space<vmem_shared>> -> memref<50048x32xf32, #tpu.memory_space<vmem_shared>>
        tpu.enqueue_indirect_dma source(%arg9 : memref<512x32xf32, #tpu.memory_space<vmem>>) target(%dma_start3A_79 : memref<50048x32xf32, #tpu.memory_space<vmem_shared>>) offsets(%dma_start3A_76 : memref<512xi32, #tpu.memory_space<vmem>>) semaphore(%run_scoped3A : memref<!tpu.dma_semaphore, #tpu.memory_space<semaphore_mem>>) {add = true}
        %dma_wait3A_80 = arith.constant 0 : i32
        %dma_wait3A_81 = tpu.memref_slice %arg11[%dma_wait3A_80] : memref<1024xi32, #tpu.memory_space<vmem>> -> memref<512xi32, #tpu.memory_space<vmem>>
        %dma_wait3A_82 = arith.constant 0 : i32
        %dma_wait3A_83 = arith.constant 0 : i32
        %dma_wait3A_84 = tpu.memref_slice %arg15[%dma_wait3A_82, %dma_wait3A_83] : memref<50048x32xf32, #tpu.memory_space<vmem_shared>> -> memref<50048x32xf32, #tpu.memory_space<vmem_shared>>
        tpu.wait_indirect_dma semaphore(%run_scoped3A : memref<!tpu.dma_semaphore, #tpu.memory_space<semaphore_mem>>) src(%arg9 : memref<512x32xf32, #tpu.memory_space<vmem>>) dst(%dma_wait3A_84 : memref<50048x32xf32, #tpu.memory_space<vmem_shared>>)
        tpu.yield
      }) : () -> ()
      %dma_start3A_56 = arith.constant 512 : i32
      %dma_start3A_57 = tpu.memref_slice %arg10[%dma_start3A_56] : memref<1024xi32, #tpu.memory_space<vmem>> -> memref<512xi32, #tpu.memory_space<vmem>>
      %dma_start3A_58 = arith.constant 0 : i32
      %dma_start3A_59 = arith.constant 0 : i32
      %dma_start3A_60 = tpu.memref_slice %arg2[%dma_start3A_58, %dma_start3A_59] : memref<100000x32xf32, #tpu.memory_space<hbm>> -> memref<100000x32xf32, #tpu.memory_space<hbm>>
      tpu.enqueue_indirect_dma source(%dma_start3A_60 : memref<100000x32xf32, #tpu.memory_space<hbm>>) target(%arg9 : memref<512x32xf32, #tpu.memory_space<vmem>>) offsets(%dma_start3A_57 : memref<512xi32, #tpu.memory_space<vmem>>) semaphore(%arg16 : memref<!tpu.dma_semaphore, #tpu.memory_space<semaphore_mem>>)
      %dma_wait3A_61 = arith.constant 512 : i32
      %dma_wait3A_62 = tpu.memref_slice %arg10[%dma_wait3A_61] : memref<1024xi32, #tpu.memory_space<vmem>> -> memref<512xi32, #tpu.memory_space<vmem>>
      %dma_wait3A_63 = arith.constant 0 : i32
      %dma_wait3A_64 = arith.constant 0 : i32
      %dma_wait3A_65 = tpu.memref_slice %arg2[%dma_wait3A_63, %dma_wait3A_64] : memref<100000x32xf32, #tpu.memory_space<hbm>> -> memref<100000x32xf32, #tpu.memory_space<hbm>>
      tpu.wait_indirect_dma semaphore(%arg16 : memref<!tpu.dma_semaphore, #tpu.memory_space<semaphore_mem>>) src(%dma_wait3A_65 : memref<100000x32xf32, #tpu.memory_space<hbm>>) dst(%arg9 : memref<512x32xf32, #tpu.memory_space<vmem>>)
      %broadcast_in_dim3A_66 = arith.constant 512 : i32
      %broadcast_in_dim3A_67 = vector.broadcast %broadcast_in_dim3A_66 : i32 to vector<16xi32>
      %swap3A_68 = arith.constant 0 : index
      %swap3A_69 = tpu.vector_load %arg14[%swap3A_68] {strides = array<i32>} : memref<16xi32, #tpu.memory_space<vmem>>, vector<16xi32>,
      tpu.vector_store %arg14[%swap3A_68], %broadcast_in_dim3A_67 {strides = array<i32>} : memref<16xi32, #tpu.memory_space<vmem>>, vector<16xi32>,
      %scan3A_70 = arith.constant 0 : i32
      %scan3A_71 = arith.constant 512 : i32
      %scan3A_72 = arith.addi %scan3A_70, %scan3A_71 : i32
      %scan3A_73 = arith.constant 1 : i32
      scf.for %scan3A_75 = %scan3A_70 to %scan3A_72 step %scan3A_73  : i32 {
        %mul3A_76 = arith.constant 1 : i32
        %mul3A_77 = arith.muli %scan3A_75, %mul3A_76 : i32
        %add3A_78 = arith.constant 0 : i32
        %add3A_79 = arith.addi %add3A_78, %mul3A_77 : i32
        %get3A = arith.constant 0 : index
        %get3A_80 = tpu.vector_load %arg14[%get3A] {strides = array<i32>} : memref<16xi32, #tpu.memory_space<vmem>>, vector<16xi32>,
        %shift_right_logical3A = arith.constant 4 : i32
        %shift_right_logical3A_81 = vector.broadcast %shift_right_logical3A : i32 to vector<16xi32>
        %shift_right_logical3A_82 = arith.shrui %get3A_80, %shift_right_logical3A_81 : vector<16xi32>
        %and3A = arith.constant 15 : i32
        %and3A_83 = vector.broadcast %and3A : i32 to vector<16xi32>
        %and3A_84 = arith.andi %get3A_80, %and3A_83 : vector<16xi32>
        %gather3A = tpu.vector_load_idx %arg12[%shift_right_logical3A_82, %and3A_84] : memref<64x16xf32, #tpu.memory_space<vmem>>[vector<16xi32>, vector<16xi32>], vector<16xf32>,
        %get3A_85 = arith.constant 0 : index
        %get3A_86 = tpu.vector_load %arg13[%get3A_85] {strides = array<i32>} : memref<128xf32, #tpu.memory_space<vmem>>, vector<16xf32>,
        %mul3A_87 = arith.mulf %get3A_86, %gather3A : vector<16xf32>
        %exp3A = math.exp %mul3A_87 : vector<16xf32>
        %add3A_88 = arith.constant 1.000000e+00 : f32
        %add3A_89 = vector.broadcast %add3A_88 : f32 to vector<16xf32>
        %add3A_90 = arith.addf %exp3A, %add3A_89 : vector<16xf32>
        %get3A_91 = arith.constant 16 : index
        %get3A_92 = tpu.vector_load %arg13[%get3A_91] {strides = array<i32>} : memref<128xf32, #tpu.memory_space<vmem>>, vector<16xf32>,
        %mul3A_93 = arith.mulf %get3A_92, %gather3A : vector<16xf32>
        %exp3A_94 = math.exp %mul3A_93 : vector<16xf32>
        %add3A_95 = arith.constant 1.000000e+00 : f32
        %add3A_96 = vector.broadcast %add3A_95 : f32 to vector<16xf32>
        %add3A_97 = arith.addf %exp3A_94, %add3A_96 : vector<16xf32>
        %get3A_98 = arith.index_cast %add3A_79 : i32 to index
        %get3A_99 = arith.constant 0 : index
        %get3A_100 = tpu.vector_load %arg9[%get3A_98, %get3A_99] {strides = array<i32>} : memref<512x32xf32, #tpu.memory_space<vmem>>, vector<16xf32>,
        %div3A = arith.divf %get3A_100, %add3A_90 : vector<16xf32>
        %swap3A_101 = arith.index_cast %add3A_79 : i32 to index
        %swap3A_102 = arith.constant 0 : index
        %swap3A_103 = tpu.vector_load %arg9[%swap3A_101, %swap3A_102] {strides = array<i32>} : memref<512x32xf32, #tpu.memory_space<vmem>>, vector<16xf32>,
        tpu.vector_store %arg9[%swap3A_101, %swap3A_102], %div3A {strides = array<i32>} : memref<512x32xf32, #tpu.memory_space<vmem>>, vector<16xf32>,
        %get3A_104 = arith.index_cast %add3A_79 : i32 to index
        %get3A_105 = arith.constant 16 : index
        %get3A_106 = tpu.vector_load %arg9[%get3A_104, %get3A_105] {strides = array<i32>} : memref<512x32xf32, #tpu.memory_space<vmem>>, vector<16xf32>,
        %div3A_107 = arith.divf %get3A_106, %add3A_97 : vector<16xf32>
        %swap3A_108 = arith.index_cast %add3A_79 : i32 to index
        %swap3A_109 = arith.constant 16 : index
        %swap3A_110 = tpu.vector_load %arg9[%swap3A_108, %swap3A_109] {strides = array<i32>} : memref<512x32xf32, #tpu.memory_space<vmem>>, vector<16xf32>,
        tpu.vector_store %arg9[%swap3A_108, %swap3A_109], %div3A_107 {strides = array<i32>} : memref<512x32xf32, #tpu.memory_space<vmem>>, vector<16xf32>,
        %add3A_111 = arith.constant 1 : i32
        %add3A_112 = vector.broadcast %add3A_111 : i32 to vector<16xi32>
        %add3A_113 = arith.addi %get3A_80, %add3A_112 : vector<16xi32>
        %swap3A_114 = arith.constant 0 : index
        %swap3A_115 = tpu.vector_load %arg14[%swap3A_114] {strides = array<i32>} : memref<16xi32, #tpu.memory_space<vmem>>, vector<16xi32>,
        tpu.vector_store %arg14[%swap3A_114], %add3A_113 {strides = array<i32>} : memref<16xi32, #tpu.memory_space<vmem>>, vector<16xi32>,
      }
      %scan3A_74 = arith.constant 512 : i32
      "tpu.region"() ({
        %run_scoped3A = tpu.sem_alloc : memref<!tpu.dma_semaphore, #tpu.memory_space<semaphore_mem>>
        %dma_start3A_75 = arith.constant 512 : i32
        %dma_start3A_76 = tpu.memref_slice %arg11[%dma_start3A_75] : memref<1024xi32, #tpu.memory_space<vmem>> -> memref<512xi32, #tpu.memory_space<vmem>>
        %dma_start3A_77 = arith.constant 0 : i32
        %dma_start3A_78 = arith.constant 0 : i32
        %dma_start3A_79 = tpu.memref_slice %arg15[%dma_start3A_77, %dma_start3A_78] : memref<50048x32xf32, #tpu.memory_space<vmem_shared>> -> memref<50048x32xf32, #tpu.memory_space<vmem_shared>>
        tpu.enqueue_indirect_dma source(%arg9 : memref<512x32xf32, #tpu.memory_space<vmem>>) target(%dma_start3A_79 : memref<50048x32xf32, #tpu.memory_space<vmem_shared>>) offsets(%dma_start3A_76 : memref<512xi32, #tpu.memory_space<vmem>>) semaphore(%run_scoped3A : memref<!tpu.dma_semaphore, #tpu.memory_space<semaphore_mem>>) {add = true}
        %dma_wait3A_80 = arith.constant 512 : i32
        %dma_wait3A_81 = tpu.memref_slice %arg11[%dma_wait3A_80] : memref<1024xi32, #tpu.memory_space<vmem>> -> memref<512xi32, #tpu.memory_space<vmem>>
        %dma_wait3A_82 = arith.constant 0 : i32
        %dma_wait3A_83 = arith.constant 0 : i32
        %dma_wait3A_84 = tpu.memref_slice %arg15[%dma_wait3A_82, %dma_wait3A_83] : memref<50048x32xf32, #tpu.memory_space<vmem_shared>> -> memref<50048x32xf32, #tpu.memory_space<vmem_shared>>
        tpu.wait_indirect_dma semaphore(%run_scoped3A : memref<!tpu.dma_semaphore, #tpu.memory_space<semaphore_mem>>) src(%arg9 : memref<512x32xf32, #tpu.memory_space<vmem>>) dst(%dma_wait3A_84 : memref<50048x32xf32, #tpu.memory_space<vmem_shared>>)
        tpu.yield
      }) : () -> ()
    }
    %scan3A_23 = arith.constant 49 : i32
    %barrier3A_24 = arith.constant 0 : index
    tpu.barrier barrier_id(%barrier3A_24)
    %eq3A = arith.constant 0 : i32
    %eq3A_25 = arith.cmpi eq, %arg0, %eq3A : i32
    %convert_element_type3A = arith.extui %eq3A_25 : i1 to i32
    %cond3A = arith.constant 0 : i32
    %cond3A_26 = arith.cmpi ne, %convert_element_type3A, %cond3A : i32
    scf.if %cond3A_26 {
      "tpu.region"() ({
        %run_scoped3A = tpu.sem_alloc : memref<!tpu.dma_semaphore, #tpu.memory_space<semaphore_mem>>
        %dma_start3A = arith.constant 0 : i32
        %dma_start3A_32 = tpu.memref_slice %arg7[%multiple_of3A, %dma_start3A] : memref<50048x32xf32, #tpu.memory_space<hbm>> -> memref<3128x32xf32, #tpu.memory_space<hbm>>
        %dma_start3A_33 = arith.constant 0 : i32
        %dma_start3A_34 = tpu.memref_slice %arg15[%multiple_of3A, %dma_start3A_33] : memref<50048x32xf32, #tpu.memory_space<vmem_shared>> -> memref<3128x32xf32, #tpu.memory_space<vmem_shared>>
        tpu.enqueue_dma source(%dma_start3A_34 : memref<3128x32xf32, #tpu.memory_space<vmem_shared>>) target(%dma_start3A_32 : memref<3128x32xf32, #tpu.memory_space<hbm>>) target_semaphore(%run_scoped3A : memref<!tpu.dma_semaphore, #tpu.memory_space<semaphore_mem>>)
        %dma_wait3A = arith.constant 0 : i32
        %dma_wait3A_35 = tpu.memref_slice %arg7[%multiple_of3A, %dma_wait3A] : memref<50048x32xf32, #tpu.memory_space<hbm>> -> memref<3128x32xf32, #tpu.memory_space<hbm>>
        %dma_wait3A_36 = arith.constant 0 : i32
        %dma_wait3A_37 = tpu.memref_slice %arg15[%multiple_of3A, %dma_wait3A_36] : memref<50048x32xf32, #tpu.memory_space<vmem_shared>> -> memref<3128x32xf32, #tpu.memory_space<vmem_shared>>
        tpu.wait_dma2 semaphore(%run_scoped3A : memref<!tpu.dma_semaphore, #tpu.memory_space<semaphore_mem>>) src(%dma_wait3A_37 : memref<3128x32xf32, #tpu.memory_space<vmem_shared>>) dst(%dma_wait3A_35 : memref<3128x32xf32, #tpu.memory_space<hbm>>)
        tpu.yield
      }) : () -> ()
    } else {
    }
    %eq3A_27 = arith.constant 1 : i32
    %eq3A_28 = arith.cmpi eq, %arg0, %eq3A_27 : i32
    %convert_element_type3A_29 = arith.extui %eq3A_28 : i1 to i32
    %cond3A_30 = arith.constant 0 : i32
    %cond3A_31 = arith.cmpi ne, %convert_element_type3A_29, %cond3A_30 : i32
    scf.if %cond3A_31 {
      "tpu.region"() ({
        %run_scoped3A = tpu.sem_alloc : memref<!tpu.dma_semaphore, #tpu.memory_space<semaphore_mem>>
        %dma_start3A = arith.constant 0 : i32
        %dma_start3A_32 = tpu.memref_slice %arg8[%multiple_of3A, %dma_start3A] : memref<50048x32xf32, #tpu.memory_space<hbm>> -> memref<3128x32xf32, #tpu.memory_space<hbm>>
        %dma_start3A_33 = arith.constant 0 : i32
        %dma_start3A_34 = tpu.memref_slice %arg15[%multiple_of3A, %dma_start3A_33] : memref<50048x32xf32, #tpu.memory_space<vmem_shared>> -> memref<3128x32xf32, #tpu.memory_space<vmem_shared>>
        tpu.enqueue_dma source(%dma_start3A_34 : memref<3128x32xf32, #tpu.memory_space<vmem_shared>>) target(%dma_start3A_32 : memref<3128x32xf32, #tpu.memory_space<hbm>>) target_semaphore(%run_scoped3A : memref<!tpu.dma_semaphore, #tpu.memory_space<semaphore_mem>>)
        %dma_wait3A = arith.constant 0 : i32
        %dma_wait3A_35 = tpu.memref_slice %arg8[%multiple_of3A, %dma_wait3A] : memref<50048x32xf32, #tpu.memory_space<hbm>> -> memref<3128x32xf32, #tpu.memory_space<hbm>>
        %dma_wait3A_36 = arith.constant 0 : i32
        %dma_wait3A_37 = tpu.memref_slice %arg15[%multiple_of3A, %dma_wait3A_36] : memref<50048x32xf32, #tpu.memory_space<vmem_shared>> -> memref<3128x32xf32, #tpu.memory_space<vmem_shared>>
        tpu.wait_dma2 semaphore(%run_scoped3A : memref<!tpu.dma_semaphore, #tpu.memory_space<semaphore_mem>>) src(%dma_wait3A_37 : memref<3128x32xf32, #tpu.memory_space<vmem_shared>>) dst(%dma_wait3A_35 : memref<3128x32xf32, #tpu.memory_space<hbm>>)
        tpu.yield
      }) : () -> ()
    } else {
    }
    return
  }
}

#map = affine_map<(d0, d1) -> (0, 0)>
#map1 = affine_map<(d0, d1) -> (0, 0, 0)>
module attributes {stable_mosaic.version = 14 : i64} {
  func.func @k(%arg0: i32, %arg1: i32, %arg2: memref<100000x32xf32, #tpu.memory_space<hbm>>, %arg3: memref<2x784x1024xi32, #tpu.memory_space<hbm>>, %arg4: memref<784x1024xi32, #tpu.memory_space<hbm>>, %arg5: memref<784x64x16xf32, #tpu.memory_space<hbm>>, %arg6: memref<2x128xf32, #tpu.memory_space<hbm>>, %arg7: memref<50048x32xf32, #tpu.memory_space<hbm>>, %arg8: memref<50048x32xf32, #tpu.memory_space<hbm>>, %arg9: memref<512x32xf32, #tpu.memory_space<vmem>>, %arg10: memref<1024xi32, #tpu.memory_space<vmem>>, %arg11: memref<1024xi32, #tpu.memory_space<vmem>>, %arg12: memref<64x16xf32, #tpu.memory_space<vmem>>, %arg13: memref<128xf32, #tpu.memory_space<vmem>>, %arg14: memref<16xi32, #tpu.memory_space<vmem>>, %arg15: memref<50048x32xf32, #tpu.memory_space<vmem_shared>>, %arg16: memref<!tpu.dma_semaphore, #tpu.memory_space<semaphore_mem>>) attributes {dimension_semantics = [#tpu.dimension_semantics<core_parallel>, #tpu.dimension_semantics<subcore_parallel>], iteration_bounds = array<i64: 2, 16>, scalar_prefetch = 0 : i64, scratch_operands = 8 : i64, tpu.core_type = #tpu.core_type<sc_vector_subcore>, window_params = [{transform_indices = #map}, {transform_indices = #map1}, {transform_indices = #map}, {transform_indices = #map1}, {transform_indices = #map}, {transform_indices = #map}, {transform_indices = #map}]} {
    %broadcast_in_dim3A = arith.constant 0.000000e+00 : f32
    %broadcast_in_dim3A_0 = vector.broadcast %broadcast_in_dim3A : f32 to vector<16xf32>
    %scan3A = arith.constant 0 : i32
    %scan3A_1 = arith.constant 512 : i32
    %scan3A_2 = arith.addi %scan3A, %scan3A_1 : i32
    %scan3A_3 = arith.constant 1 : i32
    scf.for %scan3A_32 = %scan3A to %scan3A_2 step %scan3A_3  : i32 {
      %mul3A_33 = arith.constant 1 : i32
      %mul3A_34 = arith.muli %scan3A_32, %mul3A_33 : i32
      %add3A_35 = arith.constant 0 : i32
      %add3A_36 = arith.addi %add3A_35, %mul3A_34 : i32
      %swap3A = arith.index_cast %add3A_36 : i32 to index
      %swap3A_37 = arith.constant 0 : index
      %swap3A_38 = tpu.vector_load %arg9[%swap3A, %swap3A_37] {strides = array<i32>} : memref<512x32xf32, #tpu.memory_space<vmem>>, vector<16xf32>,
      tpu.vector_store %arg9[%swap3A, %swap3A_37], %broadcast_in_dim3A_0 {strides = array<i32>} : memref<512x32xf32, #tpu.memory_space<vmem>>, vector<16xf32>,
      %swap3A_39 = arith.index_cast %add3A_36 : i32 to index
      %swap3A_40 = arith.constant 16 : index
      %swap3A_41 = tpu.vector_load %arg9[%swap3A_39, %swap3A_40] {strides = array<i32>} : memref<512x32xf32, #tpu.memory_space<vmem>>, vector<16xf32>,
      tpu.vector_store %arg9[%swap3A_39, %swap3A_40], %broadcast_in_dim3A_0 {strides = array<i32>} : memref<512x32xf32, #tpu.memory_space<vmem>>, vector<16xf32>,
    }
    %scan3A_4 = arith.constant 512 : i32
    %mul3A = arith.constant 3128 : i32
    %mul3A_5 = arith.muli %arg1, %mul3A : i32
    %multiple_of3A = tpu.assume_multiple %mul3A_5, 8 : i32
    %add3A = arith.constant 0 : i32
    %add3A_6 = arith.addi %multiple_of3A, %add3A : i32
    "tpu.region"() ({
      %run_scoped3A = tpu.sem_alloc : memref<!tpu.dma_semaphore, #tpu.memory_space<semaphore_mem>>
      %dma_start3A = arith.constant 0 : i32
      %dma_start3A_32 = tpu.memref_slice %arg15[%add3A_6, %dma_start3A] : memref<50048x32xf32, #tpu.memory_space<vmem_shared>> -> memref<512x32xf32, #tpu.memory_space<vmem_shared>>
      %dma_start3A_33 = arith.constant 0 : i32
      %dma_start3A_34 = tpu.memref_slice %arg15[%add3A_6, %dma_start3A_33] : memref<50048x32xf32, #tpu.memory_space<vmem_shared>> -> memref<512x32xf32, #tpu.memory_space<vmem_shared>>
      tpu.enqueue_dma source(%arg9 : memref<512x32xf32, #tpu.memory_space<vmem>>) target(%dma_start3A_34 : memref<512x32xf32, #tpu.memory_space<vmem_shared>>) target_semaphore(%run_scoped3A : memref<!tpu.dma_semaphore, #tpu.memory_space<semaphore_mem>>)
      %dma_wait3A = arith.constant 0 : i32
      %dma_wait3A_35 = tpu.memref_slice %arg15[%add3A_6, %dma_wait3A] : memref<50048x32xf32, #tpu.memory_space<vmem_shared>> -> memref<512x32xf32, #tpu.memory_space<vmem_shared>>
      %dma_wait3A_36 = arith.constant 0 : i32
      %dma_wait3A_37 = tpu.memref_slice %arg15[%add3A_6, %dma_wait3A_36] : memref<50048x32xf32, #tpu.memory_space<vmem_shared>> -> memref<512x32xf32, #tpu.memory_space<vmem_shared>>
      tpu.wait_dma2 semaphore(%run_scoped3A : memref<!tpu.dma_semaphore, #tpu.memory_space<semaphore_mem>>) src(%arg9 : memref<512x32xf32, #tpu.memory_space<vmem>>) dst(%dma_wait3A_37 : memref<512x32xf32, #tpu.memory_space<vmem_shared>>)
      tpu.yield
    }) : () -> ()
    %add3A_7 = arith.constant 512 : i32
    %add3A_8 = arith.addi %multiple_of3A, %add3A_7 : i32
    "tpu.region"() ({
      %run_scoped3A = tpu.sem_alloc : memref<!tpu.dma_semaphore, #tpu.memory_space<semaphore_mem>>
      %dma_start3A = arith.constant 0 : i32
      %dma_start3A_32 = tpu.memref_slice %arg15[%add3A_8, %dma_start3A] : memref<50048x32xf32, #tpu.memory_space<vmem_shared>> -> memref<512x32xf32, #tpu.memory_space<vmem_shared>>
      %dma_start3A_33 = arith.constant 0 : i32
      %dma_start3A_34 = tpu.memref_slice %arg15[%add3A_8, %dma_start3A_33] : memref<50048x32xf32, #tpu.memory_space<vmem_shared>> -> memref<512x32xf32, #tpu.memory_space<vmem_shared>>
      tpu.enqueue_dma source(%arg9 : memref<512x32xf32, #tpu.memory_space<vmem>>) target(%dma_start3A_34 : memref<512x32xf32, #tpu.memory_space<vmem_shared>>) target_semaphore(%run_scoped3A : memref<!tpu.dma_semaphore, #tpu.memory_space<semaphore_mem>>)
      %dma_wait3A = arith.constant 0 : i32
      %dma_wait3A_35 = tpu.memref_slice %arg15[%add3A_8, %dma_wait3A] : memref<50048x32xf32, #tpu.memory_space<vmem_shared>> -> memref<512x32xf32, #tpu.memory_space<vmem_shared>>
      %dma_wait3A_36 = arith.constant 0 : i32
      %dma_wait3A_37 = tpu.memref_slice %arg15[%add3A_8, %dma_wait3A_36] : memref<50048x32xf32, #tpu.memory_space<vmem_shared>> -> memref<512x32xf32, #tpu.memory_space<vmem_shared>>
      tpu.wait_dma2 semaphore(%run_scoped3A : memref<!tpu.dma_semaphore, #tpu.memory_space<semaphore_mem>>) src(%arg9 : memref<512x32xf32, #tpu.memory_space<vmem>>) dst(%dma_wait3A_37 : memref<512x32xf32, #tpu.memory_space<vmem_shared>>)
      tpu.yield
    }) : () -> ()
    %add3A_9 = arith.constant 1024 : i32
    %add3A_10 = arith.addi %multiple_of3A, %add3A_9 : i32
    "tpu.region"() ({
      %run_scoped3A = tpu.sem_alloc : memref<!tpu.dma_semaphore, #tpu.memory_space<semaphore_mem>>
      %dma_start3A = arith.constant 0 : i32
      %dma_start3A_32 = tpu.memref_slice %arg15[%add3A_10, %dma_start3A] : memref<50048x32xf32, #tpu.memory_space<vmem_shared>> -> memref<512x32xf32, #tpu.memory_space<vmem_shared>>
      %dma_start3A_33 = arith.constant 0 : i32
      %dma_start3A_34 = tpu.memref_slice %arg15[%add3A_10, %dma_start3A_33] : memref<50048x32xf32, #tpu.memory_space<vmem_shared>> -> memref<512x32xf32, #tpu.memory_space<vmem_shared>>
      tpu.enqueue_dma source(%arg9 : memref<512x32xf32, #tpu.memory_space<vmem>>) target(%dma_start3A_34 : memref<512x32xf32, #tpu.memory_space<vmem_shared>>) target_semaphore(%run_scoped3A : memref<!tpu.dma_semaphore, #tpu.memory_space<semaphore_mem>>)
      %dma_wait3A = arith.constant 0 : i32
      %dma_wait3A_35 = tpu.memref_slice %arg15[%add3A_10, %dma_wait3A] : memref<50048x32xf32, #tpu.memory_space<vmem_shared>> -> memref<512x32xf32, #tpu.memory_space<vmem_shared>>
      %dma_wait3A_36 = arith.constant 0 : i32
      %dma_wait3A_37 = tpu.memref_slice %arg15[%add3A_10, %dma_wait3A_36] : memref<50048x32xf32, #tpu.memory_space<vmem_shared>> -> memref<512x32xf32, #tpu.memory_space<vmem_shared>>
      tpu.wait_dma2 semaphore(%run_scoped3A : memref<!tpu.dma_semaphore, #tpu.memory_space<semaphore_mem>>) src(%arg9 : memref<512x32xf32, #tpu.memory_space<vmem>>) dst(%dma_wait3A_37 : memref<512x32xf32, #tpu.memory_space<vmem_shared>>)
      tpu.yield
    }) : () -> ()
    %add3A_11 = arith.constant 1536 : i32
    %add3A_12 = arith.addi %multiple_of3A, %add3A_11 : i32
    "tpu.region"() ({
      %run_scoped3A = tpu.sem_alloc : memref<!tpu.dma_semaphore, #tpu.memory_space<semaphore_mem>>
      %dma_start3A = arith.constant 0 : i32
      %dma_start3A_32 = tpu.memref_slice %arg15[%add3A_12, %dma_start3A] : memref<50048x32xf32, #tpu.memory_space<vmem_shared>> -> memref<512x32xf32, #tpu.memory_space<vmem_shared>>
      %dma_start3A_33 = arith.constant 0 : i32
      %dma_start3A_34 = tpu.memref_slice %arg15[%add3A_12, %dma_start3A_33] : memref<50048x32xf32, #tpu.memory_space<vmem_shared>> -> memref<512x32xf32, #tpu.memory_space<vmem_shared>>
      tpu.enqueue_dma source(%arg9 : memref<512x32xf32, #tpu.memory_space<vmem>>) target(%dma_start3A_34 : memref<512x32xf32, #tpu.memory_space<vmem_shared>>) target_semaphore(%run_scoped3A : memref<!tpu.dma_semaphore, #tpu.memory_space<semaphore_mem>>)
      %dma_wait3A = arith.constant 0 : i32
      %dma_wait3A_35 = tpu.memref_slice %arg15[%add3A_12, %dma_wait3A] : memref<50048x32xf32, #tpu.memory_space<vmem_shared>> -> memref<512x32xf32, #tpu.memory_space<vmem_shared>>
      %dma_wait3A_36 = arith.constant 0 : i32
      %dma_wait3A_37 = tpu.memref_slice %arg15[%add3A_12, %dma_wait3A_36] : memref<50048x32xf32, #tpu.memory_space<vmem_shared>> -> memref<512x32xf32, #tpu.memory_space<vmem_shared>>
      tpu.wait_dma2 semaphore(%run_scoped3A : memref<!tpu.dma_semaphore, #tpu.memory_space<semaphore_mem>>) src(%arg9 : memref<512x32xf32, #tpu.memory_space<vmem>>) dst(%dma_wait3A_37 : memref<512x32xf32, #tpu.memory_space<vmem_shared>>)
      tpu.yield
    }) : () -> ()
    %add3A_13 = arith.constant 2048 : i32
    %add3A_14 = arith.addi %multiple_of3A, %add3A_13 : i32
    "tpu.region"() ({
      %run_scoped3A = tpu.sem_alloc : memref<!tpu.dma_semaphore, #tpu.memory_space<semaphore_mem>>
      %dma_start3A = arith.constant 0 : i32
      %dma_start3A_32 = tpu.memref_slice %arg15[%add3A_14, %dma_start3A] : memref<50048x32xf32, #tpu.memory_space<vmem_shared>> -> memref<512x32xf32, #tpu.memory_space<vmem_shared>>
      %dma_start3A_33 = arith.constant 0 : i32
      %dma_start3A_34 = tpu.memref_slice %arg15[%add3A_14, %dma_start3A_33] : memref<50048x32xf32, #tpu.memory_space<vmem_shared>> -> memref<512x32xf32, #tpu.memory_space<vmem_shared>>
      tpu.enqueue_dma source(%arg9 : memref<512x32xf32, #tpu.memory_space<vmem>>) target(%dma_start3A_34 : memref<512x32xf32, #tpu.memory_space<vmem_shared>>) target_semaphore(%run_scoped3A : memref<!tpu.dma_semaphore, #tpu.memory_space<semaphore_mem>>)
      %dma_wait3A = arith.constant 0 : i32
      %dma_wait3A_35 = tpu.memref_slice %arg15[%add3A_14, %dma_wait3A] : memref<50048x32xf32, #tpu.memory_space<vmem_shared>> -> memref<512x32xf32, #tpu.memory_space<vmem_shared>>
      %dma_wait3A_36 = arith.constant 0 : i32
      %dma_wait3A_37 = tpu.memref_slice %arg15[%add3A_14, %dma_wait3A_36] : memref<50048x32xf32, #tpu.memory_space<vmem_shared>> -> memref<512x32xf32, #tpu.memory_space<vmem_shared>>
      tpu.wait_dma2 semaphore(%run_scoped3A : memref<!tpu.dma_semaphore, #tpu.memory_space<semaphore_mem>>) src(%arg9 : memref<512x32xf32, #tpu.memory_space<vmem>>) dst(%dma_wait3A_37 : memref<512x32xf32, #tpu.memory_space<vmem_shared>>)
      tpu.yield
    }) : () -> ()
    %add3A_15 = arith.constant 2560 : i32
    %add3A_16 = arith.addi %multiple_of3A, %add3A_15 : i32
    "tpu.region"() ({
      %run_scoped3A = tpu.sem_alloc : memref<!tpu.dma_semaphore, #tpu.memory_space<semaphore_mem>>
      %dma_start3A = arith.constant 0 : i32
      %dma_start3A_32 = tpu.memref_slice %arg15[%add3A_16, %dma_start3A] : memref<50048x32xf32, #tpu.memory_space<vmem_shared>> -> memref<512x32xf32, #tpu.memory_space<vmem_shared>>
      %dma_start3A_33 = arith.constant 0 : i32
      %dma_start3A_34 = tpu.memref_slice %arg15[%add3A_16, %dma_start3A_33] : memref<50048x32xf32, #tpu.memory_space<vmem_shared>> -> memref<512x32xf32, #tpu.memory_space<vmem_shared>>
      tpu.enqueue_dma source(%arg9 : memref<512x32xf32, #tpu.memory_space<vmem>>) target(%dma_start3A_34 : memref<512x32xf32, #tpu.memory_space<vmem_shared>>) target_semaphore(%run_scoped3A : memref<!tpu.dma_semaphore, #tpu.memory_space<semaphore_mem>>)
      %dma_wait3A = arith.constant 0 : i32
      %dma_wait3A_35 = tpu.memref_slice %arg15[%add3A_16, %dma_wait3A] : memref<50048x32xf32, #tpu.memory_space<vmem_shared>> -> memref<512x32xf32, #tpu.memory_space<vmem_shared>>
      %dma_wait3A_36 = arith.constant 0 : i32
      %dma_wait3A_37 = tpu.memref_slice %arg15[%add3A_16, %dma_wait3A_36] : memref<50048x32xf32, #tpu.memory_space<vmem_shared>> -> memref<512x32xf32, #tpu.memory_space<vmem_shared>>
      tpu.wait_dma2 semaphore(%run_scoped3A : memref<!tpu.dma_semaphore, #tpu.memory_space<semaphore_mem>>) src(%arg9 : memref<512x32xf32, #tpu.memory_space<vmem>>) dst(%dma_wait3A_37 : memref<512x32xf32, #tpu.memory_space<vmem_shared>>)
      tpu.yield
    }) : () -> ()
    %add3A_17 = arith.constant 3072 : i32
    %add3A_18 = arith.addi %multiple_of3A, %add3A_17 : i32
    "tpu.region"() ({
      %run_scoped3A = tpu.sem_alloc : memref<!tpu.dma_semaphore, #tpu.memory_space<semaphore_mem>>
      %dma_start3A = arith.constant 0 : i32
      %dma_start3A_32 = arith.constant 0 : i32
      %dma_start3A_33 = tpu.memref_slice %arg9[%dma_start3A, %dma_start3A_32] : memref<512x32xf32, #tpu.memory_space<vmem>> -> memref<56x32xf32, #tpu.memory_space<vmem>>
      %dma_start3A_34 = arith.constant 0 : i32
      %dma_start3A_35 = tpu.memref_slice %arg15[%add3A_18, %dma_start3A_34] : memref<50048x32xf32, #tpu.memory_space<vmem_shared>> -> memref<56x32xf32, #tpu.memory_space<vmem_shared>>
      %dma_start3A_36 = arith.constant 0 : i32
      %dma_start3A_37 = tpu.memref_slice %arg15[%add3A_18, %dma_start3A_36] : memref<50048x32xf32, #tpu.memory_space<vmem_shared>> -> memref<56x32xf32, #tpu.memory_space<vmem_shared>>
      %dma_start3A_38 = arith.constant 0 : i32
      %dma_start3A_39 = arith.constant 0 : i32
      %dma_start3A_40 = tpu.memref_slice %arg9[%dma_start3A_38, %dma_start3A_39] : memref<512x32xf32, #tpu.memory_space<vmem>> -> memref<56x32xf32, #tpu.memory_space<vmem>>
      tpu.enqueue_dma source(%dma_start3A_40 : memref<56x32xf32, #tpu.memory_space<vmem>>) target(%dma_start3A_37 : memref<56x32xf32, #tpu.memory_space<vmem_shared>>) target_semaphore(%run_scoped3A : memref<!tpu.dma_semaphore, #tpu.memory_space<semaphore_mem>>)
      %dma_wait3A = arith.constant 0 : i32
      %dma_wait3A_41 = arith.constant 0 : i32
      %dma_wait3A_42 = tpu.memref_slice %arg9[%dma_wait3A, %dma_wait3A_41] : memref<512x32xf32, #tpu.memory_space<vmem>> -> memref<56x32xf32, #tpu.memory_space<vmem>>
      %dma_wait3A_43 = arith.constant 0 : i32
      %dma_wait3A_44 = tpu.memref_slice %arg15[%add3A_18, %dma_wait3A_43] : memref<50048x32xf32, #tpu.memory_space<vmem_shared>> -> memref<56x32xf32, #tpu.memory_space<vmem_shared>>
      %dma_wait3A_45 = arith.constant 0 : i32
      %dma_wait3A_46 = tpu.memref_slice %arg15[%add3A_18, %dma_wait3A_45] : memref<50048x32xf32, #tpu.memory_space<vmem_shared>> -> memref<56x32xf32, #tpu.memory_space<vmem_shared>>
      %dma_wait3A_47 = arith.constant 0 : i32
      %dma_wait3A_48 = arith.constant 0 : i32
      %dma_wait3A_49 = tpu.memref_slice %arg9[%dma_wait3A_47, %dma_wait3A_48] : memref<512x32xf32, #tpu.memory_space<vmem>> -> memref<56x32xf32, #tpu.memory_space<vmem>>
      tpu.wait_dma2 semaphore(%run_scoped3A : memref<!tpu.dma_semaphore, #tpu.memory_space<semaphore_mem>>) src(%dma_wait3A_49 : memref<56x32xf32, #tpu.memory_space<vmem>>) dst(%dma_wait3A_46 : memref<56x32xf32, #tpu.memory_space<vmem_shared>>)
      tpu.yield
    }) : () -> ()
    "tpu.region"() ({
      %run_scoped3A = tpu.sem_alloc : memref<!tpu.dma_semaphore, #tpu.memory_space<semaphore_mem>>
      %dma_start3A = arith.constant 0 : i32
      %dma_start3A_32 = tpu.memref_slice %arg6[%arg0, %dma_start3A] : memref<2x128xf32, #tpu.memory_space<hbm>> -> memref<1x128xf32, #tpu.memory_space<hbm>>
      %dma_start3A_33 = tpu.memref_squeeze %dma_start3A_32 : memref<1x128xf32, #tpu.memory_space<hbm>> -> memref<128xf32, #tpu.memory_space<hbm>>
      %dma_start3A_34 = arith.constant 0 : i32
      %dma_start3A_35 = tpu.memref_slice %arg6[%arg0, %dma_start3A_34] : memref<2x128xf32, #tpu.memory_space<hbm>> -> memref<1x128xf32, #tpu.memory_space<hbm>>
      %dma_start3A_36 = tpu.memref_squeeze %dma_start3A_35 : memref<1x128xf32, #tpu.memory_space<hbm>> -> memref<128xf32, #tpu.memory_space<hbm>>
      tpu.enqueue_dma source(%dma_start3A_36 : memref<128xf32, #tpu.memory_space<hbm>>) target(%arg13 : memref<128xf32, #tpu.memory_space<vmem>>) target_semaphore(%run_scoped3A : memref<!tpu.dma_semaphore, #tpu.memory_space<semaphore_mem>>)
      %dma_wait3A = arith.constant 0 : i32
      %dma_wait3A_37 = tpu.memref_slice %arg6[%arg0, %dma_wait3A] : memref<2x128xf32, #tpu.memory_space<hbm>> -> memref<1x128xf32, #tpu.memory_space<hbm>>
      %dma_wait3A_38 = tpu.memref_squeeze %dma_wait3A_37 : memref<1x128xf32, #tpu.memory_space<hbm>> -> memref<128xf32, #tpu.memory_space<hbm>>
      %dma_wait3A_39 = arith.constant 0 : i32
      %dma_wait3A_40 = tpu.memref_slice %arg6[%arg0, %dma_wait3A_39] : memref<2x128xf32, #tpu.memory_space<hbm>> -> memref<1x128xf32, #tpu.memory_space<hbm>>
      %dma_wait3A_41 = tpu.memref_squeeze %dma_wait3A_40 : memref<1x128xf32, #tpu.memory_space<hbm>> -> memref<128xf32, #tpu.memory_space<hbm>>
      tpu.wait_dma2 semaphore(%run_scoped3A : memref<!tpu.dma_semaphore, #tpu.memory_space<semaphore_mem>>) src(%dma_wait3A_41 : memref<128xf32, #tpu.memory_space<hbm>>) dst(%arg13 : memref<128xf32, #tpu.memory_space<vmem>>)
      tpu.yield
    }) : () -> ()
    %barrier3A = arith.constant 0 : index
    tpu.barrier barrier_id(%barrier3A)
    %scan3A_19 = arith.constant 0 : i32
    %scan3A_20 = arith.constant 49 : i32
    %scan3A_21 = arith.addi %scan3A_19, %scan3A_20 : i32
    %scan3A_22 = arith.constant 1 : i32
    scf.for %scan3A_32 = %scan3A_19 to %scan3A_21 step %scan3A_22  : i32 {
      %mul3A_33 = arith.constant 1 : i32
      %mul3A_34 = arith.muli %scan3A_32, %mul3A_33 : i32
      %add3A_35 = arith.constant 0 : i32
      %add3A_36 = arith.addi %add3A_35, %mul3A_34 : i32
      %mul3A_37 = arith.constant 49 : i32
      %mul3A_38 = arith.muli %arg1, %mul3A_37 : i32
      %add3A_39 = arith.addi %mul3A_38, %add3A_36 : i32
      "tpu.region"() ({
        %run_scoped3A = tpu.sem_alloc : memref<!tpu.dma_semaphore, #tpu.memory_space<semaphore_mem>>
        %dma_start3A_75 = arith.constant 0 : i32
        %dma_start3A_76 = tpu.memref_slice %arg3[%arg0, %add3A_39, %dma_start3A_75] : memref<2x784x1024xi32, #tpu.memory_space<hbm>> -> memref<1x1x1024xi32, #tpu.memory_space<hbm>>
        %dma_start3A_77 = tpu.memref_squeeze %dma_start3A_76 : memref<1x1x1024xi32, #tpu.memory_space<hbm>> -> memref<1024xi32, #tpu.memory_space<hbm>>
        %dma_start3A_78 = arith.constant 0 : i32
        %dma_start3A_79 = tpu.memref_slice %arg3[%arg0, %add3A_39, %dma_start3A_78] : memref<2x784x1024xi32, #tpu.memory_space<hbm>> -> memref<1x1x1024xi32, #tpu.memory_space<hbm>>
        %dma_start3A_80 = tpu.memref_squeeze %dma_start3A_79 : memref<1x1x1024xi32, #tpu.memory_space<hbm>> -> memref<1024xi32, #tpu.memory_space<hbm>>
        tpu.enqueue_dma source(%dma_start3A_80 : memref<1024xi32, #tpu.memory_space<hbm>>) target(%arg10 : memref<1024xi32, #tpu.memory_space<vmem>>) target_semaphore(%run_scoped3A : memref<!tpu.dma_semaphore, #tpu.memory_space<semaphore_mem>>)
        %dma_wait3A_81 = arith.constant 0 : i32
        %dma_wait3A_82 = tpu.memref_slice %arg3[%arg0, %add3A_39, %dma_wait3A_81] : memref<2x784x1024xi32, #tpu.memory_space<hbm>> -> memref<1x1x1024xi32, #tpu.memory_space<hbm>>
        %dma_wait3A_83 = tpu.memref_squeeze %dma_wait3A_82 : memref<1x1x1024xi32, #tpu.memory_space<hbm>> -> memref<1024xi32, #tpu.memory_space<hbm>>
        %dma_wait3A_84 = arith.constant 0 : i32
        %dma_wait3A_85 = tpu.memref_slice %arg3[%arg0, %add3A_39, %dma_wait3A_84] : memref<2x784x1024xi32, #tpu.memory_space<hbm>> -> memref<1x1x1024xi32, #tpu.memory_space<hbm>>
        %dma_wait3A_86 = tpu.memref_squeeze %dma_wait3A_85 : memref<1x1x1024xi32, #tpu.memory_space<hbm>> -> memref<1024xi32, #tpu.memory_space<hbm>>
        tpu.wait_dma2 semaphore(%run_scoped3A : memref<!tpu.dma_semaphore, #tpu.memory_space<semaphore_mem>>) src(%dma_wait3A_86 : memref<1024xi32, #tpu.memory_space<hbm>>) dst(%arg10 : memref<1024xi32, #tpu.memory_space<vmem>>)
        tpu.yield
      }) : () -> ()
      "tpu.region"() ({
        %run_scoped3A = tpu.sem_alloc : memref<!tpu.dma_semaphore, #tpu.memory_space<semaphore_mem>>
        %dma_start3A_75 = arith.constant 0 : i32
        %dma_start3A_76 = tpu.memref_slice %arg4[%add3A_39, %dma_start3A_75] : memref<784x1024xi32, #tpu.memory_space<hbm>> -> memref<1x1024xi32, #tpu.memory_space<hbm>>
        %dma_start3A_77 = tpu.memref_squeeze %dma_start3A_76 : memref<1x1024xi32, #tpu.memory_space<hbm>> -> memref<1024xi32, #tpu.memory_space<hbm>>
        %dma_start3A_78 = arith.constant 0 : i32
        %dma_start3A_79 = tpu.memref_slice %arg4[%add3A_39, %dma_start3A_78] : memref<784x1024xi32, #tpu.memory_space<hbm>> -> memref<1x1024xi32, #tpu.memory_space<hbm>>
        %dma_start3A_80 = tpu.memref_squeeze %dma_start3A_79 : memref<1x1024xi32, #tpu.memory_space<hbm>> -> memref<1024xi32, #tpu.memory_space<hbm>>
        tpu.enqueue_dma source(%dma_start3A_80 : memref<1024xi32, #tpu.memory_space<hbm>>) target(%arg11 : memref<1024xi32, #tpu.memory_space<vmem>>) target_semaphore(%run_scoped3A : memref<!tpu.dma_semaphore, #tpu.memory_space<semaphore_mem>>)
        %dma_wait3A_81 = arith.constant 0 : i32
        %dma_wait3A_82 = tpu.memref_slice %arg4[%add3A_39, %dma_wait3A_81] : memref<784x1024xi32, #tpu.memory_space<hbm>> -> memref<1x1024xi32, #tpu.memory_space<hbm>>
        %dma_wait3A_83 = tpu.memref_squeeze %dma_wait3A_82 : memref<1x1024xi32, #tpu.memory_space<hbm>> -> memref<1024xi32, #tpu.memory_space<hbm>>
        %dma_wait3A_84 = arith.constant 0 : i32
        %dma_wait3A_85 = tpu.memref_slice %arg4[%add3A_39, %dma_wait3A_84] : memref<784x1024xi32, #tpu.memory_space<hbm>> -> memref<1x1024xi32, #tpu.memory_space<hbm>>
        %dma_wait3A_86 = tpu.memref_squeeze %dma_wait3A_85 : memref<1x1024xi32, #tpu.memory_space<hbm>> -> memref<1024xi32, #tpu.memory_space<hbm>>
        tpu.wait_dma2 semaphore(%run_scoped3A : memref<!tpu.dma_semaphore, #tpu.memory_space<semaphore_mem>>) src(%dma_wait3A_86 : memref<1024xi32, #tpu.memory_space<hbm>>) dst(%arg11 : memref<1024xi32, #tpu.memory_space<vmem>>)
        tpu.yield
      }) : () -> ()
      "tpu.region"() ({
        %run_scoped3A = tpu.sem_alloc : memref<!tpu.dma_semaphore, #tpu.memory_space<semaphore_mem>>
        %dma_start3A_75 = arith.constant 0 : i32
        %dma_start3A_76 = arith.constant 0 : i32
        %dma_start3A_77 = tpu.memref_slice %arg5[%add3A_39, %dma_start3A_75, %dma_start3A_76] : memref<784x64x16xf32, #tpu.memory_space<hbm>> -> memref<1x64x16xf32, #tpu.memory_space<hbm>>
        %dma_start3A_78 = tpu.memref_squeeze %dma_start3A_77 : memref<1x64x16xf32, #tpu.memory_space<hbm>> -> memref<64x16xf32, #tpu.memory_space<hbm>>
        %dma_start3A_79 = arith.constant 0 : i32
        %dma_start3A_80 = arith.constant 0 : i32
        %dma_start3A_81 = tpu.memref_slice %arg5[%add3A_39, %dma_start3A_79, %dma_start3A_80] : memref<784x64x16xf32, #tpu.memory_space<hbm>> -> memref<1x64x16xf32, #tpu.memory_space<hbm>>
        %dma_start3A_82 = tpu.memref_squeeze %dma_start3A_81 : memref<1x64x16xf32, #tpu.memory_space<hbm>> -> memref<64x16xf32, #tpu.memory_space<hbm>>
        tpu.enqueue_dma source(%dma_start3A_82 : memref<64x16xf32, #tpu.memory_space<hbm>>) target(%arg12 : memref<64x16xf32, #tpu.memory_space<vmem>>) target_semaphore(%run_scoped3A : memref<!tpu.dma_semaphore, #tpu.memory_space<semaphore_mem>>)
        %dma_wait3A_83 = arith.constant 0 : i32
        %dma_wait3A_84 = arith.constant 0 : i32
        %dma_wait3A_85 = tpu.memref_slice %arg5[%add3A_39, %dma_wait3A_83, %dma_wait3A_84] : memref<784x64x16xf32, #tpu.memory_space<hbm>> -> memref<1x64x16xf32, #tpu.memory_space<hbm>>
        %dma_wait3A_86 = tpu.memref_squeeze %dma_wait3A_85 : memref<1x64x16xf32, #tpu.memory_space<hbm>> -> memref<64x16xf32, #tpu.memory_space<hbm>>
        %dma_wait3A_87 = arith.constant 0 : i32
        %dma_wait3A_88 = arith.constant 0 : i32
        %dma_wait3A_89 = tpu.memref_slice %arg5[%add3A_39, %dma_wait3A_87, %dma_wait3A_88] : memref<784x64x16xf32, #tpu.memory_space<hbm>> -> memref<1x64x16xf32, #tpu.memory_space<hbm>>
        %dma_wait3A_90 = tpu.memref_squeeze %dma_wait3A_89 : memref<1x64x16xf32, #tpu.memory_space<hbm>> -> memref<64x16xf32, #tpu.memory_space<hbm>>
        tpu.wait_dma2 semaphore(%run_scoped3A : memref<!tpu.dma_semaphore, #tpu.memory_space<semaphore_mem>>) src(%dma_wait3A_90 : memref<64x16xf32, #tpu.memory_space<hbm>>) dst(%arg12 : memref<64x16xf32, #tpu.memory_space<vmem>>)
        tpu.yield
      }) : () -> ()
      %dma_start3A = arith.constant 0 : i32
      %dma_start3A_40 = tpu.memref_slice %arg10[%dma_start3A] : memref<1024xi32, #tpu.memory_space<vmem>> -> memref<512xi32, #tpu.memory_space<vmem>>
      %dma_start3A_41 = arith.constant 0 : i32
      %dma_start3A_42 = arith.constant 0 : i32
      %dma_start3A_43 = tpu.memref_slice %arg2[%dma_start3A_41, %dma_start3A_42] : memref<100000x32xf32, #tpu.memory_space<hbm>> -> memref<100000x32xf32, #tpu.memory_space<hbm>>
      tpu.enqueue_indirect_dma source(%dma_start3A_43 : memref<100000x32xf32, #tpu.memory_space<hbm>>) target(%arg9 : memref<512x32xf32, #tpu.memory_space<vmem>>) offsets(%dma_start3A_40 : memref<512xi32, #tpu.memory_space<vmem>>) semaphore(%arg16 : memref<!tpu.dma_semaphore, #tpu.memory_space<semaphore_mem>>)
      %dma_wait3A = arith.constant 0 : i32
      %dma_wait3A_44 = tpu.memref_slice %arg10[%dma_wait3A] : memref<1024xi32, #tpu.memory_space<vmem>> -> memref<512xi32, #tpu.memory_space<vmem>>
      %dma_wait3A_45 = arith.constant 0 : i32
      %dma_wait3A_46 = arith.constant 0 : i32
      %dma_wait3A_47 = tpu.memref_slice %arg2[%dma_wait3A_45, %dma_wait3A_46] : memref<100000x32xf32, #tpu.memory_space<hbm>> -> memref<100000x32xf32, #tpu.memory_space<hbm>>
      tpu.wait_indirect_dma semaphore(%arg16 : memref<!tpu.dma_semaphore, #tpu.memory_space<semaphore_mem>>) src(%dma_wait3A_47 : memref<100000x32xf32, #tpu.memory_space<hbm>>) dst(%arg9 : memref<512x32xf32, #tpu.memory_space<vmem>>)
      %broadcast_in_dim3A_48 = arith.constant 0 : i32
      %broadcast_in_dim3A_49 = vector.broadcast %broadcast_in_dim3A_48 : i32 to vector<16xi32>
      %swap3A = arith.constant 0 : index
      %swap3A_50 = tpu.vector_load %arg14[%swap3A] {strides = array<i32>} : memref<16xi32, #tpu.memory_space<vmem>>, vector<16xi32>,
      tpu.vector_store %arg14[%swap3A], %broadcast_in_dim3A_49 {strides = array<i32>} : memref<16xi32, #tpu.memory_space<vmem>>, vector<16xi32>,
      %scan3A_51 = arith.constant 0 : i32
      %scan3A_52 = arith.constant 512 : i32
      %scan3A_53 = arith.addi %scan3A_51, %scan3A_52 : i32
      %scan3A_54 = arith.constant 1 : i32
      scf.for %scan3A_75 = %scan3A_51 to %scan3A_53 step %scan3A_54  : i32 {
        %mul3A_76 = arith.constant 1 : i32
        %mul3A_77 = arith.muli %scan3A_75, %mul3A_76 : i32
        %add3A_78 = arith.constant 0 : i32
        %add3A_79 = arith.addi %add3A_78, %mul3A_77 : i32
        %get3A = arith.constant 0 : index
        %get3A_80 = tpu.vector_load %arg14[%get3A] {strides = array<i32>} : memref<16xi32, #tpu.memory_space<vmem>>, vector<16xi32>,
        %shift_right_logical3A = arith.constant 4 : i32
        %shift_right_logical3A_81 = vector.broadcast %shift_right_logical3A : i32 to vector<16xi32>
        %shift_right_logical3A_82 = arith.shrui %get3A_80, %shift_right_logical3A_81 : vector<16xi32>
        %and3A = arith.constant 15 : i32
        %and3A_83 = vector.broadcast %and3A : i32 to vector<16xi32>
        %and3A_84 = arith.andi %get3A_80, %and3A_83 : vector<16xi32>
        %gather3A = tpu.vector_load_idx %arg12[%shift_right_logical3A_82, %and3A_84] : memref<64x16xf32, #tpu.memory_space<vmem>>[vector<16xi32>, vector<16xi32>], vector<16xf32>,
        %get3A_85 = arith.constant 0 : index
        %get3A_86 = tpu.vector_load %arg13[%get3A_85] {strides = array<i32>} : memref<128xf32, #tpu.memory_space<vmem>>, vector<16xf32>,
        %mul3A_87 = arith.mulf %get3A_86, %gather3A : vector<16xf32>
        %exp3A = math.exp %mul3A_87 : vector<16xf32>
        %add3A_88 = arith.constant 1.000000e+00 : f32
        %add3A_89 = vector.broadcast %add3A_88 : f32 to vector<16xf32>
        %add3A_90 = arith.addf %exp3A, %add3A_89 : vector<16xf32>
        %get3A_91 = arith.constant 16 : index
        %get3A_92 = tpu.vector_load %arg13[%get3A_91] {strides = array<i32>} : memref<128xf32, #tpu.memory_space<vmem>>, vector<16xf32>,
        %mul3A_93 = arith.mulf %get3A_92, %gather3A : vector<16xf32>
        %exp3A_94 = math.exp %mul3A_93 : vector<16xf32>
        %add3A_95 = arith.constant 1.000000e+00 : f32
        %add3A_96 = vector.broadcast %add3A_95 : f32 to vector<16xf32>
        %add3A_97 = arith.addf %exp3A_94, %add3A_96 : vector<16xf32>
        %get3A_98 = arith.index_cast %add3A_79 : i32 to index
        %get3A_99 = arith.constant 0 : index
        %get3A_100 = tpu.vector_load %arg9[%get3A_98, %get3A_99] {strides = array<i32>} : memref<512x32xf32, #tpu.memory_space<vmem>>, vector<16xf32>,
        %div3A = arith.divf %get3A_100, %add3A_90 : vector<16xf32>
        %swap3A_101 = arith.index_cast %add3A_79 : i32 to index
        %swap3A_102 = arith.constant 0 : index
        %swap3A_103 = tpu.vector_load %arg9[%swap3A_101, %swap3A_102] {strides = array<i32>} : memref<512x32xf32, #tpu.memory_space<vmem>>, vector<16xf32>,
        tpu.vector_store %arg9[%swap3A_101, %swap3A_102], %div3A {strides = array<i32>} : memref<512x32xf32, #tpu.memory_space<vmem>>, vector<16xf32>,
        %get3A_104 = arith.index_cast %add3A_79 : i32 to index
        %get3A_105 = arith.constant 16 : index
        %get3A_106 = tpu.vector_load %arg9[%get3A_104, %get3A_105] {strides = array<i32>} : memref<512x32xf32, #tpu.memory_space<vmem>>, vector<16xf32>,
        %div3A_107 = arith.divf %get3A_106, %add3A_97 : vector<16xf32>
        %swap3A_108 = arith.index_cast %add3A_79 : i32 to index
        %swap3A_109 = arith.constant 16 : index
        %swap3A_110 = tpu.vector_load %arg9[%swap3A_108, %swap3A_109] {strides = array<i32>} : memref<512x32xf32, #tpu.memory_space<vmem>>, vector<16xf32>,
        tpu.vector_store %arg9[%swap3A_108, %swap3A_109], %div3A_107 {strides = array<i32>} : memref<512x32xf32, #tpu.memory_space<vmem>>, vector<16xf32>,
        %add3A_111 = arith.constant 1 : i32
        %add3A_112 = vector.broadcast %add3A_111 : i32 to vector<16xi32>
        %add3A_113 = arith.addi %get3A_80, %add3A_112 : vector<16xi32>
        %swap3A_114 = arith.constant 0 : index
        %swap3A_115 = tpu.vector_load %arg14[%swap3A_114] {strides = array<i32>} : memref<16xi32, #tpu.memory_space<vmem>>, vector<16xi32>,
        tpu.vector_store %arg14[%swap3A_114], %add3A_113 {strides = array<i32>} : memref<16xi32, #tpu.memory_space<vmem>>, vector<16xi32>,
      }
      %scan3A_55 = arith.constant 512 : i32
      "tpu.region"() ({
        %run_scoped3A = tpu.sem_alloc : memref<!tpu.dma_semaphore, #tpu.memory_space<semaphore_mem>>
        %dma_start3A_75 = arith.constant 0 : i32
        %dma_start3A_76 = tpu.memref_slice %arg11[%dma_start3A_75] : memref<1024xi32, #tpu.memory_space<vmem>> -> memref<512xi32, #tpu.memory_space<vmem>>
        %dma_start3A_77 = arith.constant 0 : i32
        %dma_start3A_78 = arith.constant 0 : i32
        %dma_start3A_79 = tpu.memref_slice %arg15[%dma_start3A_77, %dma_start3A_78] : memref<50048x32xf32, #tpu.memory_space<vmem_shared>> -> memref<50048x32xf32, #tpu.memory_space<vmem_shared>>
        tpu.enqueue_indirect_dma source(%arg9 : memref<512x32xf32, #tpu.memory_space<vmem>>) target(%dma_start3A_79 : memref<50048x32xf32, #tpu.memory_space<vmem_shared>>) offsets(%dma_start3A_76 : memref<512xi32, #tpu.memory_space<vmem>>) semaphore(%run_scoped3A : memref<!tpu.dma_semaphore, #tpu.memory_space<semaphore_mem>>) {add = true}
        %dma_wait3A_80 = arith.constant 0 : i32
        %dma_wait3A_81 = tpu.memref_slice %arg11[%dma_wait3A_80] : memref<1024xi32, #tpu.memory_space<vmem>> -> memref<512xi32, #tpu.memory_space<vmem>>
        %dma_wait3A_82 = arith.constant 0 : i32
        %dma_wait3A_83 = arith.constant 0 : i32
        %dma_wait3A_84 = tpu.memref_slice %arg15[%dma_wait3A_82, %dma_wait3A_83] : memref<50048x32xf32, #tpu.memory_space<vmem_shared>> -> memref<50048x32xf32, #tpu.memory_space<vmem_shared>>
        tpu.wait_indirect_dma semaphore(%run_scoped3A : memref<!tpu.dma_semaphore, #tpu.memory_space<semaphore_mem>>) src(%arg9 : memref<512x32xf32, #tpu.memory_space<vmem>>) dst(%dma_wait3A_84 : memref<50048x32xf32, #tpu.memory_space<vmem_shared>>)
        tpu.yield
      }) : () -> ()
      %dma_start3A_56 = arith.constant 512 : i32
      %dma_start3A_57 = tpu.memref_slice %arg10[%dma_start3A_56] : memref<1024xi32, #tpu.memory_space<vmem>> -> memref<512xi32, #tpu.memory_space<vmem>>
      %dma_start3A_58 = arith.constant 0 : i32
      %dma_start3A_59 = arith.constant 0 : i32
      %dma_start3A_60 = tpu.memref_slice %arg2[%dma_start3A_58, %dma_start3A_59] : memref<100000x32xf32, #tpu.memory_space<hbm>> -> memref<100000x32xf32, #tpu.memory_space<hbm>>
      tpu.enqueue_indirect_dma source(%dma_start3A_60 : memref<100000x32xf32, #tpu.memory_space<hbm>>) target(%arg9 : memref<512x32xf32, #tpu.memory_space<vmem>>) offsets(%dma_start3A_57 : memref<512xi32, #tpu.memory_space<vmem>>) semaphore(%arg16 : memref<!tpu.dma_semaphore, #tpu.memory_space<semaphore_mem>>)
      %dma_wait3A_61 = arith.constant 512 : i32
      %dma_wait3A_62 = tpu.memref_slice %arg10[%dma_wait3A_61] : memref<1024xi32, #tpu.memory_space<vmem>> -> memref<512xi32, #tpu.memory_space<vmem>>
      %dma_wait3A_63 = arith.constant 0 : i32
      %dma_wait3A_64 = arith.constant 0 : i32
      %dma_wait3A_65 = tpu.memref_slice %arg2[%dma_wait3A_63, %dma_wait3A_64] : memref<100000x32xf32, #tpu.memory_space<hbm>> -> memref<100000x32xf32, #tpu.memory_space<hbm>>
      tpu.wait_indirect_dma semaphore(%arg16 : memref<!tpu.dma_semaphore, #tpu.memory_space<semaphore_mem>>) src(%dma_wait3A_65 : memref<100000x32xf32, #tpu.memory_space<hbm>>) dst(%arg9 : memref<512x32xf32, #tpu.memory_space<vmem>>)
      %broadcast_in_dim3A_66 = arith.constant 512 : i32
      %broadcast_in_dim3A_67 = vector.broadcast %broadcast_in_dim3A_66 : i32 to vector<16xi32>
      %swap3A_68 = arith.constant 0 : index
      %swap3A_69 = tpu.vector_load %arg14[%swap3A_68] {strides = array<i32>} : memref<16xi32, #tpu.memory_space<vmem>>, vector<16xi32>,
      tpu.vector_store %arg14[%swap3A_68], %broadcast_in_dim3A_67 {strides = array<i32>} : memref<16xi32, #tpu.memory_space<vmem>>, vector<16xi32>,
      %scan3A_70 = arith.constant 0 : i32
      %scan3A_71 = arith.constant 512 : i32
      %scan3A_72 = arith.addi %scan3A_70, %scan3A_71 : i32
      %scan3A_73 = arith.constant 1 : i32
      scf.for %scan3A_75 = %scan3A_70 to %scan3A_72 step %scan3A_73  : i32 {
        %mul3A_76 = arith.constant 1 : i32
        %mul3A_77 = arith.muli %scan3A_75, %mul3A_76 : i32
        %add3A_78 = arith.constant 0 : i32
        %add3A_79 = arith.addi %add3A_78, %mul3A_77 : i32
        %get3A = arith.constant 0 : index
        %get3A_80 = tpu.vector_load %arg14[%get3A] {strides = array<i32>} : memref<16xi32, #tpu.memory_space<vmem>>, vector<16xi32>,
        %shift_right_logical3A = arith.constant 4 : i32
        %shift_right_logical3A_81 = vector.broadcast %shift_right_logical3A : i32 to vector<16xi32>
        %shift_right_logical3A_82 = arith.shrui %get3A_80, %shift_right_logical3A_81 : vector<16xi32>
        %and3A = arith.constant 15 : i32
        %and3A_83 = vector.broadcast %and3A : i32 to vector<16xi32>
        %and3A_84 = arith.andi %get3A_80, %and3A_83 : vector<16xi32>
        %gather3A = tpu.vector_load_idx %arg12[%shift_right_logical3A_82, %and3A_84] : memref<64x16xf32, #tpu.memory_space<vmem>>[vector<16xi32>, vector<16xi32>], vector<16xf32>,
        %get3A_85 = arith.constant 0 : index
        %get3A_86 = tpu.vector_load %arg13[%get3A_85] {strides = array<i32>} : memref<128xf32, #tpu.memory_space<vmem>>, vector<16xf32>,
        %mul3A_87 = arith.mulf %get3A_86, %gather3A : vector<16xf32>
        %exp3A = math.exp %mul3A_87 : vector<16xf32>
        %add3A_88 = arith.constant 1.000000e+00 : f32
        %add3A_89 = vector.broadcast %add3A_88 : f32 to vector<16xf32>
        %add3A_90 = arith.addf %exp3A, %add3A_89 : vector<16xf32>
        %get3A_91 = arith.constant 16 : index
        %get3A_92 = tpu.vector_load %arg13[%get3A_91] {strides = array<i32>} : memref<128xf32, #tpu.memory_space<vmem>>, vector<16xf32>,
        %mul3A_93 = arith.mulf %get3A_92, %gather3A : vector<16xf32>
        %exp3A_94 = math.exp %mul3A_93 : vector<16xf32>
        %add3A_95 = arith.constant 1.000000e+00 : f32
        %add3A_96 = vector.broadcast %add3A_95 : f32 to vector<16xf32>
        %add3A_97 = arith.addf %exp3A_94, %add3A_96 : vector<16xf32>
        %get3A_98 = arith.index_cast %add3A_79 : i32 to index
        %get3A_99 = arith.constant 0 : index
        %get3A_100 = tpu.vector_load %arg9[%get3A_98, %get3A_99] {strides = array<i32>} : memref<512x32xf32, #tpu.memory_space<vmem>>, vector<16xf32>,
        %div3A = arith.divf %get3A_100, %add3A_90 : vector<16xf32>
        %swap3A_101 = arith.index_cast %add3A_79 : i32 to index
        %swap3A_102 = arith.constant 0 : index
        %swap3A_103 = tpu.vector_load %arg9[%swap3A_101, %swap3A_102] {strides = array<i32>} : memref<512x32xf32, #tpu.memory_space<vmem>>, vector<16xf32>,
        tpu.vector_store %arg9[%swap3A_101, %swap3A_102], %div3A {strides = array<i32>} : memref<512x32xf32, #tpu.memory_space<vmem>>, vector<16xf32>,
        %get3A_104 = arith.index_cast %add3A_79 : i32 to index
        %get3A_105 = arith.constant 16 : index
        %get3A_106 = tpu.vector_load %arg9[%get3A_104, %get3A_105] {strides = array<i32>} : memref<512x32xf32, #tpu.memory_space<vmem>>, vector<16xf32>,
        %div3A_107 = arith.divf %get3A_106, %add3A_97 : vector<16xf32>
        %swap3A_108 = arith.index_cast %add3A_79 : i32 to index
        %swap3A_109 = arith.constant 16 : index
        %swap3A_110 = tpu.vector_load %arg9[%swap3A_108, %swap3A_109] {strides = array<i32>} : memref<512x32xf32, #tpu.memory_space<vmem>>, vector<16xf32>,
        tpu.vector_store %arg9[%swap3A_108, %swap3A_109], %div3A_107 {strides = array<i32>} : memref<512x32xf32, #tpu.memory_space<vmem>>, vector<16xf32>,
        %add3A_111 = arith.constant 1 : i32
        %add3A_112 = vector.broadcast %add3A_111 : i32 to vector<16xi32>
        %add3A_113 = arith.addi %get3A_80, %add3A_112 : vector<16xi32>
        %swap3A_114 = arith.constant 0 : index
        %swap3A_115 = tpu.vector_load %arg14[%swap3A_114] {strides = array<i32>} : memref<16xi32, #tpu.memory_space<vmem>>, vector<16xi32>,
        tpu.vector_store %arg14[%swap3A_114], %add3A_113 {strides = array<i32>} : memref<16xi32, #tpu.memory_space<vmem>>, vector<16xi32>,
      }
      %scan3A_74 = arith.constant 512 : i32
      "tpu.region"() ({
        %run_scoped3A = tpu.sem_alloc : memref<!tpu.dma_semaphore, #tpu.memory_space<semaphore_mem>>
        %dma_start3A_75 = arith.constant 512 : i32
        %dma_start3A_76 = tpu.memref_slice %arg11[%dma_start3A_75] : memref<1024xi32, #tpu.memory_space<vmem>> -> memref<512xi32, #tpu.memory_space<vmem>>
        %dma_start3A_77 = arith.constant 0 : i32
        %dma_start3A_78 = arith.constant 0 : i32
        %dma_start3A_79 = tpu.memref_slice %arg15[%dma_start3A_77, %dma_start3A_78] : memref<50048x32xf32, #tpu.memory_space<vmem_shared>> -> memref<50048x32xf32, #tpu.memory_space<vmem_shared>>
        tpu.enqueue_indirect_dma source(%arg9 : memref<512x32xf32, #tpu.memory_space<vmem>>) target(%dma_start3A_79 : memref<50048x32xf32, #tpu.memory_space<vmem_shared>>) offsets(%dma_start3A_76 : memref<512xi32, #tpu.memory_space<vmem>>) semaphore(%run_scoped3A : memref<!tpu.dma_semaphore, #tpu.memory_space<semaphore_mem>>) {add = true}
        %dma_wait3A_80 = arith.constant 512 : i32
        %dma_wait3A_81 = tpu.memref_slice %arg11[%dma_wait3A_80] : memref<1024xi32, #tpu.memory_space<vmem>> -> memref<512xi32, #tpu.memory_space<vmem>>
        %dma_wait3A_82 = arith.constant 0 : i32
        %dma_wait3A_83 = arith.constant 0 : i32
        %dma_wait3A_84 = tpu.memref_slice %arg15[%dma_wait3A_82, %dma_wait3A_83] : memref<50048x32xf32, #tpu.memory_space<vmem_shared>> -> memref<50048x32xf32, #tpu.memory_space<vmem_shared>>
        tpu.wait_indirect_dma semaphore(%run_scoped3A : memref<!tpu.dma_semaphore, #tpu.memory_space<semaphore_mem>>) src(%arg9 : memref<512x32xf32, #tpu.memory_space<vmem>>) dst(%dma_wait3A_84 : memref<50048x32xf32, #tpu.memory_space<vmem_shared>>)
        tpu.yield
      }) : () -> ()
    }
    %scan3A_23 = arith.constant 49 : i32
    %barrier3A_24 = arith.constant 0 : index
    tpu.barrier barrier_id(%barrier3A_24)
    %eq3A = arith.constant 0 : i32
    %eq3A_25 = arith.cmpi eq, %arg0, %eq3A : i32
    %convert_element_type3A = arith.extui %eq3A_25 : i1 to i32
    %cond3A = arith.constant 0 : i32
    %cond3A_26 = arith.cmpi ne, %convert_element_type3A, %cond3A : i32
    scf.if %cond3A_26 {
      "tpu.region"() ({
        %run_scoped3A = tpu.sem_alloc : memref<!tpu.dma_semaphore, #tpu.memory_space<semaphore_mem>>
        %dma_start3A = arith.constant 0 : i32
        %dma_start3A_32 = tpu.memref_slice %arg7[%multiple_of3A, %dma_start3A] : memref<50048x32xf32, #tpu.memory_space<hbm>> -> memref<3128x32xf32, #tpu.memory_space<hbm>>
        %dma_start3A_33 = arith.constant 0 : i32
        %dma_start3A_34 = tpu.memref_slice %arg15[%multiple_of3A, %dma_start3A_33] : memref<50048x32xf32, #tpu.memory_space<vmem_shared>> -> memref<3128x32xf32, #tpu.memory_space<vmem_shared>>
        tpu.enqueue_dma source(%dma_start3A_34 : memref<3128x32xf32, #tpu.memory_space<vmem_shared>>) target(%dma_start3A_32 : memref<3128x32xf32, #tpu.memory_space<hbm>>) target_semaphore(%run_scoped3A : memref<!tpu.dma_semaphore, #tpu.memory_space<semaphore_mem>>)
        %dma_wait3A = arith.constant 0 : i32
        %dma_wait3A_35 = tpu.memref_slice %arg7[%multiple_of3A, %dma_wait3A] : memref<50048x32xf32, #tpu.memory_space<hbm>> -> memref<3128x32xf32, #tpu.memory_space<hbm>>
        %dma_wait3A_36 = arith.constant 0 : i32
        %dma_wait3A_37 = tpu.memref_slice %arg15[%multiple_of3A, %dma_wait3A_36] : memref<50048x32xf32, #tpu.memory_space<vmem_shared>> -> memref<3128x32xf32, #tpu.memory_space<vmem_shared>>
        tpu.wait_dma2 semaphore(%run_scoped3A : memref<!tpu.dma_semaphore, #tpu.memory_space<semaphore_mem>>) src(%dma_wait3A_37 : memref<3128x32xf32, #tpu.memory_space<vmem_shared>>) dst(%dma_wait3A_35 : memref<3128x32xf32, #tpu.memory_space<hbm>>)
        tpu.yield
      }) : () -> ()
    } else {
    }
    %eq3A_27 = arith.constant 1 : i32
    %eq3A_28 = arith.cmpi eq, %arg0, %eq3A_27 : i32
    %convert_element_type3A_29 = arith.extui %eq3A_28 : i1 to i32
    %cond3A_30 = arith.constant 0 : i32
    %cond3A_31 = arith.cmpi ne, %convert_element_type3A_29, %cond3A_30 : i32
    scf.if %cond3A_31 {
      "tpu.region"() ({
        %run_scoped3A = tpu.sem_alloc : memref<!tpu.dma_semaphore, #tpu.memory_space<semaphore_mem>>
        %dma_start3A = arith.constant 0 : i32
        %dma_start3A_32 = tpu.memref_slice %arg8[%multiple_of3A, %dma_start3A] : memref<50048x32xf32, #tpu.memory_space<hbm>> -> memref<3128x32xf32, #tpu.memory_space<hbm>>
        %dma_start3A_33 = arith.constant 0 : i32
        %dma_start3A_34 = tpu.memref_slice %arg15[%multiple_of3A, %dma_start3A_33] : memref<50048x32xf32, #tpu.memory_space<vmem_shared>> -> memref<3128x32xf32, #tpu.memory_space<vmem_shared>>
        tpu.enqueue_dma source(%dma_start3A_34 : memref<3128x32xf32, #tpu.memory_space<vmem_shared>>) target(%dma_start3A_32 : memref<3128x32xf32, #tpu.memory_space<hbm>>) target_semaphore(%run_scoped3A : memref<!tpu.dma_semaphore, #tpu.memory_space<semaphore_mem>>)
        %dma_wait3A = arith.constant 0 : i32
        %dma_wait3A_35 = tpu.memref_slice %arg8[%multiple_of3A, %dma_wait3A] : memref<50048x32xf32, #tpu.memory_space<hbm>> -> memref<3128x32xf32, #tpu.memory_space<hbm>>
        %dma_wait3A_36 = arith.constant 0 : i32
        %dma_wait3A_37 = tpu.memref_slice %arg15[%multiple_of3A, %dma_wait3A_36] : memref<50048x32xf32, #tpu.memory_space<vmem_shared>> -> memref<3128x32xf32, #tpu.memory_space<vmem_shared>>
        tpu.wait_dma2 semaphore(%run_scoped3A : memref<!tpu.dma_semaphore, #tpu.memory_space<semaphore_mem>>) src(%dma_wait3A_37 : memref<3128x32xf32, #tpu.memory_space<vmem_shared>>) dst(%dma_wait3A_35 : memref<3128x32xf32, #tpu.memory_space<hbm>>)
        tpu.yield
      }) : () -> ()
    } else {
    }
    return
  }
}

module attributes {stable_mosaic.version = 14 : i64} {
  func.func @_mm_body(%arg0: i32, %arg1: memref<2000x16xf32, #tpu.memory_space<vmem>>, %arg2: memref<16x64xf32, #tpu.memory_space<vmem>>, %arg3: memref<1x64xf32, #tpu.memory_space<vmem>>, %arg4: memref<2000x64xf32, #tpu.memory_space<vmem>>) attributes {dimension_semantics = [#tpu.dimension_semantics<arbitrary>], iteration_bounds = array<i64: 25>, scalar_prefetch = 0 : i64, scratch_operands = 0 : i64, tpu.core_type = #tpu.core_type<tc>, window_params = [{transform_indices = @transform_0, window_bounds = array<i64: 2000, 16>}, {pipeline_mode = #tpu.pipeline_mode<synchronous>, transform_indices = @transform_1, window_bounds = array<i64: 16, 64>}, {pipeline_mode = #tpu.pipeline_mode<synchronous>, transform_indices = @transform_2, window_bounds = array<i64: 1, 64>}, {transform_indices = @transform_3, window_bounds = array<i64: 2000, 64>}]} {
    %get3A = arith.constant 0 : index
    %get3A_0 = arith.constant 0 : index
    %get3A_1 = vector.load %arg1[%get3A, %get3A_0] : memref<2000x16xf32, #tpu.memory_space<vmem>>, vector<2000x16xf32>
    %get3A_2 = arith.constant 0 : index
    %get3A_3 = arith.constant 0 : index
    %get3A_4 = vector.load %arg2[%get3A_2, %get3A_3] : memref<16x64xf32, #tpu.memory_space<vmem>>, vector<16x64xf32>
    %dot_general3A = arith.constant dense<0.000000e+00> : vector<2000x64xf32>
    %dot_general3A_5 = tpu.matmul %get3A_1, %get3A_4, %dot_general3A {dimension_numbers = #tpu.dot_dimension_numbers<[1], [0], [0], [1], [0, 0, 1, 1], [], []>, transpose_lhs_hint = false} : vector<2000x16xf32>, vector<16x64xf32>, vector<2000x64xf32> -> vector<2000x64xf32>
    %get3A_6 = arith.constant 0 : index
    %get3A_7 = arith.constant 0 : index
    %get3A_8 = vector.load %arg3[%get3A_6, %get3A_7] : memref<1x64xf32, #tpu.memory_space<vmem>>, vector<1x64xf32>
    %add3A = vector.broadcast %get3A_8 : vector<1x64xf32> to vector<2000x64xf32>
    %add3A_9 = arith.addf %dot_general3A_5, %add3A : vector<2000x64xf32>
    %swap3A = arith.constant 0 : index
    %swap3A_10 = arith.constant 0 : index
    %swap3A_11 = vector.load %arg4[%swap3A, %swap3A_10] : memref<2000x64xf32, #tpu.memory_space<vmem>>, vector<2000x64xf32>
    tpu.vector_store %arg4[%swap3A, %swap3A_10], %add3A_9 {strides = array<i32>} : memref<2000x64xf32, #tpu.memory_space<vmem>>, vector<2000x64xf32>,
    return
  }
  func.func @transform_0(%arg0: i32) -> (i32, i32) {
    %c0_i32 = arith.constant 0 : i32
    %c0_i32_0 = arith.constant 0 : i32
    return %arg0, %c0_i32 : i32, i32
  }
  func.func @transform_1(%arg0: i32) -> (i32, i32) {
    %c0_i32 = arith.constant 0 : i32
    %c0_i32_0 = arith.constant 0 : i32
    %c0_i32_1 = arith.constant 0 : i32
    return %c0_i32, %c0_i32_0 : i32, i32
  }
  func.func @transform_2(%arg0: i32) -> (i32, i32) {
    %c0_i32 = arith.constant 0 : i32
    %c0_i32_0 = arith.constant 0 : i32
    %c0_i32_1 = arith.constant 0 : i32
    return %c0_i32, %c0_i32_0 : i32, i32
  }
  func.func @transform_3(%arg0: i32) -> (i32, i32) {
    %c0_i32 = arith.constant 0 : i32
    %c0_i32_0 = arith.constant 0 : i32
    return %arg0, %c0_i32 : i32, i32
  }
}

module attributes {stable_mosaic.version = 14 : i64} {
  func.func @_mm3_body(%arg0: i32, %arg1: i32, %arg2: memref<2000x64xf32, #tpu.memory_space<vmem>>, %arg3: memref<1x64x32xf32, #tpu.memory_space<vmem>>, %arg4: memref<1x1x32xf32, #tpu.memory_space<vmem>>, %arg5: memref<2000x32xf32, #tpu.memory_space<vmem>>) attributes {dimension_semantics = [#tpu.dimension_semantics<arbitrary>, #tpu.dimension_semantics<arbitrary>], iteration_bounds = array<i64: 2, 25>, scalar_prefetch = 0 : i64, scratch_operands = 0 : i64, tpu.core_type = #tpu.core_type<tc>, window_params = [{transform_indices = @transform_0, window_bounds = array<i64: 2000, 64>}, {transform_indices = @transform_1, window_bounds = array<i64: 1, 64, 32>}, {transform_indices = @transform_2, window_bounds = array<i64: 1, 1, 32>}, {transform_indices = @transform_3, window_bounds = array<i64: 2000, 32>}]} {
    %get3A = arith.constant 0 : index
    %get3A_0 = arith.constant 0 : index
    %get3A_1 = vector.load %arg2[%get3A, %get3A_0] : memref<2000x64xf32, #tpu.memory_space<vmem>>, vector<2000x64xf32>
    %get3A_2 = arith.constant 0 : index
    %get3A_3 = arith.constant 0 : index
    %get3A_4 = arith.constant 0 : index
    %get3A_5 = vector.load %arg3[%get3A_2, %get3A_3, %get3A_4] : memref<1x64x32xf32, #tpu.memory_space<vmem>>, vector<1x64x32xf32>
    %get3A_6 = vector.shape_cast %get3A_5 : vector<1x64x32xf32> to vector<64x32xf32>
    %dot_general3A = arith.constant dense<0.000000e+00> : vector<2000x32xf32>
    %dot_general3A_7 = tpu.matmul %get3A_1, %get3A_6, %dot_general3A {dimension_numbers = #tpu.dot_dimension_numbers<[1], [0], [0], [1], [0, 0, 1, 1], [], []>, transpose_lhs_hint = false} : vector<2000x64xf32>, vector<64x32xf32>, vector<2000x32xf32> -> vector<2000x32xf32>
    %get3A_8 = arith.constant 0 : index
    %get3A_9 = arith.constant 0 : index
    %get3A_10 = arith.constant 0 : index
    %get3A_11 = vector.load %arg4[%get3A_8, %get3A_9, %get3A_10] : memref<1x1x32xf32, #tpu.memory_space<vmem>>, vector<1x1x32xf32>
    %get3A_12 = vector.shape_cast %get3A_11 : vector<1x1x32xf32> to vector<1x32xf32>
    %add3A = vector.broadcast %get3A_12 : vector<1x32xf32> to vector<2000x32xf32>
    %add3A_13 = arith.addf %dot_general3A_7, %add3A : vector<2000x32xf32>
    %swap3A = arith.constant 0 : index
    %swap3A_14 = arith.constant 0 : index
    %swap3A_15 = vector.load %arg5[%swap3A, %swap3A_14] : memref<2000x32xf32, #tpu.memory_space<vmem>>, vector<2000x32xf32>
    tpu.vector_store %arg5[%swap3A, %swap3A_14], %add3A_13 {strides = array<i32>} : memref<2000x32xf32, #tpu.memory_space<vmem>>, vector<2000x32xf32>,
    return
  }
  func.func @transform_0(%arg0: i32, %arg1: i32) -> (i32, i32) {
    %c0_i32 = arith.constant 0 : i32
    %c0_i32_0 = arith.constant 0 : i32
    return %arg1, %c0_i32 : i32, i32
  }
  func.func @transform_1(%arg0: i32, %arg1: i32) -> (i32, i32, i32) {
    %c0_i32 = arith.constant 0 : i32
    %c0_i32_0 = arith.constant 0 : i32
    %c0_i32_1 = arith.constant 0 : i32
    return %arg0, %c0_i32, %c0_i32_0 : i32, i32, i32
  }
  func.func @transform_2(%arg0: i32, %arg1: i32) -> (i32, i32, i32) {
    %c0_i32 = arith.constant 0 : i32
    %c0_i32_0 = arith.constant 0 : i32
    %c0_i32_1 = arith.constant 0 : i32
    return %arg0, %c0_i32, %c0_i32_0 : i32, i32, i32
  }
  func.func @transform_3(%arg0: i32, %arg1: i32) -> (i32, i32) {
    %mul3A = arith.constant 25 : i32
    %mul3A_0 = arith.muli %arg0, %mul3A : i32
    %add3A = arith.addi %mul3A_0, %arg1 : i32
    %c0_i32 = arith.constant 0 : i32
    %c0_i32_1 = arith.constant 0 : i32
    return %add3A, %c0_i32 : i32, i32
  }
}

module attributes {stable_mosaic.version = 14 : i64} {
  func.func @_mm_body(%arg0: i32, %arg1: memref<2000x64xf32, #tpu.memory_space<vmem>>, %arg2: memref<64x64xf32, #tpu.memory_space<vmem>>, %arg3: memref<1x64xf32, #tpu.memory_space<vmem>>, %arg4: memref<2000x64xf32, #tpu.memory_space<vmem>>) attributes {dimension_semantics = [#tpu.dimension_semantics<arbitrary>], iteration_bounds = array<i64: 25>, scalar_prefetch = 0 : i64, scratch_operands = 0 : i64, tpu.core_type = #tpu.core_type<tc>, window_params = [{transform_indices = @transform_0, window_bounds = array<i64: 2000, 64>}, {pipeline_mode = #tpu.pipeline_mode<synchronous>, transform_indices = @transform_1, window_bounds = array<i64: 64, 64>}, {pipeline_mode = #tpu.pipeline_mode<synchronous>, transform_indices = @transform_2, window_bounds = array<i64: 1, 64>}, {transform_indices = @transform_3, window_bounds = array<i64: 2000, 64>}]} {
    %get3A = arith.constant 0 : index
    %get3A_0 = arith.constant 0 : index
    %get3A_1 = vector.load %arg1[%get3A, %get3A_0] : memref<2000x64xf32, #tpu.memory_space<vmem>>, vector<2000x64xf32>
    %get3A_2 = arith.constant 0 : index
    %get3A_3 = arith.constant 0 : index
    %get3A_4 = vector.load %arg2[%get3A_2, %get3A_3] : memref<64x64xf32, #tpu.memory_space<vmem>>, vector<64x64xf32>
    %dot_general3A = arith.constant dense<0.000000e+00> : vector<2000x64xf32>
    %dot_general3A_5 = tpu.matmul %get3A_1, %get3A_4, %dot_general3A {dimension_numbers = #tpu.dot_dimension_numbers<[1], [0], [0], [1], [0, 0, 1, 1], [], []>, transpose_lhs_hint = false} : vector<2000x64xf32>, vector<64x64xf32>, vector<2000x64xf32> -> vector<2000x64xf32>
    %get3A_6 = arith.constant 0 : index
    %get3A_7 = arith.constant 0 : index
    %get3A_8 = vector.load %arg3[%get3A_6, %get3A_7] : memref<1x64xf32, #tpu.memory_space<vmem>>, vector<1x64xf32>
    %add3A = vector.broadcast %get3A_8 : vector<1x64xf32> to vector<2000x64xf32>
    %add3A_9 = arith.addf %dot_general3A_5, %add3A : vector<2000x64xf32>
    %swap3A = arith.constant 0 : index
    %swap3A_10 = arith.constant 0 : index
    %swap3A_11 = vector.load %arg4[%swap3A, %swap3A_10] : memref<2000x64xf32, #tpu.memory_space<vmem>>, vector<2000x64xf32>
    tpu.vector_store %arg4[%swap3A, %swap3A_10], %add3A_9 {strides = array<i32>} : memref<2000x64xf32, #tpu.memory_space<vmem>>, vector<2000x64xf32>,
    return
  }
  func.func @transform_0(%arg0: i32) -> (i32, i32) {
    %c0_i32 = arith.constant 0 : i32
    %c0_i32_0 = arith.constant 0 : i32
    return %arg0, %c0_i32 : i32, i32
  }
  func.func @transform_1(%arg0: i32) -> (i32, i32) {
    %c0_i32 = arith.constant 0 : i32
    %c0_i32_0 = arith.constant 0 : i32
    %c0_i32_1 = arith.constant 0 : i32
    return %c0_i32, %c0_i32_0 : i32, i32
  }
  func.func @transform_2(%arg0: i32) -> (i32, i32) {
    %c0_i32 = arith.constant 0 : i32
    %c0_i32_0 = arith.constant 0 : i32
    %c0_i32_1 = arith.constant 0 : i32
    return %c0_i32, %c0_i32_0 : i32, i32
  }
  func.func @transform_3(%arg0: i32) -> (i32, i32) {
    %c0_i32 = arith.constant 0 : i32
    %c0_i32_0 = arith.constant 0 : i32
    return %arg0, %c0_i32 : i32, i32
  }
}

module attributes {stable_mosaic.version = 14 : i64} {
  func.func @_post_body(%arg0: i32, %arg1: memref<2000x64xf32, #tpu.memory_space<vmem>>, %arg2: memref<2000x64xf32, #tpu.memory_space<vmem>>, %arg3: memref<2000x32xf32, #tpu.memory_space<vmem>>, %arg4: memref<2000x32xf32, #tpu.memory_space<vmem>>, %arg5: memref<1x64xf32, #tpu.memory_space<vmem>>, %arg6: memref<1x64xf32, #tpu.memory_space<vmem>>, %arg7: memref<2000x64xf32, #tpu.memory_space<vmem>>) attributes {dimension_semantics = [#tpu.dimension_semantics<arbitrary>], iteration_bounds = array<i64: 25>, scalar_prefetch = 0 : i64, scratch_operands = 0 : i64, tpu.core_type = #tpu.core_type<tc>, window_params = [{transform_indices = @transform_0, window_bounds = array<i64: 2000, 64>}, {transform_indices = @transform_1, window_bounds = array<i64: 2000, 64>}, {transform_indices = @transform_2, window_bounds = array<i64: 2000, 32>}, {transform_indices = @transform_3, window_bounds = array<i64: 2000, 32>}, {pipeline_mode = #tpu.pipeline_mode<synchronous>, transform_indices = @transform_4, window_bounds = array<i64: 1, 64>}, {pipeline_mode = #tpu.pipeline_mode<synchronous>, transform_indices = @transform_5, window_bounds = array<i64: 1, 64>}, {transform_indices = @transform_6, window_bounds = array<i64: 2000, 64>}]} {
    %get3A = arith.constant 0 : index
    %get3A_0 = arith.constant 0 : index
    %get3A_1 = vector.load %arg2[%get3A, %get3A_0] : memref<2000x64xf32, #tpu.memory_space<vmem>>, vector<2000x64xf32>
    %get3A_2 = arith.constant 0 : index
    %get3A_3 = arith.constant 0 : index
    %get3A_4 = vector.load %arg3[%get3A_2, %get3A_3] : memref<2000x32xf32, #tpu.memory_space<vmem>>, vector<2000x32xf32>
    %get3A_5 = arith.constant 0 : index
    %get3A_6 = arith.constant 0 : index
    %get3A_7 = vector.load %arg4[%get3A_5, %get3A_6] : memref<2000x32xf32, #tpu.memory_space<vmem>>, vector<2000x32xf32>
    %concatenate3A = tpu.concatenate %get3A_4, %get3A_7 in 1 : vector<2000x32xf32>, vector<2000x32xf32> -> vector<2000x64xf32>
    %add3A = arith.addf %get3A_1, %concatenate3A : vector<2000x64xf32>
    %reduce_sum3A = arith.constant dense<0.000000e+00> : vector<2000xf32>
    %reduce_sum3A_8 = vector.multi_reduction <add>, %add3A, %reduce_sum3A [1] : vector<2000x64xf32> to vector<2000xf32>
    %broadcast_in_dim3A = vector.shape_cast %reduce_sum3A_8 : vector<2000xf32> to vector<2000x1xf32>
    %div3A = arith.constant 6.400000e+01 : f32
    %div3A_9 = vector.broadcast %div3A : f32 to vector<2000x1xf32>
    %div3A_10 = arith.divf %broadcast_in_dim3A, %div3A_9 : vector<2000x1xf32>
    %sub3A = vector.broadcast %div3A_10 : vector<2000x1xf32> to vector<2000x64xf32>
    %sub3A_11 = arith.subf %add3A, %sub3A : vector<2000x64xf32>
    %integer_pow3A = arith.mulf %sub3A_11, %sub3A_11 : vector<2000x64xf32>
    %reduce_sum3A_12 = arith.constant dense<0.000000e+00> : vector<2000xf32>
    %reduce_sum3A_13 = vector.multi_reduction <add>, %integer_pow3A, %reduce_sum3A_12 [1] : vector<2000x64xf32> to vector<2000xf32>
    %broadcast_in_dim3A_14 = vector.shape_cast %reduce_sum3A_13 : vector<2000xf32> to vector<2000x1xf32>
    %div3A_15 = arith.constant 6.400000e+01 : f32
    %div3A_16 = vector.broadcast %div3A_15 : f32 to vector<2000x1xf32>
    %div3A_17 = arith.divf %broadcast_in_dim3A_14, %div3A_16 : vector<2000x1xf32>
    %sub3A_18 = vector.broadcast %div3A_10 : vector<2000x1xf32> to vector<2000x64xf32>
    %sub3A_19 = arith.subf %add3A, %sub3A_18 : vector<2000x64xf32>
    %add3A_20 = arith.constant 9.99999974E-6 : f32
    %add3A_21 = vector.broadcast %add3A_20 : f32 to vector<2000x1xf32>
    %add3A_22 = arith.addf %div3A_17, %add3A_21 : vector<2000x1xf32>
    %rsqrt3A = math.rsqrt %add3A_22 : vector<2000x1xf32>
    %mul3A = vector.broadcast %rsqrt3A : vector<2000x1xf32> to vector<2000x64xf32>
    %mul3A_23 = arith.mulf %sub3A_19, %mul3A : vector<2000x64xf32>
    %get3A_24 = arith.constant 0 : index
    %get3A_25 = arith.constant 0 : index
    %get3A_26 = vector.load %arg5[%get3A_24, %get3A_25] : memref<1x64xf32, #tpu.memory_space<vmem>>, vector<1x64xf32>
    %mul3A_27 = vector.broadcast %get3A_26 : vector<1x64xf32> to vector<2000x64xf32>
    %mul3A_28 = arith.mulf %mul3A_23, %mul3A_27 : vector<2000x64xf32>
    %get3A_29 = arith.constant 0 : index
    %get3A_30 = arith.constant 0 : index
    %get3A_31 = vector.load %arg6[%get3A_29, %get3A_30] : memref<1x64xf32, #tpu.memory_space<vmem>>, vector<1x64xf32>
    %add3A_32 = vector.broadcast %get3A_31 : vector<1x64xf32> to vector<2000x64xf32>
    %add3A_33 = arith.addf %mul3A_28, %add3A_32 : vector<2000x64xf32>
    %gt3A = arith.constant 0.000000e+00 : f32
    %gt3A_34 = vector.broadcast %gt3A : f32 to vector<2000x64xf32>
    %gt3A_35 = arith.cmpf ogt, %add3A_33, %gt3A_34 : vector<2000x64xf32>
    %mul3A_36 = arith.constant 2.000000e-01 : f32
    %mul3A_37 = vector.broadcast %mul3A_36 : f32 to vector<2000x64xf32>
    %mul3A_38 = arith.mulf %mul3A_37, %add3A_33 : vector<2000x64xf32>
    %select_n3A = arith.select %gt3A_35, %add3A_33, %mul3A_38 : vector<2000x64xi1>, vector<2000x64xf32>
    %get3A_39 = arith.constant 0 : index
    %get3A_40 = arith.constant 0 : index
    %get3A_41 = vector.load %arg1[%get3A_39, %get3A_40] : memref<2000x64xf32, #tpu.memory_space<vmem>>, vector<2000x64xf32>
    %add3A_42 = arith.addf %get3A_41, %select_n3A : vector<2000x64xf32>
    %swap3A = arith.constant 0 : index
    %swap3A_43 = arith.constant 0 : index
    %swap3A_44 = vector.load %arg7[%swap3A, %swap3A_43] : memref<2000x64xf32, #tpu.memory_space<vmem>>, vector<2000x64xf32>
    tpu.vector_store %arg7[%swap3A, %swap3A_43], %add3A_42 {strides = array<i32>} : memref<2000x64xf32, #tpu.memory_space<vmem>>, vector<2000x64xf32>,
    return
  }
  func.func @transform_0(%arg0: i32) -> (i32, i32) {
    %c0_i32 = arith.constant 0 : i32
    %c0_i32_0 = arith.constant 0 : i32
    return %arg0, %c0_i32 : i32, i32
  }
  func.func @transform_1(%arg0: i32) -> (i32, i32) {
    %c0_i32 = arith.constant 0 : i32
    %c0_i32_0 = arith.constant 0 : i32
    return %arg0, %c0_i32 : i32, i32
  }
  func.func @transform_2(%arg0: i32) -> (i32, i32) {
    %c0_i32 = arith.constant 0 : i32
    %c0_i32_0 = arith.constant 0 : i32
    return %arg0, %c0_i32 : i32, i32
  }
  func.func @transform_3(%arg0: i32) -> (i32, i32) {
    %c0_i32 = arith.constant 0 : i32
    %c0_i32_0 = arith.constant 0 : i32
    return %arg0, %c0_i32 : i32, i32
  }
  func.func @transform_4(%arg0: i32) -> (i32, i32) {
    %c0_i32 = arith.constant 0 : i32
    %c0_i32_0 = arith.constant 0 : i32
    %c0_i32_1 = arith.constant 0 : i32
    return %c0_i32, %c0_i32_0 : i32, i32
  }
  func.func @transform_5(%arg0: i32) -> (i32, i32) {
    %c0_i32 = arith.constant 0 : i32
    %c0_i32_0 = arith.constant 0 : i32
    %c0_i32_1 = arith.constant 0 : i32
    return %c0_i32, %c0_i32_0 : i32, i32
  }
  func.func @transform_6(%arg0: i32) -> (i32, i32) {
    %c0_i32 = arith.constant 0 : i32
    %c0_i32_0 = arith.constant 0 : i32
    return %arg0, %c0_i32 : i32, i32
  }
}

</mosaic_0001>

<sc_bundles>
// kernel: kernel.15.cloned.1.call-start
scs
__scs_entry_jumppad:
0x0: {  	(pc) =	sbr.rel $0x88, $3  }
0x1: {  	(tag) =	ssettag $0x0;
	lr =	simm.s32 $0x1  }
0x2: {  	[smem:$0x3F87] =	sst lr;
	_ =	strace $0xD0000000  }
0x3: {  	_ = 	snop  }
0x4: {  	_ = 	snop  }
0x5: {  	_ = 	snop  }
0x6: {  	_ = 	snop  }
0x7: {  	_ = 	snop  }
__scs_overlays_trampoline_lowered:
0x8: {  	[smem:$0x3F96] =	sst s0  }
0x9: {  	[smem:$0x3F97] =	sst s1  }
0xa: {  	[smem:$0x3F98] =	sst s2  }
0xb: {  	[smem:$0x3F99] =	sst s3  }
0xc: {  	[smem:$0x3F9A] =	sst s4  }
0xd: {  	[smem:$0x3F9B] =	sst s5  }
0xe: {  	[smem:$0x3F9C] =	sst s6  }
0xf: {  	[smem:$0x3F9D] =	sst s7  }
0x10: {  	[smem:$0x3F9E] =	sst s8  }
0x11: {  	[smem:$0x3F9F] =	sst s9;
	s0 =	simm.s32 @!p0 $0x0  }
0x12: {  	s1 =	sld [smem:$0x3F85];
	s0 =	simm.s32 @p0 $0x1  }
0x13: {  	[smem:$0x3FA0] =	sst s0;
	s0 =	simm.s32 @!p1 $0x0  }
0x14: {  	s2 =	sld [smem:$0x3F84];
	s0 =	simm.s32 @p1 $0x1  }
0x15: {  	[smem:$0x3FA1] =	sst s0;
	s0 =	simm.s32 @!p2 $0x0  }
0x16: {  	s3 =	sld [smem:$0x3FDB];
	s0 =	simm.s32 @p2 $0x1  }
0x17: {  	s4 =	simm.s32 $0x1BF5;
	[smem:$0x3FA3] =	sst s0  }
0x18: {  	s0 =	sld [smem:$0x3F86];
	_ =	swait.ge [sflag:s4], $0x0  }
0x19: {  	s7 =	sld [smem:$0x3F87]  }
0x1a: {  	s8 =	sadd.s32 $0xFFFFE003, lr  }
0x1b: {  	s9 =	sadd.s32 $0xFFFFFEF7, lr;
	s5 =	simm.s32 $0xFFFFFFFF;
	p2 =	slt.u32 s8, $0xFFFFF086  }
0x1c: {  	p1 =	slt.u32 s9, $0xF7A;
	s5 =	simm.s32 @!p2 $0x0  }
0x1d: {  	s5 =	simm.s32 @p1 $0x1;
	p0 =	seq.s32 s7, s2  }
0x1e: {  	s7 =	smul.u32 @!p0 $0xF7A, s2;
	p2 =	seq.s32 @!p0 s5, $0x0  }
0x1f: {  	s9 =	smul.u32 $0xF7A, s1;
	s8 =	simm.s32 @!p0 $0x1BF5;
	p2 =	por !p2, p0  }
0x20: {  	[sflag:s8] =	ssyncset.s32 @!p0 $0xFFFFF086;
	s6 =	sadd.s32 @!p0 s3, s7;
	s7 =	simm.s32 @!p0 $0x108  }
0x21: {  	s3 =	sadd.s32 s3, s9;
	s6 =	sadd.s32 @!p0 $0x88, s6;
	s7 =	simm.s32 @p2 $0x1082  }
0x22: {  	[simem:s7], [sflag:s8] =	dma.local @!p0 [hbm:s6], $0xF7A  }
0x23: {  	s9 =	sor.u32 $0xD0000000, s2;
	s6 =	simm.s32 $0x108;
	_ =	swait.ge @!p0 [sflag:s8], $0x0  }
0x24: {  	s3 =	sadd.s32 $0x88, s3;
	s6 =	simm.s32 @!p1 $0x1082;
	[sflag:s4] =	ssyncset.s32 $0xFFFFF086  }
0x25: {  	[simem:s6], [sflag:s4] =	dma.local [hbm:s3], $0xF7A  }
0x26: {  	[smem:$0x3F87] =	sst s1;
	(tag) =	ssettag s2;
	_ =	strace s9  }
0x27: {  	s1 =	sld [smem:$0x3F97]  }
0x28: {  	s2 =	sld [smem:$0x3F98]  }
0x29: {  	s4 =	sld [smem:$0x3F9A]  }
0x2a: {  	p0 =	seq.s32 s5, $0x0;
	s5 =	sld [smem:$0x3F9B]  }
0x2b: {  	s6 =	sld [smem:$0x3F9C]  }
0x2c: {  	s7 =	sld [smem:$0x3F9D]  }
0x2d: {  	s3 =	simm.s32 $0x108;
	s8 =	sld [smem:$0x3F9E]  }
0x2e: {  	s3 =	simm.s32 @!p0 $0x1082;
	s9 =	sld [smem:$0x3F9F]  }
0x2f: {  	lr =	sadd.s32 s0, s3;
	s0 =	sld [smem:$0x3F96]  }
0x30: {  	s3 =	sld [smem:$0x3F99]  }
0x31: {  	[smem:$0x3FA2] =	sst s10  }
0x32: {  	s10 =	sld [smem:$0x3FA0];
	_ =	sdelay $0x3  }
0x33: {  	p0 =	seq.s32 s10, $0x1;
	s10 =	sld [smem:$0x3FA2];
	_ =	sdelay $0x3  }
0x34: {  	[smem:$0x3FA2] =	sst s10  }
0x35: {  	s10 =	sld [smem:$0x3FA1];
	_ =	sdelay $0x3  }
0x36: {  	p1 =	seq.s32 s10, $0x1;
	s10 =	sld [smem:$0x3FA2];
	_ =	sdelay $0x3  }
0x37: {  	[smem:$0x3FA2] =	sst s10  }
0x38: {  	s10 =	sld [smem:$0x3FA3]  }
0x39: {  	_ = 	snop;
	(pc) =	sbr.ind lr, $3  }
0x3a: {  	_ = 	snop  }
0x3b: {  	_ = 	snop  }
0x3c: {  	p2 =	seq.s32 s10, $0x1;
	s10 =	sld [smem:$0x3FA2]  }
0x3d: {  	_ =	shalt  }
0x3e: {  	_ =	shalt  }
0x3f: {  	_ =	shalt  }
0x40: {  	_ =	shalt  }
0x41: {  	_ =	shalt  }
0x42: {  	_ =	shalt  }
0x43: {  	_ =	shalt  }
0x44: {  	_ =	shalt  }
0x45: {  	_ =	shalt  }
0x46: {  	_ =	shalt  }
0x47: {  	_ =	shalt  }
0x48: {  	_ =	shalt  }
0x49: {  	_ =	shalt  }
0x4a: {  	_ =	shalt  }
0x4b: {  	_ =	shalt  }
0x4c: {  	_ =	shalt  }
0x4d: {  	_ =	shalt  }
0x4e: {  	_ =	shalt  }
0x4f: {  	_ =	shalt  }
0x50: {  	_ =	shalt  }
0x51: {  	_ =	shalt  }
0x52: {  	_ =	shalt  }
0x53: {  	_ =	shalt  }
0x54: {  	_ =	shalt  }
0x55: {  	_ =	shalt  }
0x56: {  	_ =	shalt  }
0x57: {  	_ =	shalt  }
0x58: {  	_ =	shalt  }
0x59: {  	_ =	shalt  }
0x5a: {  	_ =	shalt  }
0x5b: {  	_ =	shalt  }
0x5c: {  	_ =	shalt  }
0x5d: {  	_ =	shalt  }
0x5e: {  	_ =	shalt  }
0x5f: {  	_ =	shalt  }
0x60: {  	_ =	shalt  }
0x61: {  	_ =	shalt  }
0x62: {  	_ =	shalt  }
0x63: {  	_ =	shalt  }
0x64: {  	_ =	shalt  }
0x65: {  	_ =	shalt  }
0x66: {  	_ =	shalt  }
0x67: {  	_ =	shalt  }
0x68: {  	_ =	shalt  }
0x69: {  	_ =	shalt  }
0x6a: {  	_ =	shalt  }
0x6b: {  	_ =	shalt  }
0x6c: {  	_ =	shalt  }
0x6d: {  	_ =	shalt  }
0x6e: {  	_ =	shalt  }
0x6f: {  	_ =	shalt  }
0x70: {  	_ =	shalt  }
0x71: {  	_ =	shalt  }
0x72: {  	_ =	shalt  }
0x73: {  	_ =	shalt  }
0x74: {  	_ =	shalt  }
0x75: {  	_ =	shalt  }
0x76: {  	_ =	shalt  }
0x77: {  	_ =	shalt  }
0x78: {  	_ =	shalt  }
0x79: {  	_ =	shalt  }
0x7a: {  	_ =	shalt  }
0x7b: {  	_ =	shalt  }
0x7c: {  	_ =	shalt  }
0x7d: {  	_ =	shalt  }
0x7e: {  	_ =	shalt  }
0x7f: {  	_ =	shalt  }
0x80: {  	_ =	shalt  }
0x81: {  	_ =	shalt  }
0x82: {  	_ =	shalt  }
0x83: {  	_ =	shalt  }
0x84: {  	_ =	shalt  }
0x85: {  	_ =	shalt  }
0x86: {  	_ =	shalt  }
0x87: {  	_ =	shalt  }
.Lfunc_end0:
.L_simem_size_0:
called_computation_lowered:
.L_overlay_start_0:
0x88: {  	s2 =	sld [smem:$0x3FD9]  }
0x89: {  	s3 =	sld [smem:$0x3FFE];
	_ =	sdelay $0x1  }
0x8a: {  	s1 =	srdreg.scid  }
0x8b: {  	s0 =	sand.u32 $0x1, s1  }
0x8c: {  	s17 =	sshll.u32 s0, $0xA;
	s2 =	sadd.s32 s3, s2  }
0x8d: {  	s2 =	sadd.s32 s2, s17  }
0x8e: {  	[smem:$0x3FAE] =	sst s2  }
0x8f: {  	_ = 	snop  }
0x90: {  	s2 =	sld [smem:$0x3FD0];
	(tm) =	ssettm $0x1  }
0x91: {  	s18 =	sld [smem:$0x3FFB];
	_ =	sdelay $0x3  }
0x92: {  	_ =	strace s18  }
0x93: {  	s3 =	sld [smem:$0x3FFC];
	_ =	sdelay $0x3  }
0x94: {  	_ =	strace s3  }
0x95: {  	s3 =	sld [smem:$0x3FFD];
	_ =	sdelay $0x3  }
0x96: {  	_ =	strace s3  }
0x97: {  	_ =	strace $0x8FFFFFFF  }
0x98: {  	s19 =	sld [smem:$0x3FDB];
	_ =	sdelay $0x1  }
0x99: {  	s4 =	simm.s32 $_scs_section_size  }
0x9a: {  	s5 =	simm.s32 $_size__tile_overlayer_lowered;
	s6 =	simm.s32 $_tile_overlayer_lowered  }
0x9b: {  	s22 =	simm.s32 $0x1BFF;
	s21 =	sshll.u32 s6, $0x1;
	s3 =	sadd.s32 s4, s19  }
0x9c: {  	s7 =	simm.s32 $0x0;
	s20 =	sshll.u32 s5, $0x1;
	s5 =	sadd.s32 s21, s3  }
0x9d: {  	[timem:s7], [sflag:s22] =	dma.local [hbm:s5], s20  }
0x9e: {  	_ =	swait.ge [sflag:s22], s20  }
0x9f: {  	s4 =	ssub.s32 $0x0, s20;
	[sflag:s22] =	ssyncset.done $0x0  }
0xa0: {  	[sflag:s22] =	ssyncadd.s32 s4;
	_ =	sdelay $0x1  }
0xa1: {  	s23 =	simm.s32 $0x1B8B  }
0xa2: {  	_ =	swait.ge [sflag:s23], $0x1  }
0xa3: {  	[sflag:s23] =	ssyncset.done $0x0  }
0xa4: {  	s25 =	simm.s32 $0x1B8E;
	s24 =	sld [smem:$0x3FFE];
	[sflag:s23] =	ssyncadd.s32 $0xFFFFFFFF  }
0xa5: {  	s26 =	simm.s32 $execute0_lowered;
	[smem:$0x3FD2] =	sst s25  }
0xa6: {  	s5 =	sshll.u32 s26, $0x1;
	_ =	strace $0x80000046;
	[dreg:$0x1] =	wrdreg $0xFFFFFFFF  }
0xa7: {  	s28 =	simm.s32 $_size_execute0_lowered;
	s3 =	sadd.s32 s3, s5;
	[dreg:$0x0] =	wrdreg $0x0  }
0xa8: {  	s5 =	sshll.u32 s28, $0x1;
	[dreg:$0x2] =	wrdreg s3  }
0xa9: {  	[dreg:$0x3] =	wrdreg s5  }
0xaa: {  	[dreg:$0x4] =	wrdreg $0xC0  }
0xab: {  	_ =	task [dreg:s7], $0x5FFFF  }
0xac: {  	[dreg:$0x1] =	wrdreg $0xFFFFFFFF  }
0xad: {  	[dreg:$0x0] =	wrdreg $0x60  }
0xae: {  	[dreg:$0x2] =	wrdreg s2  }
0xaf: {  	[dreg:$0x3] =	wrdreg s24  }
0xb0: {  	[dreg:$0x4] =	wrdreg $0x4C900  }
0xb1: {  	[dreg:$0x5] =	wrdreg $0x9  }
0xb2: {  	_ =	task.clear_ibuf [dreg:s7], $0x6FFFF;
	_ =	strace $0x90000046  }
0xb3: {  	s29 =	simm.s32 $0x9;
	_ =	strace $0x80000048  }
0xb4: {  	_ =	swait.ge [sflag:s29], $0x1  }
0xb5: {  	[sflag:s29] =	ssyncadd.s32 $0xFFFFFFFF  }
0xb6: {  	_ =	strace $0x90000048  }
0xb7: {  	_ =	sfence  }
0xb8: {  	s30 =	sld [smem:$0x0];
	_ =	sdelay $0x2  }
0xb9: {  	s31 =	sshll.u32 s1, $0xD;
	s1 =	sshrl.u32 s1, $0x2  }
0xba: {  	s3 =	sand.u32 $0x4000, s31;
	s1 =	sadd.s32 s1, s30  }
0xbb: {  	s0 =	sor.u32 s3, s0;
	s1 =	sshll.u32 s1, $0x11  }
0xbc: {  	s0 =	sor.u32 s1, s0  }
0xbd: {  	s0 =	sadd.s32 $0x8F2B, s0  }
0xbe: {  	[sflag:s0] =	ssyncadd.remote.s32 $0x1  }
0xbf: {  	_ =	sfence.sel $0xFFFF  }
0xc0: {  	[dreg:$0x0] =	wrdreg $0xFFFFFFFF;
	(pc) =	sbr.abs _section_cstart, $3  }
0xc1: {  	[dreg:$0x1] =	wrdreg $0xFFFFFFFF  }
0xc2: {  	_ =	task.clear_ibuf [dreg:s7], $0x2FFFF;
	_ =	strace $0x9FFFFFFF  }
0xc3: {  	(tm) =	ssettm $0x7FFFFFFF  }
tec
execute0_lowered:
.L_overlay_start_1:
0x0: {  	(tag) =	ssettag $0x1  }
0x1: {  	s1 =	rddreg [dreg:$0x0]  }
0x2: {  	s0 =	rddreg [dreg:$0x1]  }
0x3: {  	s2 =	rddreg [dreg:$0x2];
	s3 =	simm.s32 $0x0  }
0x4: {  	s4 =	srdreg.scid;
	s16 =	stileid.u32;
	s20 =	simm.s32 $0x66C00  }
0x5: {  	s22 =	simm.s32 $0x4000;
	s23 =	simm.s32 $0x4400;
	s24 =	simm.s32 $0x4800  }
0x6: {  	s28 =	simm.s32 $0x4200;
	s29 =	simm.s32 $0x4600;
	s30 =	simm.s32 $0x0  }
0x7: {  	s31 =	simm.s32 $0x0;
	[smem:$0x7FF] =	sst s3;
	s8 =	smul.u32 $0x61C00, s16  }
0x8: {  	s5 =	sadd.s32 $0x4A00, s0;
	s6 =	sadd.s32 $0x4E400, s0;
	s18 =	smul.u32 $0x18700, s16  }
0x9: {  	s4 =	sand.u32 $0x1, s4;
	s7 =	sadd.s32 $0x35A00, s0;
	s16 =	smul.u32 $0x31, s16  }
0xa: {  	_ =	strace $0x80000047;
	s9 =	sshll.u32 s4, $0x4;
	s10 =	ssub.s32 $0x2, s4  }
0xb: {  	p0 =	seq.s32 s4, $0x1;
	s17 =	smul.u32 $0xC4000, s4;
	s11 =	sshrl.u32 s10, $0x1  }
0xc: {  	s8 =	sshrl.u32 s8, $0x2;
	s15 =	sadd.s32 s9, s0;
	s20 =	simm.s32 @!p0 $0x97A00  }
0xd: {  	s26 =	sshrl.u32 s18, $0x3;
	s19 =	ssub.s32 s10, s11;
	s14 =	sadd.s32 s8, s2  }
0xe: {  	s8 =	sadd.s32 s18, s2;
	s15 =	sadd.s32 $0x4E200, s15;
	s0 =	sadd.s32 s20, s0  }
0xf: {  	s20 =	simm.s32 $0x2;
	s25 =	sadd.s32 $0x4000, s14;
	s10 =	sadd.s32 $0x8000, s14  }
0x10: {  	s11 =	sadd.s32 $0xC000, s14;
	s12 =	sadd.s32 $0x10000, s14;
	s13 =	sadd.s32 $0x14000, s14  }
0x11: {  	s14 =	sadd.s32 $0x18000, s14;
	s18 =	smax.u32 s19, $0x1;
	s19 =	sadd.s32 s0, s26  }
0x12: {  	v0 =	vimm.f32 $0.0e+00;
	s26 =	simm.s32 $0x1;
	[dreg:$0x4] =	wrdreg s25;
	s25 =	simm.s32 $0x200  }
.LBB2_1:
0x13: {  	s0 =	simm.s32 $0x80;
	s4 =	simm.s32 $0x0  }
.LBB2_2:
0x14: {  	p0 =	sne.s32 s0, $0xFF80;
	[tilespmem:s4+$0x0] =	vst v0;
	s21 =	smov.u32 s0;
	s0 =	sadd.s32 $0x80, s0  }
.Ltmp0:
0x15: {  	[tilespmem:s4+$0x10] =	vst v0;
	(pc) =	sbr.rel @p0 .LBB2_2-.Ltmp0, $2  }
0x16: {  	_ =	sdelay $0x2  }
0x17: {  	s4 =	sshra.s32 s21, $0x2  }
0x18: {  	[tilespmem:s4+$0x0] =	vst v0  }
0x19: {  	[tilespmem:s4+$0x10] =	vst v0  }
0x1a: {  	[spmem:s8] =	stream.linear.scatter [tilespmem:s31], [sflag:$0x2], $0x4000, $0x38;
	[tilespmem:$0x1D390] =	vst v63  }
0x1b: {  	_ =	swait.ge [sflag:s20], $0x4000  }
0x1c: {  	[sflag:s20] =	ssyncset.done $0x0  }
0x1d: {  	s0 =	rddreg [dreg:$0x4];
	[sflag:s20] =	ssyncadd.s32 $0xFFFFC000  }
0x1e: {  	[spmem:s0] =	stream.linear.scatter [tilespmem:s31], [sflag:$0x2], $0x4000, $0x38;
	[tilespmem:$0x1D390] =	vst v63  }
0x1f: {  	_ =	swait.ge [sflag:s20], $0x4000  }
0x20: {  	[sflag:s20] =	ssyncset.done $0x0  }
0x21: {  	[sflag:s20] =	ssyncadd.s32 $0xFFFFC000  }
0x22: {  	[spmem:s10] =	stream.linear.scatter [tilespmem:s31], [sflag:$0x2], $0x4000, $0x38;
	[tilespmem:$0x1D390] =	vst v63  }
0x23: {  	_ =	swait.ge [sflag:s20], $0x4000  }
0x24: {  	[sflag:s20] =	ssyncset.done $0x0  }
0x25: {  	[sflag:s20] =	ssyncadd.s32 $0xFFFFC000  }
0x26: {  	[spmem:s11] =	stream.linear.scatter [tilespmem:s31], [sflag:$0x2], $0x4000, $0x38;
	[tilespmem:$0x1D390] =	vst v63  }
0x27: {  	_ =	swait.ge [sflag:s20], $0x4000  }
0x28: {  	[sflag:s20] =	ssyncset.done $0x0  }
0x29: {  	[sflag:s20] =	ssyncadd.s32 $0xFFFFC000  }
0x2a: {  	[spmem:s12] =	stream.linear.scatter [tilespmem:s31], [sflag:$0x2], $0x4000, $0x38;
	[tilespmem:$0x1D390] =	vst v63  }
0x2b: {  	_ =	swait.ge [sflag:s20], $0x4000  }
0x2c: {  	[sflag:s20] =	ssyncset.done $0x0  }
0x2d: {  	[sflag:s20] =	ssyncadd.s32 $0xFFFFC000  }
0x2e: {  	[spmem:s13] =	stream.linear.scatter [tilespmem:s31], [sflag:$0x2], $0x4000, $0x38;
	[tilespmem:$0x1D390] =	vst v63  }
0x2f: {  	_ =	swait.ge [sflag:s20], $0x4000  }
0x30: {  	[sflag:s20] =	ssyncset.done $0x0  }
0x31: {  	[sflag:s20] =	ssyncadd.s32 $0xFFFFC000  }
0x32: {  	[spmem:s14] =	stream.linear.scatter [tilespmem:s31], [sflag:$0x2], $0x700, $0x38;
	[tilespmem:$0x1D390] =	vst v63  }
0x33: {  	_ =	swait.ge [sflag:s20], $0x700  }
0x34: {  	[sflag:s20] =	ssyncset.done $0x0  }
0x35: {  	s21 =	simm.s32 $0x4C00;
	[sflag:s20] =	ssyncadd.s32 $0xFFFFF900  }
0x36: {  	[tilespmem:s21], [sflag:$0x2] =	stream.linear.gather [hbm4b:s15+s31], $0x80, $0x38;
	[tilespmem:$0x1D390] =	vst v63  }
0x37: {  	_ =	swait.ge [sflag:s20], $0x80  }
0x38: {  	[sflag:s20] =	ssyncset.done $0x0  }
0x39: {  	[sflag:s20] =	ssyncadd.s32 $0xFFFFFF80  }
0x3a: {  	s0 =	simm.s32 $0x0;
	[bflag:$0x0] =	sbarrier.arrive $0xFFFF  }
.LBB2_4:
0x3b: {  	s4 =	sadd.s32 s16, s0  }
0x3c: {  	s21 =	sshll.u32 s4, $0xA  }
0x3d: {  	s21 =	sadd.s32 s17, s21  }
0x3e: {  	s21 =	sshrl.u32 s21, $0x3  }
0x3f: {  	s21 =	sadd.s32 s5, s21  }
0x40: {  	[tilespmem:s22], [sflag:$0x2] =	stream.linear.gather [hbm4b:s21+s31], $0x400, $0x38;
	[tilespmem:$0x1D390] =	vst v63  }
0x41: {  	_ =	swait.ge [sflag:s20], $0x400  }
0x42: {  	s4 =	sshll.u32 s4, $0x7;
	[sflag:s20] =	ssyncset.done $0x0  }
0x43: {  	s9 =	sadd.s32 s6, s4;
	[sflag:s20] =	ssyncadd.s32 $0xFFFFFC00  }
0x44: {  	[tilespmem:s23], [sflag:$0x2] =	stream.linear.gather [hbm4b:s9+s31], $0x400, $0x38;
	[tilespmem:$0x1D390] =	vst v63  }
0x45: {  	_ =	swait.ge [sflag:s20], $0x400  }
0x46: {  	[sflag:s20] =	ssyncset.done $0x0  }
0x47: {  	s4 =	sadd.s32 s7, s4;
	[sflag:s20] =	ssyncadd.s32 $0xFFFFFC00  }
0x48: {  	[tilespmem:s24], [sflag:$0x2] =	stream.linear.gather [hbm4b:s4+s31], $0x400, $0x38;
	[tilespmem:$0x1D390] =	vst v63  }
0x49: {  	_ =	swait.ge [sflag:s20], $0x400  }
0x4a: {  	[sflag:s20] =	ssyncset.done $0x0  }
0x4b: {  	[sflag:s20] =	ssyncadd.s32 $0xFFFFFC00  }
0x4c: {  	v1 =	vimm.s32 $0x0;
	[tilespmem:s31], [sflag:$0x1] =	stream.indirect.gather [hbm4b:s1+s25], $0x20, s22, s25, $0xb8;
	[tilespmem:$0x1D390] =	vst v63  }
0x4d: {  	_ =	swait.ge [sflag:s26], $0x4000  }
0x4e: {  	[sflag:s26] =	ssyncset.done $0x0  }
0x4f: {  	[sflag:s26] =	ssyncadd.s32 $0xFFFFC000  }
0x50: {  	[tilespmem:$0x4C80] =	vst v1;
	v4 =	vld [tilespmem:$0x4C00]  }
0x51: {  	v3 =	vld.idx.msk [tilespmem:v1+s24+$0x0], $0xffff  }
0x52: {  	s21 =	simm.s32 $0x0;
	s4 =	simm.s32 $0x80;
	v2 =	vld [tilespmem:$0x4C10]  }
.LBB2_5:
0x53: {  	p0 =	sne.s32 s4, $0xFF80;
	_ =	sdelay $0x2  }
0x54: {  	v4 =	vmul.f32 v4, v3  }
0x55: {  	v2 =	vmul.f32 v2, v3  }
0x56: {  	v3 =	vmul.f32 $1.442695020e+00, v4  }
0x57: {  	v2 =	vmul.f32 $1.442695020e+00, v2  }
0x58: {  	(erf) = vpow2.f32 v3  }
0x59: {  	(erf) = vpow2.f32 v2;
	_ =	sdelay $0x7  }
0x5a: {  	v2 =	vpop (erf)  }
0x5b: {  	v2 =	vadd.f32 $1.000000000e+00, v2;
	v3 =	vpop (erf)  }
0x5c: {  	v3 =	vadd.f32 $1.000000000e+00, v3  }
0x5d: {  	(erf) = vrcp.f32 v2  }
0x5e: {  	(erf) = vrcp.f32 v3;
	_ =	sdelay $0x2  }
0x5f: {  	s9 =	sshra.s32 s21, $0x2;
	s21 =	smov.u32 s4  }
0x60: {  	v2 =	vld [tilespmem:s9+$0x0]  }
0x61: {  	v3 =	vld [tilespmem:s9+$0x10];
	_ =	sdelay $0x2  }
0x62: {  	v4 =	vpop (erf)  }
0x63: {  	v1 =	vadd.s32 $0x1, v1;
	v2 =	vmul.f32 v4, v2;
	v4 =	vpop (erf)  }
0x64: {  	v3 =	vmul.f32 v4, v3  }
0x65: {  	[tilespmem:s9+$0x0] =	vst v2  }
.Ltmp1:
0x66: {  	[tilespmem:s9+$0x10] =	vst v3;
	(pc) =	sbr.rel @p0 .LBB2_5-.Ltmp1, $4  }
0x67: {  	v2 =	vld [tilespmem:$0x4C10];
	[tilespmem:$0x4C80] =	vst v1  }
0x68: {  	v3 =	vld.idx.msk [tilespmem:v1+s24+$0x0], $0xffff  }
0x69: {  	v4 =	vld [tilespmem:$0x4C00]  }
0x6a: {  	s4 =	sadd.s32 $0x80, s4  }
0x6b: {  	_ =	sdelay $0x2  }
0x6c: {  	v4 =	vmul.f32 v4, v3  }
0x6d: {  	v2 =	vmul.f32 v2, v3  }
0x6e: {  	v3 =	vmul.f32 $1.442695020e+00, v4  }
0x6f: {  	v2 =	vmul.f32 $1.442695020e+00, v2  }
0x70: {  	(erf) = vpow2.f32 v3  }
0x71: {  	(erf) = vpow2.f32 v2;
	_ =	sdelay $0x7  }
0x72: {  	v2 =	vpop (erf)  }
0x73: {  	v2 =	vadd.f32 $1.000000000e+00, v2;
	v3 =	vpop (erf)  }
0x74: {  	v3 =	vadd.f32 $1.000000000e+00, v3  }
0x75: {  	(erf) = vrcp.f32 v2  }
0x76: {  	(erf) = vrcp.f32 v3;
	_ =	sdelay $0x2  }
0x77: {  	s4 =	sshra.s32 s21, $0x2  }
0x78: {  	v2 =	vld [tilespmem:s4+$0x0]  }
0x79: {  	v3 =	vld [tilespmem:s4+$0x10];
	_ =	sdelay $0x2  }
0x7a: {  	v4 =	vpop (erf)  }
0x7b: {  	v2 =	vmul.f32 v4, v2;
	v4 =	vpop (erf)  }
0x7c: {  	v3 =	vmul.f32 v4, v3  }
0x7d: {  	[tilespmem:s4+$0x0] =	vst v2  }
0x7e: {  	v1 =	vadd.s32 $0x1, v1;
	[tilespmem:s4+$0x10] =	vst v3  }
0x7f: {  	s21 =	simm.s32 $0x0;
	[tilespmem:$0x4C80] =	vst v1  }
0x80: {  	[spmem:s2] =	stream.indirect.scatter.add.f32 [tilespmem:s21], [sflag:$0x2], $0x20, s23, s25, $0xb8;
	[tilespmem:$0x1D390] =	vst v63  }
0x81: {  	_ =	swait.ge [sflag:s20], $0x4000  }
0x82: {  	[sflag:s20] =	ssyncset.done $0x0  }
0x83: {  	[sflag:s20] =	ssyncadd.s32 $0xFFFFC000  }
0x84: {  	v1 =	vimm.s32 $0x200;
	[tilespmem:s21], [sflag:$0x1] =	stream.indirect.gather [hbm4b:s1+s25], $0x20, s28, s25, $0xb8;
	[tilespmem:$0x1D390] =	vst v63  }
0x85: {  	_ =	swait.ge [sflag:s26], $0x4000  }
0x86: {  	[sflag:s26] =	ssyncset.done $0x0  }
0x87: {  	[sflag:s26] =	ssyncadd.s32 $0xFFFFC000  }
0x88: {  	[tilespmem:$0x4C80] =	vst v1;
	v4 =	vld [tilespmem:$0x4C00]  }
0x89: {  	v3 =	vld.idx.msk [tilespmem:v1+s24+$0x0], $0xffff  }
0x8a: {  	s4 =	simm.s32 $0x80;
	v2 =	vld [tilespmem:$0x4C10]  }
.LBB2_7:
0x8b: {  	p0 =	sne.s32 s4, $0xFF80;
	_ =	sdelay $0x2  }
0x8c: {  	v4 =	vmul.f32 v4, v3  }
0x8d: {  	v2 =	vmul.f32 v2, v3  }
0x8e: {  	v3 =	vmul.f32 $1.442695020e+00, v4  }
0x8f: {  	v2 =	vmul.f32 $1.442695020e+00, v2  }
0x90: {  	(erf) = vpow2.f32 v3  }
0x91: {  	(erf) = vpow2.f32 v2;
	_ =	sdelay $0x7  }
0x92: {  	v2 =	vpop (erf)  }
0x93: {  	v2 =	vadd.f32 $1.000000000e+00, v2;
	v3 =	vpop (erf)  }
0x94: {  	v3 =	vadd.f32 $1.000000000e+00, v3  }
0x95: {  	(erf) = vrcp.f32 v2  }
0x96: {  	(erf) = vrcp.f32 v3;
	_ =	sdelay $0x2  }
0x97: {  	s9 =	sshra.s32 s21, $0x2;
	s21 =	smov.u32 s4  }
0x98: {  	v2 =	vld [tilespmem:s9+$0x0]  }
0x99: {  	v3 =	vld [tilespmem:s9+$0x10];
	_ =	sdelay $0x2  }
0x9a: {  	v4 =	vpop (erf)  }
0x9b: {  	v1 =	vadd.s32 $0x1, v1;
	v2 =	vmul.f32 v4, v2;
	v4 =	vpop (erf)  }
0x9c: {  	v3 =	vmul.f32 v4, v3  }
0x9d: {  	[tilespmem:s9+$0x0] =	vst v2  }
.Ltmp2:
0x9e: {  	[tilespmem:s9+$0x10] =	vst v3;
	(pc) =	sbr.rel @p0 .LBB2_7-.Ltmp2, $4  }
0x9f: {  	v2 =	vld [tilespmem:$0x4C10];
	[tilespmem:$0x4C80] =	vst v1  }
0xa0: {  	v3 =	vld.idx.msk [tilespmem:v1+s24+$0x0], $0xffff  }
0xa1: {  	v4 =	vld [tilespmem:$0x4C00]  }
0xa2: {  	s4 =	sadd.s32 $0x80, s4  }
0xa3: {  	_ =	sdelay $0x2  }
0xa4: {  	v4 =	vmul.f32 v4, v3  }
0xa5: {  	v2 =	vmul.f32 v2, v3  }
0xa6: {  	v3 =	vmul.f32 $1.442695020e+00, v4  }
0xa7: {  	v2 =	vmul.f32 $1.442695020e+00, v2  }
0xa8: {  	(erf) = vpow2.f32 v3  }
0xa9: {  	(erf) = vpow2.f32 v2;
	_ =	sdelay $0x7  }
0xaa: {  	v2 =	vpop (erf)  }
0xab: {  	v2 =	vadd.f32 $1.000000000e+00, v2;
	v3 =	vpop (erf)  }
0xac: {  	v3 =	vadd.f32 $1.000000000e+00, v3  }
0xad: {  	(erf) = vrcp.f32 v2  }
0xae: {  	(erf) = vrcp.f32 v3;
	_ =	sdelay $0x2  }
0xaf: {  	s4 =	sshra.s32 s21, $0x2  }
0xb0: {  	v2 =	vld [tilespmem:s4+$0x0]  }
0xb1: {  	v3 =	vld [tilespmem:s4+$0x10];
	_ =	sdelay $0x2  }
0xb2: {  	v62 =	vpop (erf)  }
0xb3: {  	v2 =	vmul.f32 v62, v2;
	v63 =	vpop (erf)  }
0xb4: {  	v3 =	vmul.f32 v63, v3  }
0xb5: {  	s0 =	sadd.s32 $0x1, s0;
	[tilespmem:s4+$0x0] =	vst v2  }
0xb6: {  	v1 =	vadd.s32 $0x1, v1;
	p0 =	sne.s32 s0, $0x31;
	[tilespmem:s4+$0x10] =	vst v3  }
.Ltmp3:
0xb7: {  	[tilespmem:$0x4C80] =	vst v1;
	(pc) =	sbr.rel @p0 .LBB2_4-.Ltmp3, $4  }
0xb8: {  	[spmem:s2] =	stream.indirect.scatter.add.f32 [tilespmem:s3], [sflag:$0x2], $0x20, s29, s25, $0xb8;
	[tilespmem:$0x1D390] =	vst v63  }
0xb9: {  	_ =	swait.ge [sflag:s20], $0x4000  }
0xba: {  	[sflag:s20] =	ssyncset.done $0x0  }
0xbb: {  	[sflag:s20] =	ssyncadd.s32 $0xFFFFC000  }
0xbc: {  	s0 =	stileid.u32;
	s30 =	sadd.s32 $0x1, s30  }
0xbd: {  	[bflag:$0x0] =	sbarrier.arrive $0xFFFF;
	s0 =	sshll.u32 s0, $0x6;
	p0 =	sne.s32 s30, s18  }
.Ltmp4:
0xbe: {  	s4 =	sshrl.u32 s8, $0x3;
	s0 =	sor.u32 $0x1C02, s0;
	(pc) =	sbr.rel @p0 .LBB2_1-.Ltmp4, $4  }
0xbf: {  	[hbm:s19], [sflag:s0] =	dma.local [spmem:s4], $0x30E0  }
0xc0: {  	_ =	swait.ge [sflag:s20], $0x30E0  }
0xc1: {  	[sflag:s20] =	ssyncset.done $0x0  }
0xc2: {  	[sflag:s20] =	ssyncadd.s32 $0xFFFFCF20  }
0xc3: {  	_ =	sfence.sel $0x180000  }
0xc4: {  	[bflag:$0x0] =	sbarrier.arrive $0xFFFF  }
0xc5: {  	_ =	strace $0x90000047  }
0xc6: {  	s0 =	stileid.u32;
	[bflag:$0x2] =	sbarrier.arrive $0xFFFF  }
0xc7: {  	p0 =	sne.s32 s0, $0x0;
	s0 =	rddreg [dreg:$0x3]  }
0xc8: {  	s0 =	sadd.s32 @!p0 $0x100000, s0  }
0xc9: {  	[sflag:s0] =	ssyncadd.tile.s32 @!p0 $0x1;
	_ =	shalt  }
.Lfunc_end2:
_tile_overlayer_lowered:
.L_overlay_start_2:
0xca: {  	(tag) =	ssettag $0x2  }
0xcb: {  	s0 =	rddreg [dreg:$0x0];
	s2 =	stileid.u32  }
0xcc: {  	s1 =	rddreg [dreg:$0x1];
	p0 =	sne.s32 s2, $0x0  }
0xcd: {  	s3 =	rddreg [dreg:$0x2];
	[bflag:$0x3] =	sbarrier.arrive $0xFFFF;
	s2 =	simm.s32 @!p0 $0x1C02  }
0xce: {  	[timem:s3], [sflag:s2] =	dma.local @!p0 [hbm:s0], s1  }
0xcf: {  	s0 =	simm.s32 @!p0 $0x2  }
0xd0: {  	_ =	swait.ge @!p0 [sflag:s0], s1  }
0xd1: {  	s1 =	ssub.s32 @!p0 $0x0, s1;
	[sflag:s0] =	ssyncset.done @!p0 $0x0  }
0xd2: {  	[sflag:s0] =	ssyncadd.s32 @!p0 s1  }
0xd3: {  	[bflag:$0x3] =	sbarrier.arrive $0xFFFF  }
0xd4: {  	_ =	shalt  }

// kernel: kernel.18.cloned.1.call-start
scs
__scs_entry_jumppad:
0x0: {  	(pc) =	sbr.rel $0x88, $3  }
0x1: {  	(tag) =	ssettag $0x0;
	lr =	simm.s32 $0x1  }
0x2: {  	[smem:$0x3F87] =	sst lr;
	_ =	strace $0xD0000000  }
0x3: {  	_ = 	snop  }
0x4: {  	_ = 	snop  }
0x5: {  	_ = 	snop  }
0x6: {  	_ = 	snop  }
0x7: {  	_ = 	snop  }
__scs_overlays_trampoline_lowered:
0x8: {  	[smem:$0x3F96] =	sst s0  }
0x9: {  	[smem:$0x3F97] =	sst s1  }
0xa: {  	[smem:$0x3F98] =	sst s2  }
0xb: {  	[smem:$0x3F99] =	sst s3  }
0xc: {  	[smem:$0x3F9A] =	sst s4  }
0xd: {  	[smem:$0x3F9B] =	sst s5  }
0xe: {  	[smem:$0x3F9C] =	sst s6  }
0xf: {  	[smem:$0x3F9D] =	sst s7  }
0x10: {  	[smem:$0x3F9E] =	sst s8  }
0x11: {  	[smem:$0x3F9F] =	sst s9;
	s0 =	simm.s32 @!p0 $0x0  }
0x12: {  	s1 =	sld [smem:$0x3F85];
	s0 =	simm.s32 @p0 $0x1  }
0x13: {  	[smem:$0x3FA0] =	sst s0;
	s0 =	simm.s32 @!p1 $0x0  }
0x14: {  	s2 =	sld [smem:$0x3F84];
	s0 =	simm.s32 @p1 $0x1  }
0x15: {  	[smem:$0x3FA1] =	sst s0;
	s0 =	simm.s32 @!p2 $0x0  }
0x16: {  	s3 =	sld [smem:$0x3FDB];
	s0 =	simm.s32 @p2 $0x1  }
0x17: {  	s4 =	simm.s32 $0x1BF5;
	[smem:$0x3FA3] =	sst s0  }
0x18: {  	s0 =	sld [smem:$0x3F86];
	_ =	swait.ge [sflag:s4], $0x0  }
0x19: {  	s7 =	sld [smem:$0x3F87]  }
0x1a: {  	s8 =	sadd.s32 $0xFFFFE003, lr  }
0x1b: {  	s9 =	sadd.s32 $0xFFFFFEF7, lr;
	s5 =	simm.s32 $0xFFFFFFFF;
	p2 =	slt.u32 s8, $0xFFFFF086  }
0x1c: {  	p1 =	slt.u32 s9, $0xF7A;
	s5 =	simm.s32 @!p2 $0x0  }
0x1d: {  	s5 =	simm.s32 @p1 $0x1;
	p0 =	seq.s32 s7, s2  }
0x1e: {  	s7 =	smul.u32 @!p0 $0xF7A, s2;
	p2 =	seq.s32 @!p0 s5, $0x0  }
0x1f: {  	s9 =	smul.u32 $0xF7A, s1;
	s8 =	simm.s32 @!p0 $0x1BF5;
	p2 =	por !p2, p0  }
0x20: {  	[sflag:s8] =	ssyncset.s32 @!p0 $0xFFFFF086;
	s6 =	sadd.s32 @!p0 s3, s7;
	s7 =	simm.s32 @!p0 $0x108  }
0x21: {  	s3 =	sadd.s32 s3, s9;
	s6 =	sadd.s32 @!p0 $0x88, s6;
	s7 =	simm.s32 @p2 $0x1082  }
0x22: {  	[simem:s7], [sflag:s8] =	dma.local @!p0 [hbm:s6], $0xF7A  }
0x23: {  	s9 =	sor.u32 $0xD0000000, s2;
	s6 =	simm.s32 $0x108;
	_ =	swait.ge @!p0 [sflag:s8], $0x0  }
0x24: {  	s3 =	sadd.s32 $0x88, s3;
	s6 =	simm.s32 @!p1 $0x1082;
	[sflag:s4] =	ssyncset.s32 $0xFFFFF086  }
0x25: {  	[simem:s6], [sflag:s4] =	dma.local [hbm:s3], $0xF7A  }
0x26: {  	[smem:$0x3F87] =	sst s1;
	(tag) =	ssettag s2;
	_ =	strace s9  }
0x27: {  	s1 =	sld [smem:$0x3F97]  }
0x28: {  	s2 =	sld [smem:$0x3F98]  }
0x29: {  	s4 =	sld [smem:$0x3F9A]  }
0x2a: {  	p0 =	seq.s32 s5, $0x0;
	s5 =	sld [smem:$0x3F9B]  }
0x2b: {  	s6 =	sld [smem:$0x3F9C]  }
0x2c: {  	s7 =	sld [smem:$0x3F9D]  }
0x2d: {  	s3 =	simm.s32 $0x108;
	s8 =	sld [smem:$0x3F9E]  }
0x2e: {  	s3 =	simm.s32 @!p0 $0x1082;
	s9 =	sld [smem:$0x3F9F]  }
0x2f: {  	lr =	sadd.s32 s0, s3;
	s0 =	sld [smem:$0x3F96]  }
0x30: {  	s3 =	sld [smem:$0x3F99]  }
0x31: {  	[smem:$0x3FA2] =	sst s10  }
0x32: {  	s10 =	sld [smem:$0x3FA0];
	_ =	sdelay $0x3  }
0x33: {  	p0 =	seq.s32 s10, $0x1;
	s10 =	sld [smem:$0x3FA2];
	_ =	sdelay $0x3  }
0x34: {  	[smem:$0x3FA2] =	sst s10  }
0x35: {  	s10 =	sld [smem:$0x3FA1];
	_ =	sdelay $0x3  }
0x36: {  	p1 =	seq.s32 s10, $0x1;
	s10 =	sld [smem:$0x3FA2];
	_ =	sdelay $0x3  }
0x37: {  	[smem:$0x3FA2] =	sst s10  }
0x38: {  	s10 =	sld [smem:$0x3FA3]  }
0x39: {  	_ = 	snop;
	(pc) =	sbr.ind lr, $3  }
0x3a: {  	_ = 	snop  }
0x3b: {  	_ = 	snop  }
0x3c: {  	p2 =	seq.s32 s10, $0x1;
	s10 =	sld [smem:$0x3FA2]  }
0x3d: {  	_ =	shalt  }
0x3e: {  	_ =	shalt  }
0x3f: {  	_ =	shalt  }
0x40: {  	_ =	shalt  }
0x41: {  	_ =	shalt  }
0x42: {  	_ =	shalt  }
0x43: {  	_ =	shalt  }
0x44: {  	_ =	shalt  }
0x45: {  	_ =	shalt  }
0x46: {  	_ =	shalt  }
0x47: {  	_ =	shalt  }
0x48: {  	_ =	shalt  }
0x49: {  	_ =	shalt  }
0x4a: {  	_ =	shalt  }
0x4b: {  	_ =	shalt  }
0x4c: {  	_ =	shalt  }
0x4d: {  	_ =	shalt  }
0x4e: {  	_ =	shalt  }
0x4f: {  	_ =	shalt  }
0x50: {  	_ =	shalt  }
0x51: {  	_ =	shalt  }
0x52: {  	_ =	shalt  }
0x53: {  	_ =	shalt  }
0x54: {  	_ =	shalt  }
0x55: {  	_ =	shalt  }
0x56: {  	_ =	shalt  }
0x57: {  	_ =	shalt  }
0x58: {  	_ =	shalt  }
0x59: {  	_ =	shalt  }
0x5a: {  	_ =	shalt  }
0x5b: {  	_ =	shalt  }
0x5c: {  	_ =	shalt  }
0x5d: {  	_ =	shalt  }
0x5e: {  	_ =	shalt  }
0x5f: {  	_ =	shalt  }
0x60: {  	_ =	shalt  }
0x61: {  	_ =	shalt  }
0x62: {  	_ =	shalt  }
0x63: {  	_ =	shalt  }
0x64: {  	_ =	shalt  }
0x65: {  	_ =	shalt  }
0x66: {  	_ =	shalt  }
0x67: {  	_ =	shalt  }
0x68: {  	_ =	shalt  }
0x69: {  	_ =	shalt  }
0x6a: {  	_ =	shalt  }
0x6b: {  	_ =	shalt  }
0x6c: {  	_ =	shalt  }
0x6d: {  	_ =	shalt  }
0x6e: {  	_ =	shalt  }
0x6f: {  	_ =	shalt  }
0x70: {  	_ =	shalt  }
0x71: {  	_ =	shalt  }
0x72: {  	_ =	shalt  }
0x73: {  	_ =	shalt  }
0x74: {  	_ =	shalt  }
0x75: {  	_ =	shalt  }
0x76: {  	_ =	shalt  }
0x77: {  	_ =	shalt  }
0x78: {  	_ =	shalt  }
0x79: {  	_ =	shalt  }
0x7a: {  	_ =	shalt  }
0x7b: {  	_ =	shalt  }
0x7c: {  	_ =	shalt  }
0x7d: {  	_ =	shalt  }
0x7e: {  	_ =	shalt  }
0x7f: {  	_ =	shalt  }
0x80: {  	_ =	shalt  }
0x81: {  	_ =	shalt  }
0x82: {  	_ =	shalt  }
0x83: {  	_ =	shalt  }
0x84: {  	_ =	shalt  }
0x85: {  	_ =	shalt  }
0x86: {  	_ =	shalt  }
0x87: {  	_ =	shalt  }
.Lfunc_end0:
.L_simem_size_0:
called_computation.1_lowered:
.L_overlay_start_0:
0x88: {  	s2 =	sld [smem:$0x3FD9]  }
0x89: {  	s3 =	sld [smem:$0x3FFE];
	_ =	sdelay $0x1  }
0x8a: {  	s1 =	srdreg.scid  }
0x8b: {  	s0 =	sand.u32 $0x1, s1  }
0x8c: {  	s17 =	sshll.u32 s0, $0xA;
	s2 =	sadd.s32 s3, s2  }
0x8d: {  	s2 =	sadd.s32 s2, s17  }
0x8e: {  	[smem:$0x3FAE] =	sst s2  }
0x8f: {  	_ = 	snop  }
0x90: {  	s2 =	sld [smem:$0x3FD0];
	(tm) =	ssettm $0x1  }
0x91: {  	s18 =	sld [smem:$0x3FFB];
	_ =	sdelay $0x3  }
0x92: {  	_ =	strace s18  }
0x93: {  	s3 =	sld [smem:$0x3FFC];
	_ =	sdelay $0x3  }
0x94: {  	_ =	strace s3  }
0x95: {  	s3 =	sld [smem:$0x3FFD];
	_ =	sdelay $0x3  }
0x96: {  	_ =	strace s3  }
0x97: {  	_ =	strace $0x8FFFFFFF  }
0x98: {  	s19 =	sld [smem:$0x3FDB];
	_ =	sdelay $0x1  }
0x99: {  	s4 =	simm.s32 $_scs_section_size  }
0x9a: {  	s5 =	simm.s32 $_size__tile_overlayer_lowered;
	s6 =	simm.s32 $_tile_overlayer_lowered  }
0x9b: {  	s22 =	simm.s32 $0x1BFF;
	s21 =	sshll.u32 s6, $0x1;
	s3 =	sadd.s32 s4, s19  }
0x9c: {  	s7 =	simm.s32 $0x0;
	s20 =	sshll.u32 s5, $0x1;
	s5 =	sadd.s32 s21, s3  }
0x9d: {  	[timem:s7], [sflag:s22] =	dma.local [hbm:s5], s20  }
0x9e: {  	_ =	swait.ge [sflag:s22], s20  }
0x9f: {  	s4 =	ssub.s32 $0x0, s20;
	[sflag:s22] =	ssyncset.done $0x0  }
0xa0: {  	[sflag:s22] =	ssyncadd.s32 s4;
	_ =	sdelay $0x1  }
0xa1: {  	s23 =	simm.s32 $0x1B8B  }
0xa2: {  	_ =	swait.ge [sflag:s23], $0x1  }
0xa3: {  	[sflag:s23] =	ssyncset.done $0x0  }
0xa4: {  	s25 =	simm.s32 $0x1B8E;
	s24 =	sld [smem:$0x3FFE];
	[sflag:s23] =	ssyncadd.s32 $0xFFFFFFFF  }
0xa5: {  	s26 =	simm.s32 $execute0_lowered;
	[smem:$0x3FD2] =	sst s25  }
0xa6: {  	s5 =	sshll.u32 s26, $0x1;
	_ =	strace $0x80000049;
	[dreg:$0x1] =	wrdreg $0xFFFFFFFF  }
0xa7: {  	s28 =	simm.s32 $_size_execute0_lowered;
	s3 =	sadd.s32 s3, s5;
	[dreg:$0x0] =	wrdreg $0x0  }
0xa8: {  	s5 =	sshll.u32 s28, $0x1;
	[dreg:$0x2] =	wrdreg s3  }
0xa9: {  	[dreg:$0x3] =	wrdreg s5  }
0xaa: {  	[dreg:$0x4] =	wrdreg $0xC0  }
0xab: {  	_ =	task [dreg:s7], $0x5FFFF  }
0xac: {  	[dreg:$0x1] =	wrdreg $0xFFFFFFFF  }
0xad: {  	[dreg:$0x0] =	wrdreg $0x60  }
0xae: {  	[dreg:$0x2] =	wrdreg s2  }
0xaf: {  	[dreg:$0x3] =	wrdreg s24  }
0xb0: {  	[dreg:$0x4] =	wrdreg $0x4C900  }
0xb1: {  	[dreg:$0x5] =	wrdreg $0x9  }
0xb2: {  	_ =	task.clear_ibuf [dreg:s7], $0x6FFFF;
	_ =	strace $0x90000049  }
0xb3: {  	s29 =	simm.s32 $0x9;
	_ =	strace $0x8000004B  }
0xb4: {  	_ =	swait.ge [sflag:s29], $0x1  }
0xb5: {  	[sflag:s29] =	ssyncadd.s32 $0xFFFFFFFF  }
0xb6: {  	_ =	strace $0x9000004B  }
0xb7: {  	_ =	sfence  }
0xb8: {  	s30 =	sld [smem:$0x0];
	_ =	sdelay $0x2  }
0xb9: {  	s31 =	sshll.u32 s1, $0xD;
	s1 =	sshrl.u32 s1, $0x2  }
0xba: {  	s3 =	sand.u32 $0x4000, s31;
	s1 =	sadd.s32 s1, s30  }
0xbb: {  	s0 =	sor.u32 s3, s0;
	s1 =	sshll.u32 s1, $0x11  }
0xbc: {  	s0 =	sor.u32 s1, s0  }
0xbd: {  	s0 =	sadd.s32 $0x8F2B, s0  }
0xbe: {  	[sflag:s0] =	ssyncadd.remote.s32 $0x1  }
0xbf: {  	_ =	sfence.sel $0xFFFF  }
0xc0: {  	[dreg:$0x0] =	wrdreg $0xFFFFFFFF;
	(pc) =	sbr.abs _section_cstart, $3  }
0xc1: {  	[dreg:$0x1] =	wrdreg $0xFFFFFFFF  }
0xc2: {  	_ =	task.clear_ibuf [dreg:s7], $0x2FFFF;
	_ =	strace $0x9FFFFFFF  }
0xc3: {  	(tm) =	ssettm $0x7FFFFFFF  }
tec
execute0_lowered:
.L_overlay_start_1:
0x0: {  	(tag) =	ssettag $0x1  }
0x1: {  	s1 =	rddreg [dreg:$0x0]  }
0x2: {  	s0 =	rddreg [dreg:$0x1]  }
0x3: {  	s2 =	rddreg [dreg:$0x2];
	s3 =	simm.s32 $0x0  }
0x4: {  	s4 =	srdreg.scid;
	s16 =	stileid.u32;
	s20 =	simm.s32 $0x66C00  }
0x5: {  	s22 =	simm.s32 $0x4000;
	s23 =	simm.s32 $0x4400;
	s24 =	simm.s32 $0x4800  }
0x6: {  	s28 =	simm.s32 $0x4200;
	s29 =	simm.s32 $0x4600;
	s30 =	simm.s32 $0x0  }
0x7: {  	s31 =	simm.s32 $0x0;
	[smem:$0x7FF] =	sst s3;
	s8 =	smul.u32 $0x61C00, s16  }
0x8: {  	s5 =	sadd.s32 $0x4A00, s0;
	s6 =	sadd.s32 $0x4E400, s0;
	s18 =	smul.u32 $0x18700, s16  }
0x9: {  	s4 =	sand.u32 $0x1, s4;
	s7 =	sadd.s32 $0x35A00, s0;
	s16 =	smul.u32 $0x31, s16  }
0xa: {  	_ =	strace $0x8000004A;
	s9 =	sshll.u32 s4, $0x4;
	s10 =	ssub.s32 $0x2, s4  }
0xb: {  	p0 =	seq.s32 s4, $0x1;
	s17 =	smul.u32 $0xC4000, s4;
	s11 =	sshrl.u32 s10, $0x1  }
0xc: {  	s8 =	sshrl.u32 s8, $0x2;
	s15 =	sadd.s32 s9, s0;
	s20 =	simm.s32 @!p0 $0x97A00  }
0xd: {  	s26 =	sshrl.u32 s18, $0x3;
	s19 =	ssub.s32 s10, s11;
	s14 =	sadd.s32 s8, s2  }
0xe: {  	s8 =	sadd.s32 s18, s2;
	s15 =	sadd.s32 $0xC8800, s15;
	s0 =	sadd.s32 s20, s0  }
0xf: {  	s20 =	simm.s32 $0x2;
	s25 =	sadd.s32 $0x4000, s14;
	s10 =	sadd.s32 $0x8000, s14  }
0x10: {  	s11 =	sadd.s32 $0xC000, s14;
	s12 =	sadd.s32 $0x10000, s14;
	s13 =	sadd.s32 $0x14000, s14  }
0x11: {  	s14 =	sadd.s32 $0x18000, s14;
	s18 =	smax.u32 s19, $0x1;
	s19 =	sadd.s32 s0, s26  }
0x12: {  	v0 =	vimm.f32 $0.0e+00;
	s26 =	simm.s32 $0x1;
	[dreg:$0x4] =	wrdreg s25;
	s25 =	simm.s32 $0x200  }
.LBB2_1:
0x13: {  	s0 =	simm.s32 $0x80;
	s4 =	simm.s32 $0x0  }
.LBB2_2:
0x14: {  	p0 =	sne.s32 s0, $0xFF80;
	[tilespmem:s4+$0x0] =	vst v0;
	s21 =	smov.u32 s0;
	s0 =	sadd.s32 $0x80, s0  }
.Ltmp0:
0x15: {  	[tilespmem:s4+$0x10] =	vst v0;
	(pc) =	sbr.rel @p0 .LBB2_2-.Ltmp0, $2  }
0x16: {  	_ =	sdelay $0x2  }
0x17: {  	s4 =	sshra.s32 s21, $0x2  }
0x18: {  	[tilespmem:s4+$0x0] =	vst v0  }
0x19: {  	[tilespmem:s4+$0x10] =	vst v0  }
0x1a: {  	[spmem:s8] =	stream.linear.scatter [tilespmem:s31], [sflag:$0x2], $0x4000, $0x38;
	[tilespmem:$0x1D390] =	vst v63  }
0x1b: {  	_ =	swait.ge [sflag:s20], $0x4000  }
0x1c: {  	[sflag:s20] =	ssyncset.done $0x0  }
0x1d: {  	s0 =	rddreg [dreg:$0x4];
	[sflag:s20] =	ssyncadd.s32 $0xFFFFC000  }
0x1e: {  	[spmem:s0] =	stream.linear.scatter [tilespmem:s31], [sflag:$0x2], $0x4000, $0x38;
	[tilespmem:$0x1D390] =	vst v63  }
0x1f: {  	_ =	swait.ge [sflag:s20], $0x4000  }
0x20: {  	[sflag:s20] =	ssyncset.done $0x0  }
0x21: {  	[sflag:s20] =	ssyncadd.s32 $0xFFFFC000  }
0x22: {  	[spmem:s10] =	stream.linear.scatter [tilespmem:s31], [sflag:$0x2], $0x4000, $0x38;
	[tilespmem:$0x1D390] =	vst v63  }
0x23: {  	_ =	swait.ge [sflag:s20], $0x4000  }
0x24: {  	[sflag:s20] =	ssyncset.done $0x0  }
0x25: {  	[sflag:s20] =	ssyncadd.s32 $0xFFFFC000  }
0x26: {  	[spmem:s11] =	stream.linear.scatter [tilespmem:s31], [sflag:$0x2], $0x4000, $0x38;
	[tilespmem:$0x1D390] =	vst v63  }
0x27: {  	_ =	swait.ge [sflag:s20], $0x4000  }
0x28: {  	[sflag:s20] =	ssyncset.done $0x0  }
0x29: {  	[sflag:s20] =	ssyncadd.s32 $0xFFFFC000  }
0x2a: {  	[spmem:s12] =	stream.linear.scatter [tilespmem:s31], [sflag:$0x2], $0x4000, $0x38;
	[tilespmem:$0x1D390] =	vst v63  }
0x2b: {  	_ =	swait.ge [sflag:s20], $0x4000  }
0x2c: {  	[sflag:s20] =	ssyncset.done $0x0  }
0x2d: {  	[sflag:s20] =	ssyncadd.s32 $0xFFFFC000  }
0x2e: {  	[spmem:s13] =	stream.linear.scatter [tilespmem:s31], [sflag:$0x2], $0x4000, $0x38;
	[tilespmem:$0x1D390] =	vst v63  }
0x2f: {  	_ =	swait.ge [sflag:s20], $0x4000  }
0x30: {  	[sflag:s20] =	ssyncset.done $0x0  }
0x31: {  	[sflag:s20] =	ssyncadd.s32 $0xFFFFC000  }
0x32: {  	[spmem:s14] =	stream.linear.scatter [tilespmem:s31], [sflag:$0x2], $0x700, $0x38;
	[tilespmem:$0x1D390] =	vst v63  }
0x33: {  	_ =	swait.ge [sflag:s20], $0x700  }
0x34: {  	[sflag:s20] =	ssyncset.done $0x0  }
0x35: {  	s21 =	simm.s32 $0x4C00;
	[sflag:s20] =	ssyncadd.s32 $0xFFFFF900  }
0x36: {  	[tilespmem:s21], [sflag:$0x2] =	stream.linear.gather [hbm4b:s15+s31], $0x80, $0x38;
	[tilespmem:$0x1D390] =	vst v63  }
0x37: {  	_ =	swait.ge [sflag:s20], $0x80  }
0x38: {  	[sflag:s20] =	ssyncset.done $0x0  }
0x39: {  	[sflag:s20] =	ssyncadd.s32 $0xFFFFFF80  }
0x3a: {  	s0 =	simm.s32 $0x0;
	[bflag:$0x0] =	sbarrier.arrive $0xFFFF  }
.LBB2_4:
0x3b: {  	s4 =	sadd.s32 s16, s0  }
0x3c: {  	s21 =	sshll.u32 s4, $0xA  }
0x3d: {  	s21 =	sadd.s32 s17, s21  }
0x3e: {  	s21 =	sshrl.u32 s21, $0x3  }
0x3f: {  	s21 =	sadd.s32 s5, s21  }
0x40: {  	[tilespmem:s22], [sflag:$0x2] =	stream.linear.gather [hbm4b:s21+s31], $0x400, $0x38;
	[tilespmem:$0x1D390] =	vst v63  }
0x41: {  	_ =	swait.ge [sflag:s20], $0x400  }
0x42: {  	s4 =	sshll.u32 s4, $0x7;
	[sflag:s20] =	ssyncset.done $0x0  }
0x43: {  	s9 =	sadd.s32 s6, s4;
	[sflag:s20] =	ssyncadd.s32 $0xFFFFFC00  }
0x44: {  	[tilespmem:s23], [sflag:$0x2] =	stream.linear.gather [hbm4b:s9+s31], $0x400, $0x38;
	[tilespmem:$0x1D390] =	vst v63  }
0x45: {  	_ =	swait.ge [sflag:s20], $0x400  }
0x46: {  	[sflag:s20] =	ssyncset.done $0x0  }
0x47: {  	s4 =	sadd.s32 s7, s4;
	[sflag:s20] =	ssyncadd.s32 $0xFFFFFC00  }
0x48: {  	[tilespmem:s24], [sflag:$0x2] =	stream.linear.gather [hbm4b:s4+s31], $0x400, $0x38;
	[tilespmem:$0x1D390] =	vst v63  }
0x49: {  	_ =	swait.ge [sflag:s20], $0x400  }
0x4a: {  	[sflag:s20] =	ssyncset.done $0x0  }
0x4b: {  	[sflag:s20] =	ssyncadd.s32 $0xFFFFFC00  }
0x4c: {  	v1 =	vimm.s32 $0x0;
	[tilespmem:s31], [sflag:$0x1] =	stream.indirect.gather [hbm4b:s1+s25], $0x20, s22, s25, $0xb8;
	[tilespmem:$0x1D390] =	vst v63  }
0x4d: {  	_ =	swait.ge [sflag:s26], $0x4000  }
0x4e: {  	[sflag:s26] =	ssyncset.done $0x0  }
0x4f: {  	[sflag:s26] =	ssyncadd.s32 $0xFFFFC000  }
0x50: {  	[tilespmem:$0x4C80] =	vst v1;
	v4 =	vld [tilespmem:$0x4C00]  }
0x51: {  	v3 =	vld.idx.msk [tilespmem:v1+s24+$0x0], $0xffff  }
0x52: {  	s21 =	simm.s32 $0x0;
	s4 =	simm.s32 $0x80;
	v2 =	vld [tilespmem:$0x4C10]  }
.LBB2_5:
0x53: {  	p0 =	sne.s32 s4, $0xFF80;
	_ =	sdelay $0x2  }
0x54: {  	v4 =	vmul.f32 v4, v3  }
0x55: {  	v2 =	vmul.f32 v2, v3  }
0x56: {  	v3 =	vmul.f32 $1.442695020e+00, v4  }
0x57: {  	v2 =	vmul.f32 $1.442695020e+00, v2  }
0x58: {  	(erf) = vpow2.f32 v3  }
0x59: {  	(erf) = vpow2.f32 v2;
	_ =	sdelay $0x7  }
0x5a: {  	v2 =	vpop (erf)  }
0x5b: {  	v2 =	vadd.f32 $1.000000000e+00, v2;
	v3 =	vpop (erf)  }
0x5c: {  	v3 =	vadd.f32 $1.000000000e+00, v3  }
0x5d: {  	(erf) = vrcp.f32 v2  }
0x5e: {  	(erf) = vrcp.f32 v3;
	_ =	sdelay $0x2  }
0x5f: {  	s9 =	sshra.s32 s21, $0x2;
	s21 =	smov.u32 s4  }
0x60: {  	v2 =	vld [tilespmem:s9+$0x0]  }
0x61: {  	v3 =	vld [tilespmem:s9+$0x10];
	_ =	sdelay $0x2  }
0x62: {  	v4 =	vpop (erf)  }
0x63: {  	v1 =	vadd.s32 $0x1, v1;
	v2 =	vmul.f32 v4, v2;
	v4 =	vpop (erf)  }
0x64: {  	v3 =	vmul.f32 v4, v3  }
0x65: {  	[tilespmem:s9+$0x0] =	vst v2  }
.Ltmp1:
0x66: {  	[tilespmem:s9+$0x10] =	vst v3;
	(pc) =	sbr.rel @p0 .LBB2_5-.Ltmp1, $4  }
0x67: {  	v2 =	vld [tilespmem:$0x4C10];
	[tilespmem:$0x4C80] =	vst v1  }
0x68: {  	v3 =	vld.idx.msk [tilespmem:v1+s24+$0x0], $0xffff  }
0x69: {  	v4 =	vld [tilespmem:$0x4C00]  }
0x6a: {  	s4 =	sadd.s32 $0x80, s4  }
0x6b: {  	_ =	sdelay $0x2  }
0x6c: {  	v4 =	vmul.f32 v4, v3  }
0x6d: {  	v2 =	vmul.f32 v2, v3  }
0x6e: {  	v3 =	vmul.f32 $1.442695020e+00, v4  }
0x6f: {  	v2 =	vmul.f32 $1.442695020e+00, v2  }
0x70: {  	(erf) = vpow2.f32 v3  }
0x71: {  	(erf) = vpow2.f32 v2;
	_ =	sdelay $0x7  }
0x72: {  	v2 =	vpop (erf)  }
0x73: {  	v2 =	vadd.f32 $1.000000000e+00, v2;
	v3 =	vpop (erf)  }
0x74: {  	v3 =	vadd.f32 $1.000000000e+00, v3  }
0x75: {  	(erf) = vrcp.f32 v2  }
0x76: {  	(erf) = vrcp.f32 v3;
	_ =	sdelay $0x2  }
0x77: {  	s4 =	sshra.s32 s21, $0x2  }
0x78: {  	v2 =	vld [tilespmem:s4+$0x0]  }
0x79: {  	v3 =	vld [tilespmem:s4+$0x10];
	_ =	sdelay $0x2  }
0x7a: {  	v4 =	vpop (erf)  }
0x7b: {  	v2 =	vmul.f32 v4, v2;
	v4 =	vpop (erf)  }
0x7c: {  	v3 =	vmul.f32 v4, v3  }
0x7d: {  	[tilespmem:s4+$0x0] =	vst v2  }
0x7e: {  	v1 =	vadd.s32 $0x1, v1;
	[tilespmem:s4+$0x10] =	vst v3  }
0x7f: {  	s21 =	simm.s32 $0x0;
	[tilespmem:$0x4C80] =	vst v1  }
0x80: {  	[spmem:s2] =	stream.indirect.scatter.add.f32 [tilespmem:s21], [sflag:$0x2], $0x20, s23, s25, $0xb8;
	[tilespmem:$0x1D390] =	vst v63  }
0x81: {  	_ =	swait.ge [sflag:s20], $0x4000  }
0x82: {  	[sflag:s20] =	ssyncset.done $0x0  }
0x83: {  	[sflag:s20] =	ssyncadd.s32 $0xFFFFC000  }
0x84: {  	v1 =	vimm.s32 $0x200;
	[tilespmem:s21], [sflag:$0x1] =	stream.indirect.gather [hbm4b:s1+s25], $0x20, s28, s25, $0xb8;
	[tilespmem:$0x1D390] =	vst v63  }
0x85: {  	_ =	swait.ge [sflag:s26], $0x4000  }
0x86: {  	[sflag:s26] =	ssyncset.done $0x0  }
0x87: {  	[sflag:s26] =	ssyncadd.s32 $0xFFFFC000  }
0x88: {  	[tilespmem:$0x4C80] =	vst v1;
	v4 =	vld [tilespmem:$0x4C00]  }
0x89: {  	v3 =	vld.idx.msk [tilespmem:v1+s24+$0x0], $0xffff  }
0x8a: {  	s4 =	simm.s32 $0x80;
	v2 =	vld [tilespmem:$0x4C10]  }
.LBB2_7:
0x8b: {  	p0 =	sne.s32 s4, $0xFF80;
	_ =	sdelay $0x2  }
0x8c: {  	v4 =	vmul.f32 v4, v3  }
0x8d: {  	v2 =	vmul.f32 v2, v3  }
0x8e: {  	v3 =	vmul.f32 $1.442695020e+00, v4  }
0x8f: {  	v2 =	vmul.f32 $1.442695020e+00, v2  }
0x90: {  	(erf) = vpow2.f32 v3  }
0x91: {  	(erf) = vpow2.f32 v2;
	_ =	sdelay $0x7  }
0x92: {  	v2 =	vpop (erf)  }
0x93: {  	v2 =	vadd.f32 $1.000000000e+00, v2;
	v3 =	vpop (erf)  }
0x94: {  	v3 =	vadd.f32 $1.000000000e+00, v3  }
0x95: {  	(erf) = vrcp.f32 v2  }
0x96: {  	(erf) = vrcp.f32 v3;
	_ =	sdelay $0x2  }
0x97: {  	s9 =	sshra.s32 s21, $0x2;
	s21 =	smov.u32 s4  }
0x98: {  	v2 =	vld [tilespmem:s9+$0x0]  }
0x99: {  	v3 =	vld [tilespmem:s9+$0x10];
	_ =	sdelay $0x2  }
0x9a: {  	v4 =	vpop (erf)  }
0x9b: {  	v1 =	vadd.s32 $0x1, v1;
	v2 =	vmul.f32 v4, v2;
	v4 =	vpop (erf)  }
0x9c: {  	v3 =	vmul.f32 v4, v3  }
0x9d: {  	[tilespmem:s9+$0x0] =	vst v2  }
.Ltmp2:
0x9e: {  	[tilespmem:s9+$0x10] =	vst v3;
	(pc) =	sbr.rel @p0 .LBB2_7-.Ltmp2, $4  }
0x9f: {  	v2 =	vld [tilespmem:$0x4C10];
	[tilespmem:$0x4C80] =	vst v1  }
0xa0: {  	v3 =	vld.idx.msk [tilespmem:v1+s24+$0x0], $0xffff  }
0xa1: {  	v4 =	vld [tilespmem:$0x4C00]  }
0xa2: {  	s4 =	sadd.s32 $0x80, s4  }
0xa3: {  	_ =	sdelay $0x2  }
0xa4: {  	v4 =	vmul.f32 v4, v3  }
0xa5: {  	v2 =	vmul.f32 v2, v3  }
0xa6: {  	v3 =	vmul.f32 $1.442695020e+00, v4  }
0xa7: {  	v2 =	vmul.f32 $1.442695020e+00, v2  }
0xa8: {  	(erf) = vpow2.f32 v3  }
0xa9: {  	(erf) = vpow2.f32 v2;
	_ =	sdelay $0x7  }
0xaa: {  	v2 =	vpop (erf)  }
0xab: {  	v2 =	vadd.f32 $1.000000000e+00, v2;
	v3 =	vpop (erf)  }
0xac: {  	v3 =	vadd.f32 $1.000000000e+00, v3  }
0xad: {  	(erf) = vrcp.f32 v2  }
0xae: {  	(erf) = vrcp.f32 v3;
	_ =	sdelay $0x2  }
0xaf: {  	s4 =	sshra.s32 s21, $0x2  }
0xb0: {  	v2 =	vld [tilespmem:s4+$0x0]  }
0xb1: {  	v3 =	vld [tilespmem:s4+$0x10];
	_ =	sdelay $0x2  }
0xb2: {  	v62 =	vpop (erf)  }
0xb3: {  	v2 =	vmul.f32 v62, v2;
	v63 =	vpop (erf)  }
0xb4: {  	v3 =	vmul.f32 v63, v3  }
0xb5: {  	s0 =	sadd.s32 $0x1, s0;
	[tilespmem:s4+$0x0] =	vst v2  }
0xb6: {  	v1 =	vadd.s32 $0x1, v1;
	p0 =	sne.s32 s0, $0x31;
	[tilespmem:s4+$0x10] =	vst v3  }
.Ltmp3:
0xb7: {  	[tilespmem:$0x4C80] =	vst v1;
	(pc) =	sbr.rel @p0 .LBB2_4-.Ltmp3, $4  }
0xb8: {  	[spmem:s2] =	stream.indirect.scatter.add.f32 [tilespmem:s3], [sflag:$0x2], $0x20, s29, s25, $0xb8;
	[tilespmem:$0x1D390] =	vst v63  }
0xb9: {  	_ =	swait.ge [sflag:s20], $0x4000  }
0xba: {  	[sflag:s20] =	ssyncset.done $0x0  }
0xbb: {  	[sflag:s20] =	ssyncadd.s32 $0xFFFFC000  }
0xbc: {  	s0 =	stileid.u32;
	s30 =	sadd.s32 $0x1, s30  }
0xbd: {  	[bflag:$0x0] =	sbarrier.arrive $0xFFFF;
	s0 =	sshll.u32 s0, $0x6;
	p0 =	sne.s32 s30, s18  }
.Ltmp4:
0xbe: {  	s4 =	sshrl.u32 s8, $0x3;
	s0 =	sor.u32 $0x1C02, s0;
	(pc) =	sbr.rel @p0 .LBB2_1-.Ltmp4, $4  }
0xbf: {  	[hbm:s19], [sflag:s0] =	dma.local [spmem:s4], $0x30E0  }
0xc0: {  	_ =	swait.ge [sflag:s20], $0x30E0  }
0xc1: {  	[sflag:s20] =	ssyncset.done $0x0  }
0xc2: {  	[sflag:s20] =	ssyncadd.s32 $0xFFFFCF20  }
0xc3: {  	_ =	sfence.sel $0x180000  }
0xc4: {  	[bflag:$0x0] =	sbarrier.arrive $0xFFFF  }
0xc5: {  	_ =	strace $0x9000004A  }
0xc6: {  	s0 =	stileid.u32;
	[bflag:$0x2] =	sbarrier.arrive $0xFFFF  }
0xc7: {  	p0 =	sne.s32 s0, $0x0;
	s0 =	rddreg [dreg:$0x3]  }
0xc8: {  	s0 =	sadd.s32 @!p0 $0x100000, s0  }
0xc9: {  	[sflag:s0] =	ssyncadd.tile.s32 @!p0 $0x1;
	_ =	shalt  }
.Lfunc_end2:
_tile_overlayer_lowered:
.L_overlay_start_2:
0xca: {  	(tag) =	ssettag $0x2  }
0xcb: {  	s0 =	rddreg [dreg:$0x0];
	s2 =	stileid.u32  }
0xcc: {  	s1 =	rddreg [dreg:$0x1];
	p0 =	sne.s32 s2, $0x0  }
0xcd: {  	s3 =	rddreg [dreg:$0x2];
	[bflag:$0x3] =	sbarrier.arrive $0xFFFF;
	s2 =	simm.s32 @!p0 $0x1C02  }
0xce: {  	[timem:s3], [sflag:s2] =	dma.local @!p0 [hbm:s0], s1  }
0xcf: {  	s0 =	simm.s32 @!p0 $0x2  }
0xd0: {  	_ =	swait.ge @!p0 [sflag:s0], s1  }
0xd1: {  	s1 =	ssub.s32 @!p0 $0x0, s1;
	[sflag:s0] =	ssyncset.done @!p0 $0x0  }
0xd2: {  	[sflag:s0] =	ssyncadd.s32 @!p0 s1  }
0xd3: {  	[bflag:$0x3] =	sbarrier.arrive $0xFFFF  }
0xd4: {  	_ =	shalt  }

// kernel: kernel.21.cloned.1.call-start
scs
__scs_entry_jumppad:
0x0: {  	(pc) =	sbr.rel $0x88, $3  }
0x1: {  	(tag) =	ssettag $0x0;
	lr =	simm.s32 $0x1  }
0x2: {  	[smem:$0x3F87] =	sst lr;
	_ =	strace $0xD0000000  }
0x3: {  	_ = 	snop  }
0x4: {  	_ = 	snop  }
0x5: {  	_ = 	snop  }
0x6: {  	_ = 	snop  }
0x7: {  	_ = 	snop  }
__scs_overlays_trampoline_lowered:
0x8: {  	[smem:$0x3F96] =	sst s0  }
0x9: {  	[smem:$0x3F97] =	sst s1  }
0xa: {  	[smem:$0x3F98] =	sst s2  }
0xb: {  	[smem:$0x3F99] =	sst s3  }
0xc: {  	[smem:$0x3F9A] =	sst s4  }
0xd: {  	[smem:$0x3F9B] =	sst s5  }
0xe: {  	[smem:$0x3F9C] =	sst s6  }
0xf: {  	[smem:$0x3F9D] =	sst s7  }
0x10: {  	[smem:$0x3F9E] =	sst s8  }
0x11: {  	[smem:$0x3F9F] =	sst s9;
	s0 =	simm.s32 @!p0 $0x0  }
0x12: {  	s1 =	sld [smem:$0x3F85];
	s0 =	simm.s32 @p0 $0x1  }
0x13: {  	[smem:$0x3FA0] =	sst s0;
	s0 =	simm.s32 @!p1 $0x0  }
0x14: {  	s2 =	sld [smem:$0x3F84];
	s0 =	simm.s32 @p1 $0x1  }
0x15: {  	[smem:$0x3FA1] =	sst s0;
	s0 =	simm.s32 @!p2 $0x0  }
0x16: {  	s3 =	sld [smem:$0x3FDB];
	s0 =	simm.s32 @p2 $0x1  }
0x17: {  	s4 =	simm.s32 $0x1BF5;
	[smem:$0x3FA3] =	sst s0  }
0x18: {  	s0 =	sld [smem:$0x3F86];
	_ =	swait.ge [sflag:s4], $0x0  }
0x19: {  	s7 =	sld [smem:$0x3F87]  }
0x1a: {  	s8 =	sadd.s32 $0xFFFFE003, lr  }
0x1b: {  	s9 =	sadd.s32 $0xFFFFFEF7, lr;
	s5 =	simm.s32 $0xFFFFFFFF;
	p2 =	slt.u32 s8, $0xFFFFF086  }
0x1c: {  	p1 =	slt.u32 s9, $0xF7A;
	s5 =	simm.s32 @!p2 $0x0  }
0x1d: {  	s5 =	simm.s32 @p1 $0x1;
	p0 =	seq.s32 s7, s2  }
0x1e: {  	s7 =	smul.u32 @!p0 $0xF7A, s2;
	p2 =	seq.s32 @!p0 s5, $0x0  }
0x1f: {  	s9 =	smul.u32 $0xF7A, s1;
	s8 =	simm.s32 @!p0 $0x1BF5;
	p2 =	por !p2, p0  }
0x20: {  	[sflag:s8] =	ssyncset.s32 @!p0 $0xFFFFF086;
	s6 =	sadd.s32 @!p0 s3, s7;
	s7 =	simm.s32 @!p0 $0x108  }
0x21: {  	s3 =	sadd.s32 s3, s9;
	s6 =	sadd.s32 @!p0 $0x88, s6;
	s7 =	simm.s32 @p2 $0x1082  }
0x22: {  	[simem:s7], [sflag:s8] =	dma.local @!p0 [hbm:s6], $0xF7A  }
0x23: {  	s9 =	sor.u32 $0xD0000000, s2;
	s6 =	simm.s32 $0x108;
	_ =	swait.ge @!p0 [sflag:s8], $0x0  }
0x24: {  	s3 =	sadd.s32 $0x88, s3;
	s6 =	simm.s32 @!p1 $0x1082;
	[sflag:s4] =	ssyncset.s32 $0xFFFFF086  }
0x25: {  	[simem:s6], [sflag:s4] =	dma.local [hbm:s3], $0xF7A  }
0x26: {  	[smem:$0x3F87] =	sst s1;
	(tag) =	ssettag s2;
	_ =	strace s9  }
0x27: {  	s1 =	sld [smem:$0x3F97]  }
0x28: {  	s2 =	sld [smem:$0x3F98]  }
0x29: {  	s4 =	sld [smem:$0x3F9A]  }
0x2a: {  	p0 =	seq.s32 s5, $0x0;
	s5 =	sld [smem:$0x3F9B]  }
0x2b: {  	s6 =	sld [smem:$0x3F9C]  }
0x2c: {  	s7 =	sld [smem:$0x3F9D]  }
0x2d: {  	s3 =	simm.s32 $0x108;
	s8 =	sld [smem:$0x3F9E]  }
0x2e: {  	s3 =	simm.s32 @!p0 $0x1082;
	s9 =	sld [smem:$0x3F9F]  }
0x2f: {  	lr =	sadd.s32 s0, s3;
	s0 =	sld [smem:$0x3F96]  }
0x30: {  	s3 =	sld [smem:$0x3F99]  }
0x31: {  	[smem:$0x3FA2] =	sst s10  }
0x32: {  	s10 =	sld [smem:$0x3FA0];
	_ =	sdelay $0x3  }
0x33: {  	p0 =	seq.s32 s10, $0x1;
	s10 =	sld [smem:$0x3FA2];
	_ =	sdelay $0x3  }
0x34: {  	[smem:$0x3FA2] =	sst s10  }
0x35: {  	s10 =	sld [smem:$0x3FA1];
	_ =	sdelay $0x3  }
0x36: {  	p1 =	seq.s32 s10, $0x1;
	s10 =	sld [smem:$0x3FA2];
	_ =	sdelay $0x3  }
0x37: {  	[smem:$0x3FA2] =	sst s10  }
0x38: {  	s10 =	sld [smem:$0x3FA3]  }
0x39: {  	_ = 	snop;
	(pc) =	sbr.ind lr, $3  }
0x3a: {  	_ = 	snop  }
0x3b: {  	_ = 	snop  }
0x3c: {  	p2 =	seq.s32 s10, $0x1;
	s10 =	sld [smem:$0x3FA2]  }
0x3d: {  	_ =	shalt  }
0x3e: {  	_ =	shalt  }
0x3f: {  	_ =	shalt  }
0x40: {  	_ =	shalt  }
0x41: {  	_ =	shalt  }
0x42: {  	_ =	shalt  }
0x43: {  	_ =	shalt  }
0x44: {  	_ =	shalt  }
0x45: {  	_ =	shalt  }
0x46: {  	_ =	shalt  }
0x47: {  	_ =	shalt  }
0x48: {  	_ =	shalt  }
0x49: {  	_ =	shalt  }
0x4a: {  	_ =	shalt  }
0x4b: {  	_ =	shalt  }
0x4c: {  	_ =	shalt  }
0x4d: {  	_ =	shalt  }
0x4e: {  	_ =	shalt  }
0x4f: {  	_ =	shalt  }
0x50: {  	_ =	shalt  }
0x51: {  	_ =	shalt  }
0x52: {  	_ =	shalt  }
0x53: {  	_ =	shalt  }
0x54: {  	_ =	shalt  }
0x55: {  	_ =	shalt  }
0x56: {  	_ =	shalt  }
0x57: {  	_ =	shalt  }
0x58: {  	_ =	shalt  }
0x59: {  	_ =	shalt  }
0x5a: {  	_ =	shalt  }
0x5b: {  	_ =	shalt  }
0x5c: {  	_ =	shalt  }
0x5d: {  	_ =	shalt  }
0x5e: {  	_ =	shalt  }
0x5f: {  	_ =	shalt  }
0x60: {  	_ =	shalt  }
0x61: {  	_ =	shalt  }
0x62: {  	_ =	shalt  }
0x63: {  	_ =	shalt  }
0x64: {  	_ =	shalt  }
0x65: {  	_ =	shalt  }
0x66: {  	_ =	shalt  }
0x67: {  	_ =	shalt  }
0x68: {  	_ =	shalt  }
0x69: {  	_ =	shalt  }
0x6a: {  	_ =	shalt  }
0x6b: {  	_ =	shalt  }
0x6c: {  	_ =	shalt  }
0x6d: {  	_ =	shalt  }
0x6e: {  	_ =	shalt  }
0x6f: {  	_ =	shalt  }
0x70: {  	_ =	shalt  }
0x71: {  	_ =	shalt  }
0x72: {  	_ =	shalt  }
0x73: {  	_ =	shalt  }
0x74: {  	_ =	shalt  }
0x75: {  	_ =	shalt  }
0x76: {  	_ =	shalt  }
0x77: {  	_ =	shalt  }
0x78: {  	_ =	shalt  }
0x79: {  	_ =	shalt  }
0x7a: {  	_ =	shalt  }
0x7b: {  	_ =	shalt  }
0x7c: {  	_ =	shalt  }
0x7d: {  	_ =	shalt  }
0x7e: {  	_ =	shalt  }
0x7f: {  	_ =	shalt  }
0x80: {  	_ =	shalt  }
0x81: {  	_ =	shalt  }
0x82: {  	_ =	shalt  }
0x83: {  	_ =	shalt  }
0x84: {  	_ =	shalt  }
0x85: {  	_ =	shalt  }
0x86: {  	_ =	shalt  }
0x87: {  	_ =	shalt  }
.Lfunc_end0:
.L_simem_size_0:
called_computation.2_lowered:
.L_overlay_start_0:
0x88: {  	s2 =	sld [smem:$0x3FD9]  }
0x89: {  	s3 =	sld [smem:$0x3FFE];
	_ =	sdelay $0x1  }
0x8a: {  	s1 =	srdreg.scid  }
0x8b: {  	s0 =	sand.u32 $0x1, s1  }
0x8c: {  	s17 =	sshll.u32 s0, $0xA;
	s2 =	sadd.s32 s3, s2  }
0x8d: {  	s2 =	sadd.s32 s2, s17  }
0x8e: {  	[smem:$0x3FAE] =	sst s2  }
0x8f: {  	_ = 	snop  }
0x90: {  	s2 =	sld [smem:$0x3FD0];
	(tm) =	ssettm $0x1  }
0x91: {  	s18 =	sld [smem:$0x3FFB];
	_ =	sdelay $0x3  }
0x92: {  	_ =	strace s18  }
0x93: {  	s3 =	sld [smem:$0x3FFC];
	_ =	sdelay $0x3  }
0x94: {  	_ =	strace s3  }
0x95: {  	s3 =	sld [smem:$0x3FFD];
	_ =	sdelay $0x3  }
0x96: {  	_ =	strace s3  }
0x97: {  	_ =	strace $0x8FFFFFFF  }
0x98: {  	s19 =	sld [smem:$0x3FDB];
	_ =	sdelay $0x1  }
0x99: {  	s4 =	simm.s32 $_scs_section_size  }
0x9a: {  	s5 =	simm.s32 $_size__tile_overlayer_lowered;
	s6 =	simm.s32 $_tile_overlayer_lowered  }
0x9b: {  	s22 =	simm.s32 $0x1BFF;
	s21 =	sshll.u32 s6, $0x1;
	s3 =	sadd.s32 s4, s19  }
0x9c: {  	s7 =	simm.s32 $0x0;
	s20 =	sshll.u32 s5, $0x1;
	s5 =	sadd.s32 s21, s3  }
0x9d: {  	[timem:s7], [sflag:s22] =	dma.local [hbm:s5], s20  }
0x9e: {  	_ =	swait.ge [sflag:s22], s20  }
0x9f: {  	s4 =	ssub.s32 $0x0, s20;
	[sflag:s22] =	ssyncset.done $0x0  }
0xa0: {  	[sflag:s22] =	ssyncadd.s32 s4;
	_ =	sdelay $0x1  }
0xa1: {  	s23 =	simm.s32 $0x1B8B  }
0xa2: {  	_ =	swait.ge [sflag:s23], $0x1  }
0xa3: {  	[sflag:s23] =	ssyncset.done $0x0  }
0xa4: {  	s25 =	simm.s32 $0x1B8E;
	s24 =	sld [smem:$0x3FFE];
	[sflag:s23] =	ssyncadd.s32 $0xFFFFFFFF  }
0xa5: {  	s26 =	simm.s32 $execute0_lowered;
	[smem:$0x3FD2] =	sst s25  }
0xa6: {  	s5 =	sshll.u32 s26, $0x1;
	_ =	strace $0x8000004C;
	[dreg:$0x1] =	wrdreg $0xFFFFFFFF  }
0xa7: {  	s28 =	simm.s32 $_size_execute0_lowered;
	s3 =	sadd.s32 s3, s5;
	[dreg:$0x0] =	wrdreg $0x0  }
0xa8: {  	s5 =	sshll.u32 s28, $0x1;
	[dreg:$0x2] =	wrdreg s3  }
0xa9: {  	[dreg:$0x3] =	wrdreg s5  }
0xaa: {  	[dreg:$0x4] =	wrdreg $0xC0  }
0xab: {  	_ =	task [dreg:s7], $0x5FFFF  }
0xac: {  	[dreg:$0x1] =	wrdreg $0xFFFFFFFF  }
0xad: {  	[dreg:$0x0] =	wrdreg $0x60  }
0xae: {  	[dreg:$0x2] =	wrdreg s2  }
0xaf: {  	[dreg:$0x3] =	wrdreg s24  }
0xb0: {  	[dreg:$0x4] =	wrdreg $0x4C900  }
0xb1: {  	[dreg:$0x5] =	wrdreg $0x9  }
0xb2: {  	_ =	task.clear_ibuf [dreg:s7], $0x6FFFF;
	_ =	strace $0x9000004C  }
0xb3: {  	s29 =	simm.s32 $0x9;
	_ =	strace $0x8000004E  }
0xb4: {  	_ =	swait.ge [sflag:s29], $0x1  }
0xb5: {  	[sflag:s29] =	ssyncadd.s32 $0xFFFFFFFF  }
0xb6: {  	_ =	strace $0x9000004E  }
0xb7: {  	_ =	sfence  }
0xb8: {  	s30 =	sld [smem:$0x0];
	_ =	sdelay $0x2  }
0xb9: {  	s31 =	sshll.u32 s1, $0xD;
	s1 =	sshrl.u32 s1, $0x2  }
0xba: {  	s3 =	sand.u32 $0x4000, s31;
	s1 =	sadd.s32 s1, s30  }
0xbb: {  	s0 =	sor.u32 s3, s0;
	s1 =	sshll.u32 s1, $0x11  }
0xbc: {  	s0 =	sor.u32 s1, s0  }
0xbd: {  	s0 =	sadd.s32 $0x8F2B, s0  }
0xbe: {  	[sflag:s0] =	ssyncadd.remote.s32 $0x1  }
0xbf: {  	_ =	sfence.sel $0xFFFF  }
0xc0: {  	[dreg:$0x0] =	wrdreg $0xFFFFFFFF;
	(pc) =	sbr.abs _section_cstart, $3  }
0xc1: {  	[dreg:$0x1] =	wrdreg $0xFFFFFFFF  }
0xc2: {  	_ =	task.clear_ibuf [dreg:s7], $0x2FFFF;
	_ =	strace $0x9FFFFFFF  }
0xc3: {  	(tm) =	ssettm $0x7FFFFFFF  }
tec
execute0_lowered:
.L_overlay_start_1:
0x0: {  	(tag) =	ssettag $0x1  }
0x1: {  	s1 =	rddreg [dreg:$0x0]  }
0x2: {  	s0 =	rddreg [dreg:$0x1]  }
0x3: {  	s2 =	rddreg [dreg:$0x2];
	s3 =	simm.s32 $0x0  }
0x4: {  	s4 =	srdreg.scid;
	s16 =	stileid.u32;
	s20 =	simm.s32 $0x66C00  }
0x5: {  	s22 =	simm.s32 $0x4000;
	s23 =	simm.s32 $0x4400;
	s24 =	simm.s32 $0x4800  }
0x6: {  	s28 =	simm.s32 $0x4200;
	s29 =	simm.s32 $0x4600;
	s30 =	simm.s32 $0x0  }
0x7: {  	s31 =	simm.s32 $0x0;
	[smem:$0x7FF] =	sst s3;
	s8 =	smul.u32 $0x61C00, s16  }
0x8: {  	s5 =	sadd.s32 $0x4A00, s0;
	s6 =	sadd.s32 $0x4E400, s0;
	s18 =	smul.u32 $0x18700, s16  }
0x9: {  	s4 =	sand.u32 $0x1, s4;
	s7 =	sadd.s32 $0x35A00, s0;
	s16 =	smul.u32 $0x31, s16  }
0xa: {  	_ =	strace $0x8000004D;
	s9 =	sshll.u32 s4, $0x4;
	s10 =	ssub.s32 $0x2, s4  }
0xb: {  	p0 =	seq.s32 s4, $0x1;
	s17 =	smul.u32 $0xC4000, s4;
	s11 =	sshrl.u32 s10, $0x1  }
0xc: {  	s8 =	sshrl.u32 s8, $0x2;
	s15 =	sadd.s32 s9, s0;
	s20 =	simm.s32 @!p0 $0x97A00  }
0xd: {  	s26 =	sshrl.u32 s18, $0x3;
	s19 =	ssub.s32 s10, s11;
	s14 =	sadd.s32 s8, s2  }
0xe: {  	s8 =	sadd.s32 s18, s2;
	s15 =	sadd.s32 $0x4E200, s15;
	s0 =	sadd.s32 s20, s0  }
0xf: {  	s20 =	simm.s32 $0x2;
	s25 =	sadd.s32 $0x4000, s14;
	s10 =	sadd.s32 $0x8000, s14  }
0x10: {  	s11 =	sadd.s32 $0xC000, s14;
	s12 =	sadd.s32 $0x10000, s14;
	s13 =	sadd.s32 $0x14000, s14  }
0x11: {  	s14 =	sadd.s32 $0x18000, s14;
	s18 =	smax.u32 s19, $0x1;
	s19 =	sadd.s32 s0, s26  }
0x12: {  	v0 =	vimm.f32 $0.0e+00;
	s26 =	simm.s32 $0x1;
	[dreg:$0x4] =	wrdreg s25;
	s25 =	simm.s32 $0x200  }
.LBB2_1:
0x13: {  	s0 =	simm.s32 $0x80;
	s4 =	simm.s32 $0x0  }
.LBB2_2:
0x14: {  	p0 =	sne.s32 s0, $0xFF80;
	[tilespmem:s4+$0x0] =	vst v0;
	s21 =	smov.u32 s0;
	s0 =	sadd.s32 $0x80, s0  }
.Ltmp0:
0x15: {  	[tilespmem:s4+$0x10] =	vst v0;
	(pc) =	sbr.rel @p0 .LBB2_2-.Ltmp0, $2  }
0x16: {  	_ =	sdelay $0x2  }
0x17: {  	s4 =	sshra.s32 s21, $0x2  }
0x18: {  	[tilespmem:s4+$0x0] =	vst v0  }
0x19: {  	[tilespmem:s4+$0x10] =	vst v0  }
0x1a: {  	[spmem:s8] =	stream.linear.scatter [tilespmem:s31], [sflag:$0x2], $0x4000, $0x38;
	[tilespmem:$0x1D390] =	vst v63  }
0x1b: {  	_ =	swait.ge [sflag:s20], $0x4000  }
0x1c: {  	[sflag:s20] =	ssyncset.done $0x0  }
0x1d: {  	s0 =	rddreg [dreg:$0x4];
	[sflag:s20] =	ssyncadd.s32 $0xFFFFC000  }
0x1e: {  	[spmem:s0] =	stream.linear.scatter [tilespmem:s31], [sflag:$0x2], $0x4000, $0x38;
	[tilespmem:$0x1D390] =	vst v63  }
0x1f: {  	_ =	swait.ge [sflag:s20], $0x4000  }
0x20: {  	[sflag:s20] =	ssyncset.done $0x0  }
0x21: {  	[sflag:s20] =	ssyncadd.s32 $0xFFFFC000  }
0x22: {  	[spmem:s10] =	stream.linear.scatter [tilespmem:s31], [sflag:$0x2], $0x4000, $0x38;
	[tilespmem:$0x1D390] =	vst v63  }
0x23: {  	_ =	swait.ge [sflag:s20], $0x4000  }
0x24: {  	[sflag:s20] =	ssyncset.done $0x0  }
0x25: {  	[sflag:s20] =	ssyncadd.s32 $0xFFFFC000  }
0x26: {  	[spmem:s11] =	stream.linear.scatter [tilespmem:s31], [sflag:$0x2], $0x4000, $0x38;
	[tilespmem:$0x1D390] =	vst v63  }
0x27: {  	_ =	swait.ge [sflag:s20], $0x4000  }
0x28: {  	[sflag:s20] =	ssyncset.done $0x0  }
0x29: {  	[sflag:s20] =	ssyncadd.s32 $0xFFFFC000  }
0x2a: {  	[spmem:s12] =	stream.linear.scatter [tilespmem:s31], [sflag:$0x2], $0x4000, $0x38;
	[tilespmem:$0x1D390] =	vst v63  }
0x2b: {  	_ =	swait.ge [sflag:s20], $0x4000  }
0x2c: {  	[sflag:s20] =	ssyncset.done $0x0  }
0x2d: {  	[sflag:s20] =	ssyncadd.s32 $0xFFFFC000  }
0x2e: {  	[spmem:s13] =	stream.linear.scatter [tilespmem:s31], [sflag:$0x2], $0x4000, $0x38;
	[tilespmem:$0x1D390] =	vst v63  }
0x2f: {  	_ =	swait.ge [sflag:s20], $0x4000  }
0x30: {  	[sflag:s20] =	ssyncset.done $0x0  }
0x31: {  	[sflag:s20] =	ssyncadd.s32 $0xFFFFC000  }
0x32: {  	[spmem:s14] =	stream.linear.scatter [tilespmem:s31], [sflag:$0x2], $0x700, $0x38;
	[tilespmem:$0x1D390] =	vst v63  }
0x33: {  	_ =	swait.ge [sflag:s20], $0x700  }
0x34: {  	[sflag:s20] =	ssyncset.done $0x0  }
0x35: {  	s21 =	simm.s32 $0x4C00;
	[sflag:s20] =	ssyncadd.s32 $0xFFFFF900  }
0x36: {  	[tilespmem:s21], [sflag:$0x2] =	stream.linear.gather [hbm4b:s15+s31], $0x80, $0x38;
	[tilespmem:$0x1D390] =	vst v63  }
0x37: {  	_ =	swait.ge [sflag:s20], $0x80  }
0x38: {  	[sflag:s20] =	ssyncset.done $0x0  }
0x39: {  	[sflag:s20] =	ssyncadd.s32 $0xFFFFFF80  }
0x3a: {  	s0 =	simm.s32 $0x0;
	[bflag:$0x0] =	sbarrier.arrive $0xFFFF  }
.LBB2_4:
0x3b: {  	s4 =	sadd.s32 s16, s0  }
0x3c: {  	s21 =	sshll.u32 s4, $0xA  }
0x3d: {  	s21 =	sadd.s32 s17, s21  }
0x3e: {  	s21 =	sshrl.u32 s21, $0x3  }
0x3f: {  	s21 =	sadd.s32 s5, s21  }
0x40: {  	[tilespmem:s22], [sflag:$0x2] =	stream.linear.gather [hbm4b:s21+s31], $0x400, $0x38;
	[tilespmem:$0x1D390] =	vst v63  }
0x41: {  	_ =	swait.ge [sflag:s20], $0x400  }
0x42: {  	s4 =	sshll.u32 s4, $0x7;
	[sflag:s20] =	ssyncset.done $0x0  }
0x43: {  	s9 =	sadd.s32 s6, s4;
	[sflag:s20] =	ssyncadd.s32 $0xFFFFFC00  }
0x44: {  	[tilespmem:s23], [sflag:$0x2] =	stream.linear.gather [hbm4b:s9+s31], $0x400, $0x38;
	[tilespmem:$0x1D390] =	vst v63  }
0x45: {  	_ =	swait.ge [sflag:s20], $0x400  }
0x46: {  	[sflag:s20] =	ssyncset.done $0x0  }
0x47: {  	s4 =	sadd.s32 s7, s4;
	[sflag:s20] =	ssyncadd.s32 $0xFFFFFC00  }
0x48: {  	[tilespmem:s24], [sflag:$0x2] =	stream.linear.gather [hbm4b:s4+s31], $0x400, $0x38;
	[tilespmem:$0x1D390] =	vst v63  }
0x49: {  	_ =	swait.ge [sflag:s20], $0x400  }
0x4a: {  	[sflag:s20] =	ssyncset.done $0x0  }
0x4b: {  	[sflag:s20] =	ssyncadd.s32 $0xFFFFFC00  }
0x4c: {  	v1 =	vimm.s32 $0x0;
	[tilespmem:s31], [sflag:$0x1] =	stream.indirect.gather [hbm4b:s1+s25], $0x20, s22, s25, $0xb8;
	[tilespmem:$0x1D390] =	vst v63  }
0x4d: {  	_ =	swait.ge [sflag:s26], $0x4000  }
0x4e: {  	[sflag:s26] =	ssyncset.done $0x0  }
0x4f: {  	[sflag:s26] =	ssyncadd.s32 $0xFFFFC000  }
0x50: {  	[tilespmem:$0x4C80] =	vst v1;
	v4 =	vld [tilespmem:$0x4C00]  }
0x51: {  	v3 =	vld.idx.msk [tilespmem:v1+s24+$0x0], $0xffff  }
0x52: {  	s21 =	simm.s32 $0x0;
	s4 =	simm.s32 $0x80;
	v2 =	vld [tilespmem:$0x4C10]  }
.LBB2_5:
0x53: {  	p0 =	sne.s32 s4, $0xFF80;
	_ =	sdelay $0x2  }
0x54: {  	v4 =	vmul.f32 v4, v3  }
0x55: {  	v2 =	vmul.f32 v2, v3  }
0x56: {  	v3 =	vmul.f32 $1.442695020e+00, v4  }
0x57: {  	v2 =	vmul.f32 $1.442695020e+00, v2  }
0x58: {  	(erf) = vpow2.f32 v3  }
0x59: {  	(erf) = vpow2.f32 v2;
	_ =	sdelay $0x7  }
0x5a: {  	v2 =	vpop (erf)  }
0x5b: {  	v2 =	vadd.f32 $1.000000000e+00, v2;
	v3 =	vpop (erf)  }
0x5c: {  	v3 =	vadd.f32 $1.000000000e+00, v3  }
0x5d: {  	(erf) = vrcp.f32 v2  }
0x5e: {  	(erf) = vrcp.f32 v3;
	_ =	sdelay $0x2  }
0x5f: {  	s9 =	sshra.s32 s21, $0x2;
	s21 =	smov.u32 s4  }
0x60: {  	v2 =	vld [tilespmem:s9+$0x0]  }
0x61: {  	v3 =	vld [tilespmem:s9+$0x10];
	_ =	sdelay $0x2  }
0x62: {  	v4 =	vpop (erf)  }
0x63: {  	v1 =	vadd.s32 $0x1, v1;
	v2 =	vmul.f32 v4, v2;
	v4 =	vpop (erf)  }
0x64: {  	v3 =	vmul.f32 v4, v3  }
0x65: {  	[tilespmem:s9+$0x0] =	vst v2  }
.Ltmp1:
0x66: {  	[tilespmem:s9+$0x10] =	vst v3;
	(pc) =	sbr.rel @p0 .LBB2_5-.Ltmp1, $4  }
0x67: {  	v2 =	vld [tilespmem:$0x4C10];
	[tilespmem:$0x4C80] =	vst v1  }
0x68: {  	v3 =	vld.idx.msk [tilespmem:v1+s24+$0x0], $0xffff  }
0x69: {  	v4 =	vld [tilespmem:$0x4C00]  }
0x6a: {  	s4 =	sadd.s32 $0x80, s4  }
0x6b: {  	_ =	sdelay $0x2  }
0x6c: {  	v4 =	vmul.f32 v4, v3  }
0x6d: {  	v2 =	vmul.f32 v2, v3  }
0x6e: {  	v3 =	vmul.f32 $1.442695020e+00, v4  }
0x6f: {  	v2 =	vmul.f32 $1.442695020e+00, v2  }
0x70: {  	(erf) = vpow2.f32 v3  }
0x71: {  	(erf) = vpow2.f32 v2;
	_ =	sdelay $0x7  }
0x72: {  	v2 =	vpop (erf)  }
0x73: {  	v2 =	vadd.f32 $1.000000000e+00, v2;
	v3 =	vpop (erf)  }
0x74: {  	v3 =	vadd.f32 $1.000000000e+00, v3  }
0x75: {  	(erf) = vrcp.f32 v2  }
0x76: {  	(erf) = vrcp.f32 v3;
	_ =	sdelay $0x2  }
0x77: {  	s4 =	sshra.s32 s21, $0x2  }
0x78: {  	v2 =	vld [tilespmem:s4+$0x0]  }
0x79: {  	v3 =	vld [tilespmem:s4+$0x10];
	_ =	sdelay $0x2  }
0x7a: {  	v4 =	vpop (erf)  }
0x7b: {  	v2 =	vmul.f32 v4, v2;
	v4 =	vpop (erf)  }
0x7c: {  	v3 =	vmul.f32 v4, v3  }
0x7d: {  	[tilespmem:s4+$0x0] =	vst v2  }
0x7e: {  	v1 =	vadd.s32 $0x1, v1;
	[tilespmem:s4+$0x10] =	vst v3  }
0x7f: {  	s21 =	simm.s32 $0x0;
	[tilespmem:$0x4C80] =	vst v1  }
0x80: {  	[spmem:s2] =	stream.indirect.scatter.add.f32 [tilespmem:s21], [sflag:$0x2], $0x20, s23, s25, $0xb8;
	[tilespmem:$0x1D390] =	vst v63  }
0x81: {  	_ =	swait.ge [sflag:s20], $0x4000  }
0x82: {  	[sflag:s20] =	ssyncset.done $0x0  }
0x83: {  	[sflag:s20] =	ssyncadd.s32 $0xFFFFC000  }
0x84: {  	v1 =	vimm.s32 $0x200;
	[tilespmem:s21], [sflag:$0x1] =	stream.indirect.gather [hbm4b:s1+s25], $0x20, s28, s25, $0xb8;
	[tilespmem:$0x1D390] =	vst v63  }
0x85: {  	_ =	swait.ge [sflag:s26], $0x4000  }
0x86: {  	[sflag:s26] =	ssyncset.done $0x0  }
0x87: {  	[sflag:s26] =	ssyncadd.s32 $0xFFFFC000  }
0x88: {  	[tilespmem:$0x4C80] =	vst v1;
	v4 =	vld [tilespmem:$0x4C00]  }
0x89: {  	v3 =	vld.idx.msk [tilespmem:v1+s24+$0x0], $0xffff  }
0x8a: {  	s4 =	simm.s32 $0x80;
	v2 =	vld [tilespmem:$0x4C10]  }
.LBB2_7:
0x8b: {  	p0 =	sne.s32 s4, $0xFF80;
	_ =	sdelay $0x2  }
0x8c: {  	v4 =	vmul.f32 v4, v3  }
0x8d: {  	v2 =	vmul.f32 v2, v3  }
0x8e: {  	v3 =	vmul.f32 $1.442695020e+00, v4  }
0x8f: {  	v2 =	vmul.f32 $1.442695020e+00, v2  }
0x90: {  	(erf) = vpow2.f32 v3  }
0x91: {  	(erf) = vpow2.f32 v2;
	_ =	sdelay $0x7  }
0x92: {  	v2 =	vpop (erf)  }
0x93: {  	v2 =	vadd.f32 $1.000000000e+00, v2;
	v3 =	vpop (erf)  }
0x94: {  	v3 =	vadd.f32 $1.000000000e+00, v3  }
0x95: {  	(erf) = vrcp.f32 v2  }
0x96: {  	(erf) = vrcp.f32 v3;
	_ =	sdelay $0x2  }
0x97: {  	s9 =	sshra.s32 s21, $0x2;
	s21 =	smov.u32 s4  }
0x98: {  	v2 =	vld [tilespmem:s9+$0x0]  }
0x99: {  	v3 =	vld [tilespmem:s9+$0x10];
	_ =	sdelay $0x2  }
0x9a: {  	v4 =	vpop (erf)  }
0x9b: {  	v1 =	vadd.s32 $0x1, v1;
	v2 =	vmul.f32 v4, v2;
	v4 =	vpop (erf)  }
0x9c: {  	v3 =	vmul.f32 v4, v3  }
0x9d: {  	[tilespmem:s9+$0x0] =	vst v2  }
.Ltmp2:
0x9e: {  	[tilespmem:s9+$0x10] =	vst v3;
	(pc) =	sbr.rel @p0 .LBB2_7-.Ltmp2, $4  }
0x9f: {  	v2 =	vld [tilespmem:$0x4C10];
	[tilespmem:$0x4C80] =	vst v1  }
0xa0: {  	v3 =	vld.idx.msk [tilespmem:v1+s24+$0x0], $0xffff  }
0xa1: {  	v4 =	vld [tilespmem:$0x4C00]  }
0xa2: {  	s4 =	sadd.s32 $0x80, s4  }
0xa3: {  	_ =	sdelay $0x2  }
0xa4: {  	v4 =	vmul.f32 v4, v3  }
0xa5: {  	v2 =	vmul.f32 v2, v3  }
0xa6: {  	v3 =	vmul.f32 $1.442695020e+00, v4  }
0xa7: {  	v2 =	vmul.f32 $1.442695020e+00, v2  }
0xa8: {  	(erf) = vpow2.f32 v3  }
0xa9: {  	(erf) = vpow2.f32 v2;
	_ =	sdelay $0x7  }
0xaa: {  	v2 =	vpop (erf)  }
0xab: {  	v2 =	vadd.f32 $1.000000000e+00, v2;
	v3 =	vpop (erf)  }
0xac: {  	v3 =	vadd.f32 $1.000000000e+00, v3  }
0xad: {  	(erf) = vrcp.f32 v2  }
0xae: {  	(erf) = vrcp.f32 v3;
	_ =	sdelay $0x2  }
0xaf: {  	s4 =	sshra.s32 s21, $0x2  }
0xb0: {  	v2 =	vld [tilespmem:s4+$0x0]  }
0xb1: {  	v3 =	vld [tilespmem:s4+$0x10];
	_ =	sdelay $0x2  }
0xb2: {  	v62 =	vpop (erf)  }
0xb3: {  	v2 =	vmul.f32 v62, v2;
	v63 =	vpop (erf)  }
0xb4: {  	v3 =	vmul.f32 v63, v3  }
0xb5: {  	s0 =	sadd.s32 $0x1, s0;
	[tilespmem:s4+$0x0] =	vst v2  }
0xb6: {  	v1 =	vadd.s32 $0x1, v1;
	p0 =	sne.s32 s0, $0x31;
	[tilespmem:s4+$0x10] =	vst v3  }
.Ltmp3:
0xb7: {  	[tilespmem:$0x4C80] =	vst v1;
	(pc) =	sbr.rel @p0 .LBB2_4-.Ltmp3, $4  }
0xb8: {  	[spmem:s2] =	stream.indirect.scatter.add.f32 [tilespmem:s3], [sflag:$0x2], $0x20, s29, s25, $0xb8;
	[tilespmem:$0x1D390] =	vst v63  }
0xb9: {  	_ =	swait.ge [sflag:s20], $0x4000  }
0xba: {  	[sflag:s20] =	ssyncset.done $0x0  }
0xbb: {  	[sflag:s20] =	ssyncadd.s32 $0xFFFFC000  }
0xbc: {  	s0 =	stileid.u32;
	s30 =	sadd.s32 $0x1, s30  }
0xbd: {  	[bflag:$0x0] =	sbarrier.arrive $0xFFFF;
	s0 =	sshll.u32 s0, $0x6;
	p0 =	sne.s32 s30, s18  }
.Ltmp4:
0xbe: {  	s4 =	sshrl.u32 s8, $0x3;
	s0 =	sor.u32 $0x1C02, s0;
	(pc) =	sbr.rel @p0 .LBB2_1-.Ltmp4, $4  }
0xbf: {  	[hbm:s19], [sflag:s0] =	dma.local [spmem:s4], $0x30E0  }
0xc0: {  	_ =	swait.ge [sflag:s20], $0x30E0  }
0xc1: {  	[sflag:s20] =	ssyncset.done $0x0  }
0xc2: {  	[sflag:s20] =	ssyncadd.s32 $0xFFFFCF20  }
0xc3: {  	_ =	sfence.sel $0x180000  }
0xc4: {  	[bflag:$0x0] =	sbarrier.arrive $0xFFFF  }
0xc5: {  	_ =	strace $0x9000004D  }
0xc6: {  	s0 =	stileid.u32;
	[bflag:$0x2] =	sbarrier.arrive $0xFFFF  }
0xc7: {  	p0 =	sne.s32 s0, $0x0;
	s0 =	rddreg [dreg:$0x3]  }
0xc8: {  	s0 =	sadd.s32 @!p0 $0x100000, s0  }
0xc9: {  	[sflag:s0] =	ssyncadd.tile.s32 @!p0 $0x1;
	_ =	shalt  }
.Lfunc_end2:
_tile_overlayer_lowered:
.L_overlay_start_2:
0xca: {  	(tag) =	ssettag $0x2  }
0xcb: {  	s0 =	rddreg [dreg:$0x0];
	s2 =	stileid.u32  }
0xcc: {  	s1 =	rddreg [dreg:$0x1];
	p0 =	sne.s32 s2, $0x0  }
0xcd: {  	s3 =	rddreg [dreg:$0x2];
	[bflag:$0x3] =	sbarrier.arrive $0xFFFF;
	s2 =	simm.s32 @!p0 $0x1C02  }
0xce: {  	[timem:s3], [sflag:s2] =	dma.local @!p0 [hbm:s0], s1  }
0xcf: {  	s0 =	simm.s32 @!p0 $0x2  }
0xd0: {  	_ =	swait.ge @!p0 [sflag:s0], s1  }
0xd1: {  	s1 =	ssub.s32 @!p0 $0x0, s1;
	[sflag:s0] =	ssyncset.done @!p0 $0x0  }
0xd2: {  	[sflag:s0] =	ssyncadd.s32 @!p0 s1  }
0xd3: {  	[bflag:$0x3] =	sbarrier.arrive $0xFFFF  }
0xd4: {  	_ =	shalt  }

</sc_bundles>
